<compile_context>
chip_gen: v7x
topology: tpu7x:2x2x1
jax: 0.10.2.dev20260603
libtpu: 0.0.44.dev20260713+nightly
codegen_flags: <defaults>
</compile_context>

<pallas_src>
import jax
import jax.numpy as jnp
from jax import lax
from jax.experimental import pallas as pl
from jax.experimental.pallas import tpu as pltpu
from jax.experimental.pallas import tpu_sc as plsc

N = 10000
NP = 10240
E = 320000
D = 128

NC = 2
NS = 16
NW = NC * NS
EPW = E // NW
B = 80
NB = EPW // B
RPT = NP // NS
DEGW = 16
DZR = 40


def _sc_agg_body(compute_deg, h_hbm, edge_hbm, agg_out, deg_out,
                 agg_sh, deg_sh, src0, dst0, src1, dst1, src2, dst2,
                 rows0, rows1, rows2, ones_v, dzbuf,
                 isem0, isem1, isem2, gsem0, gsem1, gsem2,
                 ssem0, ssem1, ssem2):
    cid = lax.axis_index("c")
    sid = lax.axis_index("s")
    wid = cid * NS + sid
    base = wid * EPW

    def _zb(i, _):
        r = i // (D // 16)
        c = i % (D // 16)
        rows0[r, pl.ds(c * 16, 16)] = jnp.zeros((16,), jnp.float32)
        return 0
    lax.fori_loop(0, B * (D // 16), _zb, 0)
    for j in range(RPT // B):
        pltpu.sync_copy(rows0, agg_sh.at[pl.ds(sid * RPT + j * B, B)])

    if compute_deg:
        def _ob(i, _):
            ones_v[i] = jnp.ones((16,), jnp.float32)
            return 0
        lax.fori_loop(0, B, _ob, 0)

        def _dz(i, _):
            dzbuf[i] = jnp.zeros((16,), jnp.float32)
            return 0
        lax.fori_loop(0, DZR, _dz, 0)
        for j in range(RPT // DZR):
            pltpu.sync_copy(dzbuf, deg_sh.at[pl.ds(sid * RPT + j * DZR, DZR)])

    plsc.subcore_barrier()

    slots = ((src0, dst0, rows0, isem0, gsem0, ssem0),
             (src1, dst1, rows1, isem1, gsem1, ssem1),
             (src2, dst2, rows2, isem2, gsem2, ssem2))

    def _idx_start(j, s):
        pltpu.async_copy(edge_hbm.at[pl.ds(base + j * B, B)], s[0], s[3])
        pltpu.async_copy(edge_hbm.at[pl.ds(E + base + j * B, B)], s[1], s[3])

    def _idx_wait(j, s):
        pltpu.make_async_copy(edge_hbm.at[pl.ds(base + j * B, B)], s[0],
                              s[3]).wait()
        pltpu.make_async_copy(edge_hbm.at[pl.ds(E + base + j * B, B)], s[1],
                              s[3]).wait()

    def _scatter_start(s):
        pltpu.async_copy(s[2], agg_sh.at[s[1]], s[5], add=True)
        if compute_deg:
            pltpu.async_copy(ones_v, deg_sh.at[s[1]], s[5], add=True)

    def _scatter_wait(s):
        pltpu.make_async_copy(s[2], agg_sh.at[s[1]], s[5]).wait()
        if compute_deg:
            pltpu.make_async_copy(ones_v, deg_sh.at[s[1]], s[5]).wait()

    _idx_start(0, slots[0])
    _idx_start(1, slots[1])
    _idx_wait(0, slots[0])
    pltpu.async_copy(h_hbm.at[slots[0][0]], slots[0][2], slots[0][4])

    def _step(k, s_cur, s_nxt, s_old):
        @pl.when(k + 1 < NB)
        def _():
            _idx_wait(k + 1, s_nxt)
            pltpu.async_copy(h_hbm.at[s_nxt[0]], s_nxt[2], s_nxt[4])
        pltpu.make_async_copy(h_hbm.at[s_cur[0]], s_cur[2], s_cur[4]).wait()
        _scatter_start(s_cur)
        @pl.when(k >= 1)
        def _():
            _scatter_wait(s_old)
        @pl.when(k + 2 < NB)
        def _():
            _idx_start(k + 2, s_old)

    def _tri(g, _):
        for m in range(3):
            k = 3 * g + m
            @pl.when(k < NB)
            def _():
                _step(k, slots[m], slots[(m + 1) % 3], slots[(m + 2) % 3])
        return 0
    lax.fori_loop(0, (NB + 2) // 3, _tri, 0)

    _scatter_wait(slots[(NB - 1) % 3])

    plsc.subcore_barrier()

    pltpu.sync_copy(agg_sh.at[pl.ds(sid * RPT, RPT)],
                    agg_out.at[cid, pl.ds(sid * RPT, RPT)])
    if compute_deg:
        pltpu.sync_copy(deg_sh.at[pl.ds(sid * RPT, RPT)],
                        deg_out.at[cid, pl.ds(sid * RPT, RPT)])


def _make_sc_agg(compute_deg):
    out_type = [jax.ShapeDtypeStruct((NC, NP, D), jnp.float32)]
    if compute_deg:
        out_type.append(jax.ShapeDtypeStruct((NC, NP, DEGW), jnp.float32))
    scratch = [
        pltpu.VMEM_SHARED((NP, D), jnp.float32),
        pltpu.VMEM_SHARED((NP, DEGW), jnp.float32),
        pltpu.VMEM((B,), jnp.int32),
        pltpu.VMEM((B,), jnp.int32),
        pltpu.VMEM((B,), jnp.int32),
        pltpu.VMEM((B,), jnp.int32),
        pltpu.VMEM((B,), jnp.int32),
        pltpu.VMEM((B,), jnp.int32),
        pltpu.VMEM((B, D), jnp.float32),
        pltpu.VMEM((B, D), jnp.float32),
        pltpu.VMEM((B, D), jnp.float32),
        pltpu.VMEM((B, DEGW), jnp.float32),
        pltpu.VMEM((DZR, DEGW), jnp.float32),
        pltpu.SemaphoreType.DMA,
        pltpu.SemaphoreType.DMA,
        pltpu.SemaphoreType.DMA,
        pltpu.SemaphoreType.DMA,
        pltpu.SemaphoreType.DMA,
        pltpu.SemaphoreType.DMA,
        pltpu.SemaphoreType.DMA,
        pltpu.SemaphoreType.DMA,
        pltpu.SemaphoreType.DMA,
    ]
    mesh = plsc.VectorSubcoreMesh(core_axis_name="c", subcore_axis_name="s")
    if compute_deg:
        def body(h, e, agg_o, deg_o, *s):
            _sc_agg_body(True, h, e, agg_o, deg_o, *s)
    else:
        def body(h, e, agg_o, *s):
            _sc_agg_body(False, h, e, agg_o, None, *s)
    return pl.kernel(body, out_type=out_type, mesh=mesh,
                     scratch_types=scratch,
                     compiler_params=pltpu.CompilerParams(
                         use_tc_tiling_on_sc=False))


_sc_agg_deg = _make_sc_agg(True)
_sc_agg = _make_sc_agg(False)


R = 5120


RB = R // 8


def _norm_agg(aggp, degp):
    agg = aggp[0] + aggp[1]
    d = degp[0] + degp[1]
    cc = lax.broadcasted_iota(jnp.int32, (128, 8), 0)
    kk = lax.broadcasted_iota(jnp.int32, (128, 8), 1)
    sel = (cc == kk * DEGW).astype(jnp.float32)
    dv = jnp.dot(d, sel, preferred_element_type=jnp.float32)
    dinv = 1.0 / jnp.maximum(dv, 1.0)
    a3 = agg.reshape(RB, 8, 128) * dinv[:, :, None]
    return a3.reshape(RB * 8, 128)


def _tc1_body(aggp, degp, w, b, out):
    h = jnp.dot(_norm_agg(aggp, degp), w[...],
                preferred_element_type=jnp.float32)
    out[...] = jnp.maximum(h + b[...], 0.0)


def _tc2_body(aggp, degp, w, b, lw1, lb1, lw2, lb2, out):
    h = jnp.dot(_norm_agg(aggp, degp), w[...],
                preferred_element_type=jnp.float32)
    h = jnp.maximum(h + b[...], 0.0)
    t = jnp.dot(h, lw1[...], preferred_element_type=jnp.float32) + lb1[...]
    out[...] = jnp.dot(t, lw2[...], preferred_element_type=jnp.float32) + lb2[...]


def _full(shape):
    return pl.BlockSpec(shape, lambda i: (0,) * len(shape))


_tc1 = pl.pallas_call(
    _tc1_body,
    grid=(NP // R,),
    in_specs=[
        pl.BlockSpec((NC, R, D), lambda i: (0, i, 0)),
        pl.BlockSpec((NC, RB, 128), lambda i: (0, i, 0)),
        _full((D, D)),
        _full((1, D)),
    ],
    out_specs=pl.BlockSpec((R, D), lambda i: (i, 0)),
    out_shape=jax.ShapeDtypeStruct((NP, D), jnp.float32),
)

_tc2 = pl.pallas_call(
    _tc2_body,
    grid=(NP // R,),
    in_specs=[
        pl.BlockSpec((NC, R, D), lambda i: (0, i, 0)),
        pl.BlockSpec((NC, RB, 128), lambda i: (0, i, 0)),
        _full((D, D)),
        _full((1, D)),
        _full((D, 256)),
        _full((1, 256)),
        _full((256, 64)),
        _full((1, 64)),
    ],
    out_specs=pl.BlockSpec((R, 64), lambda i: (i, 0)),
    out_shape=jax.ShapeDtypeStruct((N, 64), jnp.float32),
)


@jax.jit
def kernel(x, edge_index, W1, b1, W2, b2, LW1, Lb1, LW2, Lb2):
    edge_flat = edge_index.reshape(2 * E)
    aggp1, degp = _sc_agg_deg(x, edge_flat)
    degv = degp.reshape(NC, NP * DEGW // 128, 128)
    h1 = _tc1(aggp1, degv, W1, b1.reshape(1, D))
    aggp2, = _sc_agg(h1, edge_flat)
    out = _tc2(aggp2, degv, W2, b2.reshape(1, D), LW1, Lb1.reshape(1, 256),
               LW2, Lb2.reshape(1, 64))
    return out

# --- scband reference (transcript-rebuilt; emitter-appended) ---
"""Pipeline reference for scband-my-convolution-16767552323814 (READ-ONLY COPY).

The authoritative reference and input builder live on the scoring server;
editing this copy changes nothing except your own understanding.
"""

import jax, jax.numpy as jnp
import numpy as np

N = 10000
E = 320000
D_IN = 128
D_HID = 256
D_OUT = 64
BALL_CONV_LAYERS = 2


def setup_inputs(seed: int = 0) -> dict:
    key = jax.random.key(seed)
    ks = jax.random.split(key, 12)
    x = jax.random.normal(ks[0], (N, D_IN), dtype=jnp.float32)
    edge_index = jax.random.randint(ks[1], (2, E), 0, N, dtype=jnp.int32)
    s = 1.0 / np.sqrt(D_IN)
    W1 = jax.random.uniform(ks[2], (D_IN, D_IN), jnp.float32, -s, s)
    b1 = jnp.zeros((D_IN,), jnp.float32)
    W2 = jax.random.uniform(ks[3], (D_IN, D_IN), jnp.float32, -s, s)
    b2 = jnp.zeros((D_IN,), jnp.float32)
    LW1 = jax.random.uniform(ks[4], (D_IN, D_HID), jnp.float32, -s, s)
    Lb1 = jax.random.uniform(ks[5], (D_HID,), jnp.float32, -s, s)
    s2 = 1.0 / np.sqrt(D_HID)
    LW2 = jax.random.uniform(ks[6], (D_HID, D_OUT), jnp.float32, -s2, s2)
    Lb2 = jax.random.uniform(ks[7], (D_OUT,), jnp.float32, -s2, s2)
    return {"x": x, "edge_index": edge_index, "W1": W1, "b1": b1, "W2": W2,
            "b2": b2, "LW1": LW1, "Lb1": Lb1, "LW2": LW2, "Lb2": Lb2}


def _graph_conv_right(h, src, dst, W, b):
    # DGL GraphConv(norm='right', weight=True, activation=relu):
    # aggregate src features to dst, normalize by in-degree (clamped to 1),
    # apply linear transform + relu.
    msgs = h[src]
    agg = jax.ops.segment_sum(msgs, dst, num_segments=N)
    deg = jax.ops.segment_sum(jnp.ones((src.shape[0],), h.dtype), dst, num_segments=N)
    deg = jnp.clip(deg, 1.0)
    out = (agg / deg[:, None]) @ W + b
    return jax.nn.relu(out)


def reference(x, edge_index, W1, b1, W2, b2, LW1, Lb1, LW2, Lb2):
    src = edge_index[0]
    dst = edge_index[1]
    # HeteroGraphConv with a single etype and aggregate='mean' reduces to the
    # single GraphConv output (mean over one element is identity).
    h = x
    h = _graph_conv_right(h, src, dst, W1, b1)
    h = _graph_conv_right(h, src, dst, W2, b2)
    # classification head: Linear(in, hidden) then Linear(hidden, out)
    h = h @ LW1 + Lb1
    h = h @ LW2 + Lb2
    return h

if __name__ == "__main__":
    import jax
    _d = setup_inputs()
    print(jax.jit(kernel)(*tuple(_d.values())))

</pallas_src>

<mosaic_0001>
#map = affine_map<(d0, d1) -> (0, 0)>
#map1 = affine_map<(d0, d1) -> (0)>
#map2 = affine_map<(d0, d1) -> (0, 0, 0)>
module attributes {stable_mosaic.version = 14 : i64} {
  func.func @body(%arg0: i32, %arg1: i32, %arg2: memref<10240x128xf32, #tpu.memory_space<hbm>>, %arg3: memref<640000xi32, #tpu.memory_space<hbm>>, %arg4: memref<2x10240x128xf32, #tpu.memory_space<hbm>>, %arg5: memref<10240x128xf32, #tpu.memory_space<vmem_shared>>, %arg6: memref<10240x16xf32, #tpu.memory_space<vmem_shared>>, %arg7: memref<80xi32, #tpu.memory_space<vmem>>, %arg8: memref<80xi32, #tpu.memory_space<vmem>>, %arg9: memref<80xi32, #tpu.memory_space<vmem>>, %arg10: memref<80xi32, #tpu.memory_space<vmem>>, %arg11: memref<80xi32, #tpu.memory_space<vmem>>, %arg12: memref<80xi32, #tpu.memory_space<vmem>>, %arg13: memref<80x128xf32, #tpu.memory_space<vmem>>, %arg14: memref<80x128xf32, #tpu.memory_space<vmem>>, %arg15: memref<80x128xf32, #tpu.memory_space<vmem>>, %arg16: memref<80x16xf32, #tpu.memory_space<vmem>>, %arg17: memref<40x16xf32, #tpu.memory_space<vmem>>, %arg18: memref<!tpu.dma_semaphore, #tpu.memory_space<semaphore_mem>>, %arg19: memref<!tpu.dma_semaphore, #tpu.memory_space<semaphore_mem>>, %arg20: memref<!tpu.dma_semaphore, #tpu.memory_space<semaphore_mem>>, %arg21: memref<!tpu.dma_semaphore, #tpu.memory_space<semaphore_mem>>, %arg22: memref<!tpu.dma_semaphore, #tpu.memory_space<semaphore_mem>>, %arg23: memref<!tpu.dma_semaphore, #tpu.memory_space<semaphore_mem>>, %arg24: memref<!tpu.dma_semaphore, #tpu.memory_space<semaphore_mem>>, %arg25: memref<!tpu.dma_semaphore, #tpu.memory_space<semaphore_mem>>, %arg26: memref<!tpu.dma_semaphore, #tpu.memory_space<semaphore_mem>>) attributes {dimension_semantics = [#tpu.dimension_semantics<core_parallel>, #tpu.dimension_semantics<subcore_parallel>], iteration_bounds = array<i64: 2, 16>, scalar_prefetch = 0 : i64, scratch_operands = 22 : i64, tpu.core_type = #tpu.core_type<sc_vector_subcore>, window_params = [{transform_indices = #map}, {transform_indices = #map1}, {transform_indices = #map2}]} {
    %mul3A = arith.constant 16 : i32
    %mul3A_0 = arith.muli %arg0, %mul3A : i32
    %add3A = arith.addi %mul3A_0, %arg1 : i32
    %mul3A_1 = arith.constant 10000 : i32
    %mul3A_2 = arith.muli %add3A, %mul3A_1 : i32
    %scan3A = arith.constant 0 : i32
    %scan3A_3 = arith.constant 0 : i32
    %scan3A_4 = arith.constant 640 : i32
    %scan3A_5 = arith.addi %scan3A_3, %scan3A_4 : i32
    %scan3A_6 = arith.constant 1 : i32
    %scan3A_7 = scf.for %scan3A_87 = %scan3A_3 to %scan3A_5 step %scan3A_6 iter_args(%scan3A_88 = %scan3A) -> (i32)  : i32 {
      %jit3A = arith.constant 8 : i32
      %div3A = arith.divsi %scan3A_87, %jit3A : i32
      %sign3A = arith.constant 0 : i32
      %sign3A_89 = arith.cmpi sgt, %scan3A_87, %sign3A : i32
      %sign3A_90 = arith.extui %sign3A_89 : i1 to i32
      %sign3A_91 = arith.constant 0 : i32
      %sign3A_92 = arith.cmpi slt, %scan3A_87, %sign3A_91 : i32
      %sign3A_93 = arith.extui %sign3A_92 : i1 to i32
      %sign3A_94 = arith.subi %sign3A_90, %sign3A_93 : i32
      %sign3A_95 = arith.constant 0 : i32
      %sign3A_96 = arith.cmpi sgt, %jit3A, %sign3A_95 : i32
      %sign3A_97 = arith.extui %sign3A_96 : i1 to i32
      %sign3A_98 = arith.constant 0 : i32
      %sign3A_99 = arith.cmpi slt, %jit3A, %sign3A_98 : i32
      %sign3A_100 = arith.extui %sign3A_99 : i1 to i32
      %sign3A_101 = arith.subi %sign3A_97, %sign3A_100 : i32
      %ne3A = arith.cmpi ne, %sign3A_94, %sign3A_101 : i32
      %rem3A = arith.remsi %scan3A_87, %jit3A : i32
      %ne3A_102 = arith.constant 0 : i32
      %ne3A_103 = arith.cmpi ne, %rem3A, %ne3A_102 : i32
      %and3A = arith.andi %ne3A, %ne3A_103 : i1
      %sub3A = arith.constant 1 : i32
      %sub3A_104 = arith.subi %div3A, %sub3A : i32
      %select_n3A = arith.select %and3A, %sub3A_104, %div3A : i32
      %jit3A_105 = arith.constant 8 : i32
      %eq3A = arith.constant 0 : i32
      %eq3A_106 = arith.cmpi eq, %jit3A_105, %eq3A : i32
      %jit3A_107 = arith.constant 1 : i32
      %select_n3A_108 = arith.select %eq3A_106, %jit3A_107, %jit3A_105 : i32
      %rem3A_109 = arith.remsi %scan3A_87, %select_n3A_108 : i32
      %ne3A_110 = arith.constant 0 : i32
      %ne3A_111 = arith.cmpi ne, %rem3A_109, %ne3A_110 : i32
      %lt3A = arith.constant 0 : i32
      %lt3A_112 = arith.cmpi slt, %rem3A_109, %lt3A : i32
      %lt3A_113 = arith.constant 0 : i32
      %lt3A_114 = arith.cmpi slt, %select_n3A_108, %lt3A_113 : i32
      %ne3A_115 = arith.xori %lt3A_112, %lt3A_114 : i1
      %and3A_116 = arith.andi %ne3A_115, %ne3A_111 : i1
      %add3A_117 = arith.addi %rem3A_109, %select_n3A_108 : i32
      %select_n3A_118 = arith.select %and3A_116, %add3A_117, %rem3A_109 : i32
      %broadcast_in_dim3A = arith.constant 0.000000e+00 : f32
      %broadcast_in_dim3A_119 = vector.broadcast %broadcast_in_dim3A : f32 to vector<16xf32>
      %mul3A_120 = arith.constant 16 : i32
      %mul3A_121 = arith.muli %select_n3A_118, %mul3A_120 : i32
      %swap3A = arith.index_cast %select_n3A : i32 to index
      %swap3A_122 = arith.index_cast %mul3A_121 : i32 to index
      %swap3A_123 = tpu.vector_load %arg13[%swap3A, %swap3A_122] {strides = array<i32>} : memref<80x128xf32, #tpu.memory_space<vmem>>, vector<1x16xf32>,
      %swap3A_124 = vector.shape_cast %swap3A_123 : vector<1x16xf32> to vector<16xf32>
      %swap3A_125 = vector.shape_cast %broadcast_in_dim3A_119 : vector<16xf32> to vector<1x16xf32>
      tpu.vector_store %arg13[%swap3A, %swap3A_122], %swap3A_125 {strides = array<i32>} : memref<80x128xf32, #tpu.memory_space<vmem>>, vector<1x16xf32>,
      %scan3A_126 = arith.constant 0 : i32
      scf.yield %scan3A_126 : i32
    }
    %scan3A_8 = arith.constant 640 : i32
    %mul3A_9 = arith.constant 640 : i32
    %mul3A_10 = arith.muli %arg1, %mul3A_9 : i32
    %add3A_11 = arith.constant 0 : i32
    %add3A_12 = arith.addi %mul3A_10, %add3A_11 : i32
    "tpu.region"() ({
      %run_scoped3A = tpu.sem_alloc : memref<!tpu.dma_semaphore, #tpu.memory_space<semaphore_mem>>
      %dma_start3A_87 = arith.constant 0 : i32
      %dma_start3A_88 = tpu.memref_slice %arg5[%add3A_12, %dma_start3A_87] : memref<10240x128xf32, #tpu.memory_space<vmem_shared>> -> memref<80x128xf32, #tpu.memory_space<vmem_shared>>
      %dma_start3A_89 = arith.constant 0 : i32
      %dma_start3A_90 = tpu.memref_slice %arg5[%add3A_12, %dma_start3A_89] : memref<10240x128xf32, #tpu.memory_space<vmem_shared>> -> memref<80x128xf32, #tpu.memory_space<vmem_shared>>
      tpu.enqueue_dma source(%arg13 : memref<80x128xf32, #tpu.memory_space<vmem>>) target(%dma_start3A_90 : memref<80x128xf32, #tpu.memory_space<vmem_shared>>) target_semaphore(%run_scoped3A : memref<!tpu.dma_semaphore, #tpu.memory_space<semaphore_mem>>)
      %dma_wait3A_91 = arith.constant 0 : i32
      %dma_wait3A_92 = tpu.memref_slice %arg5[%add3A_12, %dma_wait3A_91] : memref<10240x128xf32, #tpu.memory_space<vmem_shared>> -> memref<80x128xf32, #tpu.memory_space<vmem_shared>>
      %dma_wait3A_93 = arith.constant 0 : i32
      %dma_wait3A_94 = tpu.memref_slice %arg5[%add3A_12, %dma_wait3A_93] : memref<10240x128xf32, #tpu.memory_space<vmem_shared>> -> memref<80x128xf32, #tpu.memory_space<vmem_shared>>
      tpu.wait_dma2 semaphore(%run_scoped3A : memref<!tpu.dma_semaphore, #tpu.memory_space<semaphore_mem>>) src(%arg13 : memref<80x128xf32, #tpu.memory_space<vmem>>) dst(%dma_wait3A_94 : memref<80x128xf32, #tpu.memory_space<vmem_shared>>)
      tpu.yield
    }) : () -> ()
    %mul3A_13 = arith.constant 640 : i32
    %mul3A_14 = arith.muli %arg1, %mul3A_13 : i32
    %add3A_15 = arith.constant 80 : i32
    %add3A_16 = arith.addi %mul3A_14, %add3A_15 : i32
    "tpu.region"() ({
      %run_scoped3A = tpu.sem_alloc : memref<!tpu.dma_semaphore, #tpu.memory_space<semaphore_mem>>
      %dma_start3A_87 = arith.constant 0 : i32
      %dma_start3A_88 = tpu.memref_slice %arg5[%add3A_16, %dma_start3A_87] : memref<10240x128xf32, #tpu.memory_space<vmem_shared>> -> memref<80x128xf32, #tpu.memory_space<vmem_shared>>
      %dma_start3A_89 = arith.constant 0 : i32
      %dma_start3A_90 = tpu.memref_slice %arg5[%add3A_16, %dma_start3A_89] : memref<10240x128xf32, #tpu.memory_space<vmem_shared>> -> memref<80x128xf32, #tpu.memory_space<vmem_shared>>
      tpu.enqueue_dma source(%arg13 : memref<80x128xf32, #tpu.memory_space<vmem>>) target(%dma_start3A_90 : memref<80x128xf32, #tpu.memory_space<vmem_shared>>) target_semaphore(%run_scoped3A : memref<!tpu.dma_semaphore, #tpu.memory_space<semaphore_mem>>)
      %dma_wait3A_91 = arith.constant 0 : i32
      %dma_wait3A_92 = tpu.memref_slice %arg5[%add3A_16, %dma_wait3A_91] : memref<10240x128xf32, #tpu.memory_space<vmem_shared>> -> memref<80x128xf32, #tpu.memory_space<vmem_shared>>
      %dma_wait3A_93 = arith.constant 0 : i32
      %dma_wait3A_94 = tpu.memref_slice %arg5[%add3A_16, %dma_wait3A_93] : memref<10240x128xf32, #tpu.memory_space<vmem_shared>> -> memref<80x128xf32, #tpu.memory_space<vmem_shared>>
      tpu.wait_dma2 semaphore(%run_scoped3A : memref<!tpu.dma_semaphore, #tpu.memory_space<semaphore_mem>>) src(%arg13 : memref<80x128xf32, #tpu.memory_space<vmem>>) dst(%dma_wait3A_94 : memref<80x128xf32, #tpu.memory_space<vmem_shared>>)
      tpu.yield
    }) : () -> ()
    %mul3A_17 = arith.constant 640 : i32
    %mul3A_18 = arith.muli %arg1, %mul3A_17 : i32
    %add3A_19 = arith.constant 160 : i32
    %add3A_20 = arith.addi %mul3A_18, %add3A_19 : i32
    "tpu.region"() ({
      %run_scoped3A = tpu.sem_alloc : memref<!tpu.dma_semaphore, #tpu.memory_space<semaphore_mem>>
      %dma_start3A_87 = arith.constant 0 : i32
      %dma_start3A_88 = tpu.memref_slice %arg5[%add3A_20, %dma_start3A_87] : memref<10240x128xf32, #tpu.memory_space<vmem_shared>> -> memref<80x128xf32, #tpu.memory_space<vmem_shared>>
      %dma_start3A_89 = arith.constant 0 : i32
      %dma_start3A_90 = tpu.memref_slice %arg5[%add3A_20, %dma_start3A_89] : memref<10240x128xf32, #tpu.memory_space<vmem_shared>> -> memref<80x128xf32, #tpu.memory_space<vmem_shared>>
      tpu.enqueue_dma source(%arg13 : memref<80x128xf32, #tpu.memory_space<vmem>>) target(%dma_start3A_90 : memref<80x128xf32, #tpu.memory_space<vmem_shared>>) target_semaphore(%run_scoped3A : memref<!tpu.dma_semaphore, #tpu.memory_space<semaphore_mem>>)
      %dma_wait3A_91 = arith.constant 0 : i32
      %dma_wait3A_92 = tpu.memref_slice %arg5[%add3A_20, %dma_wait3A_91] : memref<10240x128xf32, #tpu.memory_space<vmem_shared>> -> memref<80x128xf32, #tpu.memory_space<vmem_shared>>
      %dma_wait3A_93 = arith.constant 0 : i32
      %dma_wait3A_94 = tpu.memref_slice %arg5[%add3A_20, %dma_wait3A_93] : memref<10240x128xf32, #tpu.memory_space<vmem_shared>> -> memref<80x128xf32, #tpu.memory_space<vmem_shared>>
      tpu.wait_dma2 semaphore(%run_scoped3A : memref<!tpu.dma_semaphore, #tpu.memory_space<semaphore_mem>>) src(%arg13 : memref<80x128xf32, #tpu.memory_space<vmem>>) dst(%dma_wait3A_94 : memref<80x128xf32, #tpu.memory_space<vmem_shared>>)
      tpu.yield
    }) : () -> ()
    %mul3A_21 = arith.constant 640 : i32
    %mul3A_22 = arith.muli %arg1, %mul3A_21 : i32
    %add3A_23 = arith.constant 240 : i32
    %add3A_24 = arith.addi %mul3A_22, %add3A_23 : i32
    "tpu.region"() ({
      %run_scoped3A = tpu.sem_alloc : memref<!tpu.dma_semaphore, #tpu.memory_space<semaphore_mem>>
      %dma_start3A_87 = arith.constant 0 : i32
      %dma_start3A_88 = tpu.memref_slice %arg5[%add3A_24, %dma_start3A_87] : memref<10240x128xf32, #tpu.memory_space<vmem_shared>> -> memref<80x128xf32, #tpu.memory_space<vmem_shared>>
      %dma_start3A_89 = arith.constant 0 : i32
      %dma_start3A_90 = tpu.memref_slice %arg5[%add3A_24, %dma_start3A_89] : memref<10240x128xf32, #tpu.memory_space<vmem_shared>> -> memref<80x128xf32, #tpu.memory_space<vmem_shared>>
      tpu.enqueue_dma source(%arg13 : memref<80x128xf32, #tpu.memory_space<vmem>>) target(%dma_start3A_90 : memref<80x128xf32, #tpu.memory_space<vmem_shared>>) target_semaphore(%run_scoped3A : memref<!tpu.dma_semaphore, #tpu.memory_space<semaphore_mem>>)
      %dma_wait3A_91 = arith.constant 0 : i32
      %dma_wait3A_92 = tpu.memref_slice %arg5[%add3A_24, %dma_wait3A_91] : memref<10240x128xf32, #tpu.memory_space<vmem_shared>> -> memref<80x128xf32, #tpu.memory_space<vmem_shared>>
      %dma_wait3A_93 = arith.constant 0 : i32
      %dma_wait3A_94 = tpu.memref_slice %arg5[%add3A_24, %dma_wait3A_93] : memref<10240x128xf32, #tpu.memory_space<vmem_shared>> -> memref<80x128xf32, #tpu.memory_space<vmem_shared>>
      tpu.wait_dma2 semaphore(%run_scoped3A : memref<!tpu.dma_semaphore, #tpu.memory_space<semaphore_mem>>) src(%arg13 : memref<80x128xf32, #tpu.memory_space<vmem>>) dst(%dma_wait3A_94 : memref<80x128xf32, #tpu.memory_space<vmem_shared>>)
      tpu.yield
    }) : () -> ()
    %mul3A_25 = arith.constant 640 : i32
    %mul3A_26 = arith.muli %arg1, %mul3A_25 : i32
    %add3A_27 = arith.constant 320 : i32
    %add3A_28 = arith.addi %mul3A_26, %add3A_27 : i32
    "tpu.region"() ({
      %run_scoped3A = tpu.sem_alloc : memref<!tpu.dma_semaphore, #tpu.memory_space<semaphore_mem>>
      %dma_start3A_87 = arith.constant 0 : i32
      %dma_start3A_88 = tpu.memref_slice %arg5[%add3A_28, %dma_start3A_87] : memref<10240x128xf32, #tpu.memory_space<vmem_shared>> -> memref<80x128xf32, #tpu.memory_space<vmem_shared>>
      %dma_start3A_89 = arith.constant 0 : i32
      %dma_start3A_90 = tpu.memref_slice %arg5[%add3A_28, %dma_start3A_89] : memref<10240x128xf32, #tpu.memory_space<vmem_shared>> -> memref<80x128xf32, #tpu.memory_space<vmem_shared>>
      tpu.enqueue_dma source(%arg13 : memref<80x128xf32, #tpu.memory_space<vmem>>) target(%dma_start3A_90 : memref<80x128xf32, #tpu.memory_space<vmem_shared>>) target_semaphore(%run_scoped3A : memref<!tpu.dma_semaphore, #tpu.memory_space<semaphore_mem>>)
      %dma_wait3A_91 = arith.constant 0 : i32
      %dma_wait3A_92 = tpu.memref_slice %arg5[%add3A_28, %dma_wait3A_91] : memref<10240x128xf32, #tpu.memory_space<vmem_shared>> -> memref<80x128xf32, #tpu.memory_space<vmem_shared>>
      %dma_wait3A_93 = arith.constant 0 : i32
      %dma_wait3A_94 = tpu.memref_slice %arg5[%add3A_28, %dma_wait3A_93] : memref<10240x128xf32, #tpu.memory_space<vmem_shared>> -> memref<80x128xf32, #tpu.memory_space<vmem_shared>>
      tpu.wait_dma2 semaphore(%run_scoped3A : memref<!tpu.dma_semaphore, #tpu.memory_space<semaphore_mem>>) src(%arg13 : memref<80x128xf32, #tpu.memory_space<vmem>>) dst(%dma_wait3A_94 : memref<80x128xf32, #tpu.memory_space<vmem_shared>>)
      tpu.yield
    }) : () -> ()
    %mul3A_29 = arith.constant 640 : i32
    %mul3A_30 = arith.muli %arg1, %mul3A_29 : i32
    %add3A_31 = arith.constant 400 : i32
    %add3A_32 = arith.addi %mul3A_30, %add3A_31 : i32
    "tpu.region"() ({
      %run_scoped3A = tpu.sem_alloc : memref<!tpu.dma_semaphore, #tpu.memory_space<semaphore_mem>>
      %dma_start3A_87 = arith.constant 0 : i32
      %dma_start3A_88 = tpu.memref_slice %arg5[%add3A_32, %dma_start3A_87] : memref<10240x128xf32, #tpu.memory_space<vmem_shared>> -> memref<80x128xf32, #tpu.memory_space<vmem_shared>>
      %dma_start3A_89 = arith.constant 0 : i32
      %dma_start3A_90 = tpu.memref_slice %arg5[%add3A_32, %dma_start3A_89] : memref<10240x128xf32, #tpu.memory_space<vmem_shared>> -> memref<80x128xf32, #tpu.memory_space<vmem_shared>>
      tpu.enqueue_dma source(%arg13 : memref<80x128xf32, #tpu.memory_space<vmem>>) target(%dma_start3A_90 : memref<80x128xf32, #tpu.memory_space<vmem_shared>>) target_semaphore(%run_scoped3A : memref<!tpu.dma_semaphore, #tpu.memory_space<semaphore_mem>>)
      %dma_wait3A_91 = arith.constant 0 : i32
      %dma_wait3A_92 = tpu.memref_slice %arg5[%add3A_32, %dma_wait3A_91] : memref<10240x128xf32, #tpu.memory_space<vmem_shared>> -> memref<80x128xf32, #tpu.memory_space<vmem_shared>>
      %dma_wait3A_93 = arith.constant 0 : i32
      %dma_wait3A_94 = tpu.memref_slice %arg5[%add3A_32, %dma_wait3A_93] : memref<10240x128xf32, #tpu.memory_space<vmem_shared>> -> memref<80x128xf32, #tpu.memory_space<vmem_shared>>
      tpu.wait_dma2 semaphore(%run_scoped3A : memref<!tpu.dma_semaphore, #tpu.memory_space<semaphore_mem>>) src(%arg13 : memref<80x128xf32, #tpu.memory_space<vmem>>) dst(%dma_wait3A_94 : memref<80x128xf32, #tpu.memory_space<vmem_shared>>)
      tpu.yield
    }) : () -> ()
    %mul3A_33 = arith.constant 640 : i32
    %mul3A_34 = arith.muli %arg1, %mul3A_33 : i32
    %add3A_35 = arith.constant 480 : i32
    %add3A_36 = arith.addi %mul3A_34, %add3A_35 : i32
    "tpu.region"() ({
      %run_scoped3A = tpu.sem_alloc : memref<!tpu.dma_semaphore, #tpu.memory_space<semaphore_mem>>
      %dma_start3A_87 = arith.constant 0 : i32
      %dma_start3A_88 = tpu.memref_slice %arg5[%add3A_36, %dma_start3A_87] : memref<10240x128xf32, #tpu.memory_space<vmem_shared>> -> memref<80x128xf32, #tpu.memory_space<vmem_shared>>
      %dma_start3A_89 = arith.constant 0 : i32
      %dma_start3A_90 = tpu.memref_slice %arg5[%add3A_36, %dma_start3A_89] : memref<10240x128xf32, #tpu.memory_space<vmem_shared>> -> memref<80x128xf32, #tpu.memory_space<vmem_shared>>
      tpu.enqueue_dma source(%arg13 : memref<80x128xf32, #tpu.memory_space<vmem>>) target(%dma_start3A_90 : memref<80x128xf32, #tpu.memory_space<vmem_shared>>) target_semaphore(%run_scoped3A : memref<!tpu.dma_semaphore, #tpu.memory_space<semaphore_mem>>)
      %dma_wait3A_91 = arith.constant 0 : i32
      %dma_wait3A_92 = tpu.memref_slice %arg5[%add3A_36, %dma_wait3A_91] : memref<10240x128xf32, #tpu.memory_space<vmem_shared>> -> memref<80x128xf32, #tpu.memory_space<vmem_shared>>
      %dma_wait3A_93 = arith.constant 0 : i32
      %dma_wait3A_94 = tpu.memref_slice %arg5[%add3A_36, %dma_wait3A_93] : memref<10240x128xf32, #tpu.memory_space<vmem_shared>> -> memref<80x128xf32, #tpu.memory_space<vmem_shared>>
      tpu.wait_dma2 semaphore(%run_scoped3A : memref<!tpu.dma_semaphore, #tpu.memory_space<semaphore_mem>>) src(%arg13 : memref<80x128xf32, #tpu.memory_space<vmem>>) dst(%dma_wait3A_94 : memref<80x128xf32, #tpu.memory_space<vmem_shared>>)
      tpu.yield
    }) : () -> ()
    %mul3A_37 = arith.constant 640 : i32
    %mul3A_38 = arith.muli %arg1, %mul3A_37 : i32
    %add3A_39 = arith.constant 560 : i32
    %add3A_40 = arith.addi %mul3A_38, %add3A_39 : i32
    "tpu.region"() ({
      %run_scoped3A = tpu.sem_alloc : memref<!tpu.dma_semaphore, #tpu.memory_space<semaphore_mem>>
      %dma_start3A_87 = arith.constant 0 : i32
      %dma_start3A_88 = tpu.memref_slice %arg5[%add3A_40, %dma_start3A_87] : memref<10240x128xf32, #tpu.memory_space<vmem_shared>> -> memref<80x128xf32, #tpu.memory_space<vmem_shared>>
      %dma_start3A_89 = arith.constant 0 : i32
      %dma_start3A_90 = tpu.memref_slice %arg5[%add3A_40, %dma_start3A_89] : memref<10240x128xf32, #tpu.memory_space<vmem_shared>> -> memref<80x128xf32, #tpu.memory_space<vmem_shared>>
      tpu.enqueue_dma source(%arg13 : memref<80x128xf32, #tpu.memory_space<vmem>>) target(%dma_start3A_90 : memref<80x128xf32, #tpu.memory_space<vmem_shared>>) target_semaphore(%run_scoped3A : memref<!tpu.dma_semaphore, #tpu.memory_space<semaphore_mem>>)
      %dma_wait3A_91 = arith.constant 0 : i32
      %dma_wait3A_92 = tpu.memref_slice %arg5[%add3A_40, %dma_wait3A_91] : memref<10240x128xf32, #tpu.memory_space<vmem_shared>> -> memref<80x128xf32, #tpu.memory_space<vmem_shared>>
      %dma_wait3A_93 = arith.constant 0 : i32
      %dma_wait3A_94 = tpu.memref_slice %arg5[%add3A_40, %dma_wait3A_93] : memref<10240x128xf32, #tpu.memory_space<vmem_shared>> -> memref<80x128xf32, #tpu.memory_space<vmem_shared>>
      tpu.wait_dma2 semaphore(%run_scoped3A : memref<!tpu.dma_semaphore, #tpu.memory_space<semaphore_mem>>) src(%arg13 : memref<80x128xf32, #tpu.memory_space<vmem>>) dst(%dma_wait3A_94 : memref<80x128xf32, #tpu.memory_space<vmem_shared>>)
      tpu.yield
    }) : () -> ()
    %barrier3A = arith.constant 0 : index
    tpu.barrier barrier_id(%barrier3A)
    %add3A_41 = arith.constant 0 : i32
    %add3A_42 = arith.addi %mul3A_2, %add3A_41 : i32
    %dma_start3A = tpu.memref_slice %arg3[%add3A_42] : memref<640000xi32, #tpu.memory_space<hbm>> -> memref<80xi32, #tpu.memory_space<hbm>>
    %dma_start3A_43 = tpu.memref_slice %arg3[%add3A_42] : memref<640000xi32, #tpu.memory_space<hbm>> -> memref<80xi32, #tpu.memory_space<hbm>>
    tpu.enqueue_dma source(%dma_start3A_43 : memref<80xi32, #tpu.memory_space<hbm>>) target(%arg7 : memref<80xi32, #tpu.memory_space<vmem>>) target_semaphore(%arg18 : memref<!tpu.dma_semaphore, #tpu.memory_space<semaphore_mem>>)
    %add3A_44 = arith.constant 320000 : i32
    %add3A_45 = arith.addi %add3A_44, %mul3A_2 : i32
    %add3A_46 = arith.constant 0 : i32
    %add3A_47 = arith.addi %add3A_45, %add3A_46 : i32
    %dma_start3A_48 = tpu.memref_slice %arg3[%add3A_47] : memref<640000xi32, #tpu.memory_space<hbm>> -> memref<80xi32, #tpu.memory_space<hbm>>
    %dma_start3A_49 = tpu.memref_slice %arg3[%add3A_47] : memref<640000xi32, #tpu.memory_space<hbm>> -> memref<80xi32, #tpu.memory_space<hbm>>
    tpu.enqueue_dma source(%dma_start3A_49 : memref<80xi32, #tpu.memory_space<hbm>>) target(%arg8 : memref<80xi32, #tpu.memory_space<vmem>>) target_semaphore(%arg18 : memref<!tpu.dma_semaphore, #tpu.memory_space<semaphore_mem>>)
    %add3A_50 = arith.constant 80 : i32
    %add3A_51 = arith.addi %mul3A_2, %add3A_50 : i32
    %dma_start3A_52 = tpu.memref_slice %arg3[%add3A_51] : memref<640000xi32, #tpu.memory_space<hbm>> -> memref<80xi32, #tpu.memory_space<hbm>>
    %dma_start3A_53 = tpu.memref_slice %arg3[%add3A_51] : memref<640000xi32, #tpu.memory_space<hbm>> -> memref<80xi32, #tpu.memory_space<hbm>>
    tpu.enqueue_dma source(%dma_start3A_53 : memref<80xi32, #tpu.memory_space<hbm>>) target(%arg9 : memref<80xi32, #tpu.memory_space<vmem>>) target_semaphore(%arg19 : memref<!tpu.dma_semaphore, #tpu.memory_space<semaphore_mem>>)
    %add3A_54 = arith.constant 320000 : i32
    %add3A_55 = arith.addi %add3A_54, %mul3A_2 : i32
    %add3A_56 = arith.constant 80 : i32
    %add3A_57 = arith.addi %add3A_55, %add3A_56 : i32
    %dma_start3A_58 = tpu.memref_slice %arg3[%add3A_57] : memref<640000xi32, #tpu.memory_space<hbm>> -> memref<80xi32, #tpu.memory_space<hbm>>
    %dma_start3A_59 = tpu.memref_slice %arg3[%add3A_57] : memref<640000xi32, #tpu.memory_space<hbm>> -> memref<80xi32, #tpu.memory_space<hbm>>
    tpu.enqueue_dma source(%dma_start3A_59 : memref<80xi32, #tpu.memory_space<hbm>>) target(%arg10 : memref<80xi32, #tpu.memory_space<vmem>>) target_semaphore(%arg19 : memref<!tpu.dma_semaphore, #tpu.memory_space<semaphore_mem>>)
    %add3A_60 = arith.constant 0 : i32
    %add3A_61 = arith.addi %mul3A_2, %add3A_60 : i32
    %dma_wait3A = tpu.memref_slice %arg3[%add3A_61] : memref<640000xi32, #tpu.memory_space<hbm>> -> memref<80xi32, #tpu.memory_space<hbm>>
    %dma_wait3A_62 = tpu.memref_slice %arg3[%add3A_61] : memref<640000xi32, #tpu.memory_space<hbm>> -> memref<80xi32, #tpu.memory_space<hbm>>
    tpu.wait_dma2 semaphore(%arg18 : memref<!tpu.dma_semaphore, #tpu.memory_space<semaphore_mem>>) src(%dma_wait3A_62 : memref<80xi32, #tpu.memory_space<hbm>>) dst(%arg7 : memref<80xi32, #tpu.memory_space<vmem>>)
    %add3A_63 = arith.constant 320000 : i32
    %add3A_64 = arith.addi %add3A_63, %mul3A_2 : i32
    %add3A_65 = arith.constant 0 : i32
    %add3A_66 = arith.addi %add3A_64, %add3A_65 : i32
    %dma_wait3A_67 = tpu.memref_slice %arg3[%add3A_66] : memref<640000xi32, #tpu.memory_space<hbm>> -> memref<80xi32, #tpu.memory_space<hbm>>
    %dma_wait3A_68 = tpu.memref_slice %arg3[%add3A_66] : memref<640000xi32, #tpu.memory_space<hbm>> -> memref<80xi32, #tpu.memory_space<hbm>>
    tpu.wait_dma2 semaphore(%arg18 : memref<!tpu.dma_semaphore, #tpu.memory_space<semaphore_mem>>) src(%dma_wait3A_68 : memref<80xi32, #tpu.memory_space<hbm>>) dst(%arg8 : memref<80xi32, #tpu.memory_space<vmem>>)
    %dma_start3A_69 = arith.constant 0 : i32
    %dma_start3A_70 = arith.constant 0 : i32
    %dma_start3A_71 = tpu.memref_slice %arg2[%dma_start3A_69, %dma_start3A_70] : memref<10240x128xf32, #tpu.memory_space<hbm>> -> memref<10240x128xf32, #tpu.memory_space<hbm>>
    tpu.enqueue_indirect_dma source(%dma_start3A_71 : memref<10240x128xf32, #tpu.memory_space<hbm>>) target(%arg13 : memref<80x128xf32, #tpu.memory_space<vmem>>) offsets(%arg7 : memref<80xi32, #tpu.memory_space<vmem>>) semaphore(%arg21 : memref<!tpu.dma_semaphore, #tpu.memory_space<semaphore_mem>>)
    %scan3A_72 = arith.constant 0 : i32
    %scan3A_73 = arith.constant 0 : i32
    %scan3A_74 = arith.constant 42 : i32
    %scan3A_75 = arith.addi %scan3A_73, %scan3A_74 : i32
    %scan3A_76 = arith.constant 1 : i32
    %scan3A_77 = scf.for %scan3A_87 = %scan3A_73 to %scan3A_75 step %scan3A_76 iter_args(%scan3A_88 = %scan3A_72) -> (i32)  : i32 {
      %mul3A_89 = arith.constant 3 : i32
      %mul3A_90 = arith.muli %mul3A_89, %scan3A_87 : i32
      %add3A_91 = arith.constant 0 : i32
      %add3A_92 = arith.addi %mul3A_90, %add3A_91 : i32
      %lt3A = arith.constant 125 : i32
      %lt3A_93 = arith.cmpi slt, %add3A_92, %lt3A : i32
      %convert_element_type3A = arith.extui %lt3A_93 : i1 to i32
      %cond3A = arith.constant 0 : i32
      %cond3A_94 = arith.cmpi ne, %convert_element_type3A, %cond3A : i32
      scf.if %cond3A_94 {
        %add3A_114 = arith.constant 1 : i32
        %add3A_115 = arith.addi %add3A_92, %add3A_114 : i32
        %lt3A_116 = arith.constant 125 : i32
        %lt3A_117 = arith.cmpi slt, %add3A_115, %lt3A_116 : i32
        %convert_element_type3A_118 = arith.extui %lt3A_117 : i1 to i32
        %cond3A_119 = arith.constant 0 : i32
        %cond3A_120 = arith.cmpi ne, %convert_element_type3A_118, %cond3A_119 : i32
        scf.if %cond3A_120 {
          %add3A_138 = arith.constant 1 : i32
          %add3A_139 = arith.addi %add3A_92, %add3A_138 : i32
          %mul3A_140 = arith.constant 80 : i32
          %mul3A_141 = arith.muli %add3A_139, %mul3A_140 : i32
          %add3A_142 = arith.addi %mul3A_2, %mul3A_141 : i32
          %dma_wait3A_143 = tpu.memref_slice %arg3[%add3A_142] : memref<640000xi32, #tpu.memory_space<hbm>> -> memref<80xi32, #tpu.memory_space<hbm>>
          %dma_wait3A_144 = tpu.memref_slice %arg3[%add3A_142] : memref<640000xi32, #tpu.memory_space<hbm>> -> memref<80xi32, #tpu.memory_space<hbm>>
          tpu.wait_dma2 semaphore(%arg19 : memref<!tpu.dma_semaphore, #tpu.memory_space<semaphore_mem>>) src(%dma_wait3A_144 : memref<80xi32, #tpu.memory_space<hbm>>) dst(%arg9 : memref<80xi32, #tpu.memory_space<vmem>>)
          %add3A_145 = arith.constant 320000 : i32
          %add3A_146 = arith.addi %add3A_145, %mul3A_2 : i32
          %mul3A_147 = arith.constant 80 : i32
          %mul3A_148 = arith.muli %add3A_139, %mul3A_147 : i32
          %add3A_149 = arith.addi %add3A_146, %mul3A_148 : i32
          %dma_wait3A_150 = tpu.memref_slice %arg3[%add3A_149] : memref<640000xi32, #tpu.memory_space<hbm>> -> memref<80xi32, #tpu.memory_space<hbm>>
          %dma_wait3A_151 = tpu.memref_slice %arg3[%add3A_149] : memref<640000xi32, #tpu.memory_space<hbm>> -> memref<80xi32, #tpu.memory_space<hbm>>
          tpu.wait_dma2 semaphore(%arg19 : memref<!tpu.dma_semaphore, #tpu.memory_space<semaphore_mem>>) src(%dma_wait3A_151 : memref<80xi32, #tpu.memory_space<hbm>>) dst(%arg10 : memref<80xi32, #tpu.memory_space<vmem>>)
          %dma_start3A_152 = arith.constant 0 : i32
          %dma_start3A_153 = arith.constant 0 : i32
          %dma_start3A_154 = tpu.memref_slice %arg2[%dma_start3A_152, %dma_start3A_153] : memref<10240x128xf32, #tpu.memory_space<hbm>> -> memref<10240x128xf32, #tpu.memory_space<hbm>>
          tpu.enqueue_indirect_dma source(%dma_start3A_154 : memref<10240x128xf32, #tpu.memory_space<hbm>>) target(%arg14 : memref<80x128xf32, #tpu.memory_space<vmem>>) offsets(%arg9 : memref<80xi32, #tpu.memory_space<vmem>>) semaphore(%arg22 : memref<!tpu.dma_semaphore, #tpu.memory_space<semaphore_mem>>)
        } else {
        }
        %dma_wait3A_121 = arith.constant 0 : i32
        %dma_wait3A_122 = arith.constant 0 : i32
        %dma_wait3A_123 = tpu.memref_slice %arg2[%dma_wait3A_121, %dma_wait3A_122] : memref<10240x128xf32, #tpu.memory_space<hbm>> -> memref<10240x128xf32, #tpu.memory_space<hbm>>
        tpu.wait_indirect_dma semaphore(%arg21 : memref<!tpu.dma_semaphore, #tpu.memory_space<semaphore_mem>>) src(%dma_wait3A_123 : memref<10240x128xf32, #tpu.memory_space<hbm>>) dst(%arg13 : memref<80x128xf32, #tpu.memory_space<vmem>>)
        %dma_start3A_124 = arith.constant 0 : i32
        %dma_start3A_125 = arith.constant 0 : i32
        %dma_start3A_126 = tpu.memref_slice %arg5[%dma_start3A_124, %dma_start3A_125] : memref<10240x128xf32, #tpu.memory_space<vmem_shared>> -> memref<10240x128xf32, #tpu.memory_space<vmem_shared>>
        tpu.enqueue_indirect_dma source(%arg13 : memref<80x128xf32, #tpu.memory_space<vmem>>) target(%dma_start3A_126 : memref<10240x128xf32, #tpu.memory_space<vmem_shared>>) offsets(%arg8 : memref<80xi32, #tpu.memory_space<vmem>>) semaphore(%arg24 : memref<!tpu.dma_semaphore, #tpu.memory_space<semaphore_mem>>) {add = true}
        %ge3A = arith.constant 1 : i32
        %ge3A_127 = arith.cmpi sge, %add3A_92, %ge3A : i32
        %convert_element_type3A_128 = arith.extui %ge3A_127 : i1 to i32
        %cond3A_129 = arith.constant 0 : i32
        %cond3A_130 = arith.cmpi ne, %convert_element_type3A_128, %cond3A_129 : i32
        scf.if %cond3A_130 {
          %dma_wait3A_138 = arith.constant 0 : i32
          %dma_wait3A_139 = arith.constant 0 : i32
          %dma_wait3A_140 = tpu.memref_slice %arg5[%dma_wait3A_138, %dma_wait3A_139] : memref<10240x128xf32, #tpu.memory_space<vmem_shared>> -> memref<10240x128xf32, #tpu.memory_space<vmem_shared>>
          tpu.wait_indirect_dma semaphore(%arg26 : memref<!tpu.dma_semaphore, #tpu.memory_space<semaphore_mem>>) src(%arg15 : memref<80x128xf32, #tpu.memory_space<vmem>>) dst(%dma_wait3A_140 : memref<10240x128xf32, #tpu.memory_space<vmem_shared>>)
        } else {
        }
        %add3A_131 = arith.constant 2 : i32
        %add3A_132 = arith.addi %add3A_92, %add3A_131 : i32
        %lt3A_133 = arith.constant 125 : i32
        %lt3A_134 = arith.cmpi slt, %add3A_132, %lt3A_133 : i32
        %convert_element_type3A_135 = arith.extui %lt3A_134 : i1 to i32
        %cond3A_136 = arith.constant 0 : i32
        %cond3A_137 = arith.cmpi ne, %convert_element_type3A_135, %cond3A_136 : i32
        scf.if %cond3A_137 {
          %add3A_138 = arith.constant 2 : i32
          %add3A_139 = arith.addi %add3A_92, %add3A_138 : i32
          %mul3A_140 = arith.constant 80 : i32
          %mul3A_141 = arith.muli %add3A_139, %mul3A_140 : i32
          %add3A_142 = arith.addi %mul3A_2, %mul3A_141 : i32
          %dma_start3A_143 = tpu.memref_slice %arg3[%add3A_142] : memref<640000xi32, #tpu.memory_space<hbm>> -> memref<80xi32, #tpu.memory_space<hbm>>
          %dma_start3A_144 = tpu.memref_slice %arg3[%add3A_142] : memref<640000xi32, #tpu.memory_space<hbm>> -> memref<80xi32, #tpu.memory_space<hbm>>
          tpu.enqueue_dma source(%dma_start3A_144 : memref<80xi32, #tpu.memory_space<hbm>>) target(%arg11 : memref<80xi32, #tpu.memory_space<vmem>>) target_semaphore(%arg20 : memref<!tpu.dma_semaphore, #tpu.memory_space<semaphore_mem>>)
          %add3A_145 = arith.constant 320000 : i32
          %add3A_146 = arith.addi %add3A_145, %mul3A_2 : i32
          %mul3A_147 = arith.constant 80 : i32
          %mul3A_148 = arith.muli %add3A_139, %mul3A_147 : i32
          %add3A_149 = arith.addi %add3A_146, %mul3A_148 : i32
          %dma_start3A_150 = tpu.memref_slice %arg3[%add3A_149] : memref<640000xi32, #tpu.memory_space<hbm>> -> memref<80xi32, #tpu.memory_space<hbm>>
          %dma_start3A_151 = tpu.memref_slice %arg3[%add3A_149] : memref<640000xi32, #tpu.memory_space<hbm>> -> memref<80xi32, #tpu.memory_space<hbm>>
          tpu.enqueue_dma source(%dma_start3A_151 : memref<80xi32, #tpu.memory_space<hbm>>) target(%arg12 : memref<80xi32, #tpu.memory_space<vmem>>) target_semaphore(%arg20 : memref<!tpu.dma_semaphore, #tpu.memory_space<semaphore_mem>>)
        } else {
        }
      } else {
      }
      %mul3A_95 = arith.constant 3 : i32
      %mul3A_96 = arith.muli %mul3A_95, %scan3A_87 : i32
      %add3A_97 = arith.constant 1 : i32
      %add3A_98 = arith.addi %mul3A_96, %add3A_97 : i32
      %lt3A_99 = arith.constant 125 : i32
      %lt3A_100 = arith.cmpi slt, %add3A_98, %lt3A_99 : i32
      %convert_element_type3A_101 = arith.extui %lt3A_100 : i1 to i32
      %cond3A_102 = arith.constant 0 : i32
      %cond3A_103 = arith.cmpi ne, %convert_element_type3A_101, %cond3A_102 : i32
      scf.if %cond3A_103 {
        %add3A_114 = arith.constant 1 : i32
        %add3A_115 = arith.addi %add3A_98, %add3A_114 : i32
        %lt3A_116 = arith.constant 125 : i32
        %lt3A_117 = arith.cmpi slt, %add3A_115, %lt3A_116 : i32
        %convert_element_type3A_118 = arith.extui %lt3A_117 : i1 to i32
        %cond3A_119 = arith.constant 0 : i32
        %cond3A_120 = arith.cmpi ne, %convert_element_type3A_118, %cond3A_119 : i32
        scf.if %cond3A_120 {
          %add3A_138 = arith.constant 1 : i32
          %add3A_139 = arith.addi %add3A_98, %add3A_138 : i32
          %mul3A_140 = arith.constant 80 : i32
          %mul3A_141 = arith.muli %add3A_139, %mul3A_140 : i32
          %add3A_142 = arith.addi %mul3A_2, %mul3A_141 : i32
          %dma_wait3A_143 = tpu.memref_slice %arg3[%add3A_142] : memref<640000xi32, #tpu.memory_space<hbm>> -> memref<80xi32, #tpu.memory_space<hbm>>
          %dma_wait3A_144 = tpu.memref_slice %arg3[%add3A_142] : memref<640000xi32, #tpu.memory_space<hbm>> -> memref<80xi32, #tpu.memory_space<hbm>>
          tpu.wait_dma2 semaphore(%arg20 : memref<!tpu.dma_semaphore, #tpu.memory_space<semaphore_mem>>) src(%dma_wait3A_144 : memref<80xi32, #tpu.memory_space<hbm>>) dst(%arg11 : memref<80xi32, #tpu.memory_space<vmem>>)
          %add3A_145 = arith.constant 320000 : i32
          %add3A_146 = arith.addi %add3A_145, %mul3A_2 : i32
          %mul3A_147 = arith.constant 80 : i32
          %mul3A_148 = arith.muli %add3A_139, %mul3A_147 : i32
          %add3A_149 = arith.addi %add3A_146, %mul3A_148 : i32
          %dma_wait3A_150 = tpu.memref_slice %arg3[%add3A_149] : memref<640000xi32, #tpu.memory_space<hbm>> -> memref<80xi32, #tpu.memory_space<hbm>>
          %dma_wait3A_151 = tpu.memref_slice %arg3[%add3A_149] : memref<640000xi32, #tpu.memory_space<hbm>> -> memref<80xi32, #tpu.memory_space<hbm>>
          tpu.wait_dma2 semaphore(%arg20 : memref<!tpu.dma_semaphore, #tpu.memory_space<semaphore_mem>>) src(%dma_wait3A_151 : memref<80xi32, #tpu.memory_space<hbm>>) dst(%arg12 : memref<80xi32, #tpu.memory_space<vmem>>)
          %dma_start3A_152 = arith.constant 0 : i32
          %dma_start3A_153 = arith.constant 0 : i32
          %dma_start3A_154 = tpu.memref_slice %arg2[%dma_start3A_152, %dma_start3A_153] : memref<10240x128xf32, #tpu.memory_space<hbm>> -> memref<10240x128xf32, #tpu.memory_space<hbm>>
          tpu.enqueue_indirect_dma source(%dma_start3A_154 : memref<10240x128xf32, #tpu.memory_space<hbm>>) target(%arg15 : memref<80x128xf32, #tpu.memory_space<vmem>>) offsets(%arg11 : memref<80xi32, #tpu.memory_space<vmem>>) semaphore(%arg23 : memref<!tpu.dma_semaphore, #tpu.memory_space<semaphore_mem>>)
        } else {
        }
        %dma_wait3A_121 = arith.constant 0 : i32
        %dma_wait3A_122 = arith.constant 0 : i32
        %dma_wait3A_123 = tpu.memref_slice %arg2[%dma_wait3A_121, %dma_wait3A_122] : memref<10240x128xf32, #tpu.memory_space<hbm>> -> memref<10240x128xf32, #tpu.memory_space<hbm>>
        tpu.wait_indirect_dma semaphore(%arg22 : memref<!tpu.dma_semaphore, #tpu.memory_space<semaphore_mem>>) src(%dma_wait3A_123 : memref<10240x128xf32, #tpu.memory_space<hbm>>) dst(%arg14 : memref<80x128xf32, #tpu.memory_space<vmem>>)
        %dma_start3A_124 = arith.constant 0 : i32
        %dma_start3A_125 = arith.constant 0 : i32
        %dma_start3A_126 = tpu.memref_slice %arg5[%dma_start3A_124, %dma_start3A_125] : memref<10240x128xf32, #tpu.memory_space<vmem_shared>> -> memref<10240x128xf32, #tpu.memory_space<vmem_shared>>
        tpu.enqueue_indirect_dma source(%arg14 : memref<80x128xf32, #tpu.memory_space<vmem>>) target(%dma_start3A_126 : memref<10240x128xf32, #tpu.memory_space<vmem_shared>>) offsets(%arg10 : memref<80xi32, #tpu.memory_space<vmem>>) semaphore(%arg25 : memref<!tpu.dma_semaphore, #tpu.memory_space<semaphore_mem>>) {add = true}
        %ge3A = arith.constant 1 : i32
        %ge3A_127 = arith.cmpi sge, %add3A_98, %ge3A : i32
        %convert_element_type3A_128 = arith.extui %ge3A_127 : i1 to i32
        %cond3A_129 = arith.constant 0 : i32
        %cond3A_130 = arith.cmpi ne, %convert_element_type3A_128, %cond3A_129 : i32
        scf.if %cond3A_130 {
          %dma_wait3A_138 = arith.constant 0 : i32
          %dma_wait3A_139 = arith.constant 0 : i32
          %dma_wait3A_140 = tpu.memref_slice %arg5[%dma_wait3A_138, %dma_wait3A_139] : memref<10240x128xf32, #tpu.memory_space<vmem_shared>> -> memref<10240x128xf32, #tpu.memory_space<vmem_shared>>
          tpu.wait_indirect_dma semaphore(%arg24 : memref<!tpu.dma_semaphore, #tpu.memory_space<semaphore_mem>>) src(%arg13 : memref<80x128xf32, #tpu.memory_space<vmem>>) dst(%dma_wait3A_140 : memref<10240x128xf32, #tpu.memory_space<vmem_shared>>)
        } else {
        }
        %add3A_131 = arith.constant 2 : i32
        %add3A_132 = arith.addi %add3A_98, %add3A_131 : i32
        %lt3A_133 = arith.constant 125 : i32
        %lt3A_134 = arith.cmpi slt, %add3A_132, %lt3A_133 : i32
        %convert_element_type3A_135 = arith.extui %lt3A_134 : i1 to i32
        %cond3A_136 = arith.constant 0 : i32
        %cond3A_137 = arith.cmpi ne, %convert_element_type3A_135, %cond3A_136 : i32
        scf.if %cond3A_137 {
          %add3A_138 = arith.constant 2 : i32
          %add3A_139 = arith.addi %add3A_98, %add3A_138 : i32
          %mul3A_140 = arith.constant 80 : i32
          %mul3A_141 = arith.muli %add3A_139, %mul3A_140 : i32
          %add3A_142 = arith.addi %mul3A_2, %mul3A_141 : i32
          %dma_start3A_143 = tpu.memref_slice %arg3[%add3A_142] : memref<640000xi32, #tpu.memory_space<hbm>> -> memref<80xi32, #tpu.memory_space<hbm>>
          %dma_start3A_144 = tpu.memref_slice %arg3[%add3A_142] : memref<640000xi32, #tpu.memory_space<hbm>> -> memref<80xi32, #tpu.memory_space<hbm>>
          tpu.enqueue_dma source(%dma_start3A_144 : memref<80xi32, #tpu.memory_space<hbm>>) target(%arg7 : memref<80xi32, #tpu.memory_space<vmem>>) target_semaphore(%arg18 : memref<!tpu.dma_semaphore, #tpu.memory_space<semaphore_mem>>)
          %add3A_145 = arith.constant 320000 : i32
          %add3A_146 = arith.addi %add3A_145, %mul3A_2 : i32
          %mul3A_147 = arith.constant 80 : i32
          %mul3A_148 = arith.muli %add3A_139, %mul3A_147 : i32
          %add3A_149 = arith.addi %add3A_146, %mul3A_148 : i32
          %dma_start3A_150 = tpu.memref_slice %arg3[%add3A_149] : memref<640000xi32, #tpu.memory_space<hbm>> -> memref<80xi32, #tpu.memory_space<hbm>>
          %dma_start3A_151 = tpu.memref_slice %arg3[%add3A_149] : memref<640000xi32, #tpu.memory_space<hbm>> -> memref<80xi32, #tpu.memory_space<hbm>>
          tpu.enqueue_dma source(%dma_start3A_151 : memref<80xi32, #tpu.memory_space<hbm>>) target(%arg8 : memref<80xi32, #tpu.memory_space<vmem>>) target_semaphore(%arg18 : memref<!tpu.dma_semaphore, #tpu.memory_space<semaphore_mem>>)
        } else {
        }
      } else {
      }
      %mul3A_104 = arith.constant 3 : i32
      %mul3A_105 = arith.muli %mul3A_104, %scan3A_87 : i32
      %add3A_106 = arith.constant 2 : i32
      %add3A_107 = arith.addi %mul3A_105, %add3A_106 : i32
      %lt3A_108 = arith.constant 125 : i32
      %lt3A_109 = arith.cmpi slt, %add3A_107, %lt3A_108 : i32
      %convert_element_type3A_110 = arith.extui %lt3A_109 : i1 to i32
      %cond3A_111 = arith.constant 0 : i32
      %cond3A_112 = arith.cmpi ne, %convert_element_type3A_110, %cond3A_111 : i32
      scf.if %cond3A_112 {
        %add3A_114 = arith.constant 1 : i32
        %add3A_115 = arith.addi %add3A_107, %add3A_114 : i32
        %lt3A_116 = arith.constant 125 : i32
        %lt3A_117 = arith.cmpi slt, %add3A_115, %lt3A_116 : i32
        %convert_element_type3A_118 = arith.extui %lt3A_117 : i1 to i32
        %cond3A_119 = arith.constant 0 : i32
        %cond3A_120 = arith.cmpi ne, %convert_element_type3A_118, %cond3A_119 : i32
        scf.if %cond3A_120 {
          %add3A_138 = arith.constant 1 : i32
          %add3A_139 = arith.addi %add3A_107, %add3A_138 : i32
          %mul3A_140 = arith.constant 80 : i32
          %mul3A_141 = arith.muli %add3A_139, %mul3A_140 : i32
          %add3A_142 = arith.addi %mul3A_2, %mul3A_141 : i32
          %dma_wait3A_143 = tpu.memref_slice %arg3[%add3A_142] : memref<640000xi32, #tpu.memory_space<hbm>> -> memref<80xi32, #tpu.memory_space<hbm>>
          %dma_wait3A_144 = tpu.memref_slice %arg3[%add3A_142] : memref<640000xi32, #tpu.memory_space<hbm>> -> memref<80xi32, #tpu.memory_space<hbm>>
          tpu.wait_dma2 semaphore(%arg18 : memref<!tpu.dma_semaphore, #tpu.memory_space<semaphore_mem>>) src(%dma_wait3A_144 : memref<80xi32, #tpu.memory_space<hbm>>) dst(%arg7 : memref<80xi32, #tpu.memory_space<vmem>>)
          %add3A_145 = arith.constant 320000 : i32
          %add3A_146 = arith.addi %add3A_145, %mul3A_2 : i32
          %mul3A_147 = arith.constant 80 : i32
          %mul3A_148 = arith.muli %add3A_139, %mul3A_147 : i32
          %add3A_149 = arith.addi %add3A_146, %mul3A_148 : i32
          %dma_wait3A_150 = tpu.memref_slice %arg3[%add3A_149] : memref<640000xi32, #tpu.memory_space<hbm>> -> memref<80xi32, #tpu.memory_space<hbm>>
          %dma_wait3A_151 = tpu.memref_slice %arg3[%add3A_149] : memref<640000xi32, #tpu.memory_space<hbm>> -> memref<80xi32, #tpu.memory_space<hbm>>
          tpu.wait_dma2 semaphore(%arg18 : memref<!tpu.dma_semaphore, #tpu.memory_space<semaphore_mem>>) src(%dma_wait3A_151 : memref<80xi32, #tpu.memory_space<hbm>>) dst(%arg8 : memref<80xi32, #tpu.memory_space<vmem>>)
          %dma_start3A_152 = arith.constant 0 : i32
          %dma_start3A_153 = arith.constant 0 : i32
          %dma_start3A_154 = tpu.memref_slice %arg2[%dma_start3A_152, %dma_start3A_153] : memref<10240x128xf32, #tpu.memory_space<hbm>> -> memref<10240x128xf32, #tpu.memory_space<hbm>>
          tpu.enqueue_indirect_dma source(%dma_start3A_154 : memref<10240x128xf32, #tpu.memory_space<hbm>>) target(%arg13 : memref<80x128xf32, #tpu.memory_space<vmem>>) offsets(%arg7 : memref<80xi32, #tpu.memory_space<vmem>>) semaphore(%arg21 : memref<!tpu.dma_semaphore, #tpu.memory_space<semaphore_mem>>)
        } else {
        }
        %dma_wait3A_121 = arith.constant 0 : i32
        %dma_wait3A_122 = arith.constant 0 : i32
        %dma_wait3A_123 = tpu.memref_slice %arg2[%dma_wait3A_121, %dma_wait3A_122] : memref<10240x128xf32, #tpu.memory_space<hbm>> -> memref<10240x128xf32, #tpu.memory_space<hbm>>
        tpu.wait_indirect_dma semaphore(%arg23 : memref<!tpu.dma_semaphore, #tpu.memory_space<semaphore_mem>>) src(%dma_wait3A_123 : memref<10240x128xf32, #tpu.memory_space<hbm>>) dst(%arg15 : memref<80x128xf32, #tpu.memory_space<vmem>>)
        %dma_start3A_124 = arith.constant 0 : i32
        %dma_start3A_125 = arith.constant 0 : i32
        %dma_start3A_126 = tpu.memref_slice %arg5[%dma_start3A_124, %dma_start3A_125] : memref<10240x128xf32, #tpu.memory_space<vmem_shared>> -> memref<10240x128xf32, #tpu.memory_space<vmem_shared>>
        tpu.enqueue_indirect_dma source(%arg15 : memref<80x128xf32, #tpu.memory_space<vmem>>) target(%dma_start3A_126 : memref<10240x128xf32, #tpu.memory_space<vmem_shared>>) offsets(%arg12 : memref<80xi32, #tpu.memory_space<vmem>>) semaphore(%arg26 : memref<!tpu.dma_semaphore, #tpu.memory_space<semaphore_mem>>) {add = true}
        %ge3A = arith.constant 1 : i32
        %ge3A_127 = arith.cmpi sge, %add3A_107, %ge3A : i32
        %convert_element_type3A_128 = arith.extui %ge3A_127 : i1 to i32
        %cond3A_129 = arith.constant 0 : i32
        %cond3A_130 = arith.cmpi ne, %convert_element_type3A_128, %cond3A_129 : i32
        scf.if %cond3A_130 {
          %dma_wait3A_138 = arith.constant 0 : i32
          %dma_wait3A_139 = arith.constant 0 : i32
          %dma_wait3A_140 = tpu.memref_slice %arg5[%dma_wait3A_138, %dma_wait3A_139] : memref<10240x128xf32, #tpu.memory_space<vmem_shared>> -> memref<10240x128xf32, #tpu.memory_space<vmem_shared>>
          tpu.wait_indirect_dma semaphore(%arg25 : memref<!tpu.dma_semaphore, #tpu.memory_space<semaphore_mem>>) src(%arg14 : memref<80x128xf32, #tpu.memory_space<vmem>>) dst(%dma_wait3A_140 : memref<10240x128xf32, #tpu.memory_space<vmem_shared>>)
        } else {
        }
        %add3A_131 = arith.constant 2 : i32
        %add3A_132 = arith.addi %add3A_107, %add3A_131 : i32
        %lt3A_133 = arith.constant 125 : i32
        %lt3A_134 = arith.cmpi slt, %add3A_132, %lt3A_133 : i32
        %convert_element_type3A_135 = arith.extui %lt3A_134 : i1 to i32
        %cond3A_136 = arith.constant 0 : i32
        %cond3A_137 = arith.cmpi ne, %convert_element_type3A_135, %cond3A_136 : i32
        scf.if %cond3A_137 {
          %add3A_138 = arith.constant 2 : i32
          %add3A_139 = arith.addi %add3A_107, %add3A_138 : i32
          %mul3A_140 = arith.constant 80 : i32
          %mul3A_141 = arith.muli %add3A_139, %mul3A_140 : i32
          %add3A_142 = arith.addi %mul3A_2, %mul3A_141 : i32
          %dma_start3A_143 = tpu.memref_slice %arg3[%add3A_142] : memref<640000xi32, #tpu.memory_space<hbm>> -> memref<80xi32, #tpu.memory_space<hbm>>
          %dma_start3A_144 = tpu.memref_slice %arg3[%add3A_142] : memref<640000xi32, #tpu.memory_space<hbm>> -> memref<80xi32, #tpu.memory_space<hbm>>
          tpu.enqueue_dma source(%dma_start3A_144 : memref<80xi32, #tpu.memory_space<hbm>>) target(%arg9 : memref<80xi32, #tpu.memory_space<vmem>>) target_semaphore(%arg19 : memref<!tpu.dma_semaphore, #tpu.memory_space<semaphore_mem>>)
          %add3A_145 = arith.constant 320000 : i32
          %add3A_146 = arith.addi %add3A_145, %mul3A_2 : i32
          %mul3A_147 = arith.constant 80 : i32
          %mul3A_148 = arith.muli %add3A_139, %mul3A_147 : i32
          %add3A_149 = arith.addi %add3A_146, %mul3A_148 : i32
          %dma_start3A_150 = tpu.memref_slice %arg3[%add3A_149] : memref<640000xi32, #tpu.memory_space<hbm>> -> memref<80xi32, #tpu.memory_space<hbm>>
          %dma_start3A_151 = tpu.memref_slice %arg3[%add3A_149] : memref<640000xi32, #tpu.memory_space<hbm>> -> memref<80xi32, #tpu.memory_space<hbm>>
          tpu.enqueue_dma source(%dma_start3A_151 : memref<80xi32, #tpu.memory_space<hbm>>) target(%arg10 : memref<80xi32, #tpu.memory_space<vmem>>) target_semaphore(%arg19 : memref<!tpu.dma_semaphore, #tpu.memory_space<semaphore_mem>>)
        } else {
        }
      } else {
      }
      %scan3A_113 = arith.constant 0 : i32
      scf.yield %scan3A_113 : i32
    }
    %scan3A_78 = arith.constant 42 : i32
    %dma_wait3A_79 = arith.constant 0 : i32
    %dma_wait3A_80 = arith.constant 0 : i32
    %dma_wait3A_81 = tpu.memref_slice %arg5[%dma_wait3A_79, %dma_wait3A_80] : memref<10240x128xf32, #tpu.memory_space<vmem_shared>> -> memref<10240x128xf32, #tpu.memory_space<vmem_shared>>
    tpu.wait_indirect_dma semaphore(%arg25 : memref<!tpu.dma_semaphore, #tpu.memory_space<semaphore_mem>>) src(%arg14 : memref<80x128xf32, #tpu.memory_space<vmem>>) dst(%dma_wait3A_81 : memref<10240x128xf32, #tpu.memory_space<vmem_shared>>)
    %barrier3A_82 = arith.constant 0 : index
    tpu.barrier barrier_id(%barrier3A_82)
    %mul3A_83 = arith.constant 640 : i32
    %mul3A_84 = arith.muli %arg1, %mul3A_83 : i32
    %mul3A_85 = arith.constant 640 : i32
    %mul3A_86 = arith.muli %arg1, %mul3A_85 : i32
    "tpu.region"() ({
      %run_scoped3A = tpu.sem_alloc : memref<!tpu.dma_semaphore, #tpu.memory_space<semaphore_mem>>
      %dma_start3A_87 = arith.constant 0 : i32
      %dma_start3A_88 = tpu.memref_slice %arg4[%arg0, %mul3A_86, %dma_start3A_87] : memref<2x10240x128xf32, #tpu.memory_space<hbm>> -> memref<1x640x128xf32, #tpu.memory_space<hbm>>
      %dma_start3A_89 = tpu.memref_squeeze %dma_start3A_88 : memref<1x640x128xf32, #tpu.memory_space<hbm>> -> memref<640x128xf32, #tpu.memory_space<hbm>>
      %dma_start3A_90 = arith.constant 0 : i32
      %dma_start3A_91 = tpu.memref_slice %arg5[%mul3A_84, %dma_start3A_90] : memref<10240x128xf32, #tpu.memory_space<vmem_shared>> -> memref<640x128xf32, #tpu.memory_space<vmem_shared>>
      tpu.enqueue_dma source(%dma_start3A_91 : memref<640x128xf32, #tpu.memory_space<vmem_shared>>) target(%dma_start3A_89 : memref<640x128xf32, #tpu.memory_space<hbm>>) target_semaphore(%run_scoped3A : memref<!tpu.dma_semaphore, #tpu.memory_space<semaphore_mem>>)
      %dma_wait3A_92 = arith.constant 0 : i32
      %dma_wait3A_93 = tpu.memref_slice %arg4[%arg0, %mul3A_86, %dma_wait3A_92] : memref<2x10240x128xf32, #tpu.memory_space<hbm>> -> memref<1x640x128xf32, #tpu.memory_space<hbm>>
      %dma_wait3A_94 = tpu.memref_squeeze %dma_wait3A_93 : memref<1x640x128xf32, #tpu.memory_space<hbm>> -> memref<640x128xf32, #tpu.memory_space<hbm>>
      %dma_wait3A_95 = arith.constant 0 : i32
      %dma_wait3A_96 = tpu.memref_slice %arg5[%mul3A_84, %dma_wait3A_95] : memref<10240x128xf32, #tpu.memory_space<vmem_shared>> -> memref<640x128xf32, #tpu.memory_space<vmem_shared>>
      tpu.wait_dma2 semaphore(%run_scoped3A : memref<!tpu.dma_semaphore, #tpu.memory_space<semaphore_mem>>) src(%dma_wait3A_96 : memref<640x128xf32, #tpu.memory_space<vmem_shared>>) dst(%dma_wait3A_94 : memref<640x128xf32, #tpu.memory_space<hbm>>)
      tpu.yield
    }) : () -> ()
    return
  }
}

#map = affine_map<(d0, d1) -> (0, 0)>
#map1 = affine_map<(d0, d1) -> (0)>
#map2 = affine_map<(d0, d1) -> (0, 0, 0)>
module attributes {stable_mosaic.version = 14 : i64} {
  func.func @body(%arg0: i32, %arg1: i32, %arg2: memref<10000x128xf32, #tpu.memory_space<hbm>>, %arg3: memref<640000xi32, #tpu.memory_space<hbm>>, %arg4: memref<2x10240x128xf32, #tpu.memory_space<hbm>>, %arg5: memref<2x10240x16xf32, #tpu.memory_space<hbm>>, %arg6: memref<10240x128xf32, #tpu.memory_space<vmem_shared>>, %arg7: memref<10240x16xf32, #tpu.memory_space<vmem_shared>>, %arg8: memref<80xi32, #tpu.memory_space<vmem>>, %arg9: memref<80xi32, #tpu.memory_space<vmem>>, %arg10: memref<80xi32, #tpu.memory_space<vmem>>, %arg11: memref<80xi32, #tpu.memory_space<vmem>>, %arg12: memref<80xi32, #tpu.memory_space<vmem>>, %arg13: memref<80xi32, #tpu.memory_space<vmem>>, %arg14: memref<80x128xf32, #tpu.memory_space<vmem>>, %arg15: memref<80x128xf32, #tpu.memory_space<vmem>>, %arg16: memref<80x128xf32, #tpu.memory_space<vmem>>, %arg17: memref<80x16xf32, #tpu.memory_space<vmem>>, %arg18: memref<40x16xf32, #tpu.memory_space<vmem>>, %arg19: memref<!tpu.dma_semaphore, #tpu.memory_space<semaphore_mem>>, %arg20: memref<!tpu.dma_semaphore, #tpu.memory_space<semaphore_mem>>, %arg21: memref<!tpu.dma_semaphore, #tpu.memory_space<semaphore_mem>>, %arg22: memref<!tpu.dma_semaphore, #tpu.memory_space<semaphore_mem>>, %arg23: memref<!tpu.dma_semaphore, #tpu.memory_space<semaphore_mem>>, %arg24: memref<!tpu.dma_semaphore, #tpu.memory_space<semaphore_mem>>, %arg25: memref<!tpu.dma_semaphore, #tpu.memory_space<semaphore_mem>>, %arg26: memref<!tpu.dma_semaphore, #tpu.memory_space<semaphore_mem>>, %arg27: memref<!tpu.dma_semaphore, #tpu.memory_space<semaphore_mem>>) attributes {dimension_semantics = [#tpu.dimension_semantics<core_parallel>, #tpu.dimension_semantics<subcore_parallel>], iteration_bounds = array<i64: 2, 16>, scalar_prefetch = 0 : i64, scratch_operands = 22 : i64, tpu.core_type = #tpu.core_type<sc_vector_subcore>, window_params = [{transform_indices = #map}, {transform_indices = #map1}, {transform_indices = #map2}, {transform_indices = #map2}]} {
    %mul3A = arith.constant 16 : i32
    %mul3A_0 = arith.muli %arg0, %mul3A : i32
    %add3A = arith.addi %mul3A_0, %arg1 : i32
    %mul3A_1 = arith.constant 10000 : i32
    %mul3A_2 = arith.muli %add3A, %mul3A_1 : i32
    %scan3A = arith.constant 0 : i32
    %scan3A_3 = arith.constant 0 : i32
    %scan3A_4 = arith.constant 640 : i32
    %scan3A_5 = arith.addi %scan3A_3, %scan3A_4 : i32
    %scan3A_6 = arith.constant 1 : i32
    %scan3A_7 = scf.for %scan3A_172 = %scan3A_3 to %scan3A_5 step %scan3A_6 iter_args(%scan3A_173 = %scan3A) -> (i32)  : i32 {
      %jit3A = arith.constant 8 : i32
      %div3A = arith.divsi %scan3A_172, %jit3A : i32
      %sign3A = arith.constant 0 : i32
      %sign3A_174 = arith.cmpi sgt, %scan3A_172, %sign3A : i32
      %sign3A_175 = arith.extui %sign3A_174 : i1 to i32
      %sign3A_176 = arith.constant 0 : i32
      %sign3A_177 = arith.cmpi slt, %scan3A_172, %sign3A_176 : i32
      %sign3A_178 = arith.extui %sign3A_177 : i1 to i32
      %sign3A_179 = arith.subi %sign3A_175, %sign3A_178 : i32
      %sign3A_180 = arith.constant 0 : i32
      %sign3A_181 = arith.cmpi sgt, %jit3A, %sign3A_180 : i32
      %sign3A_182 = arith.extui %sign3A_181 : i1 to i32
      %sign3A_183 = arith.constant 0 : i32
      %sign3A_184 = arith.cmpi slt, %jit3A, %sign3A_183 : i32
      %sign3A_185 = arith.extui %sign3A_184 : i1 to i32
      %sign3A_186 = arith.subi %sign3A_182, %sign3A_185 : i32
      %ne3A = arith.cmpi ne, %sign3A_179, %sign3A_186 : i32
      %rem3A = arith.remsi %scan3A_172, %jit3A : i32
      %ne3A_187 = arith.constant 0 : i32
      %ne3A_188 = arith.cmpi ne, %rem3A, %ne3A_187 : i32
      %and3A = arith.andi %ne3A, %ne3A_188 : i1
      %sub3A = arith.constant 1 : i32
      %sub3A_189 = arith.subi %div3A, %sub3A : i32
      %select_n3A = arith.select %and3A, %sub3A_189, %div3A : i32
      %jit3A_190 = arith.constant 8 : i32
      %eq3A = arith.constant 0 : i32
      %eq3A_191 = arith.cmpi eq, %jit3A_190, %eq3A : i32
      %jit3A_192 = arith.constant 1 : i32
      %select_n3A_193 = arith.select %eq3A_191, %jit3A_192, %jit3A_190 : i32
      %rem3A_194 = arith.remsi %scan3A_172, %select_n3A_193 : i32
      %ne3A_195 = arith.constant 0 : i32
      %ne3A_196 = arith.cmpi ne, %rem3A_194, %ne3A_195 : i32
      %lt3A = arith.constant 0 : i32
      %lt3A_197 = arith.cmpi slt, %rem3A_194, %lt3A : i32
      %lt3A_198 = arith.constant 0 : i32
      %lt3A_199 = arith.cmpi slt, %select_n3A_193, %lt3A_198 : i32
      %ne3A_200 = arith.xori %lt3A_197, %lt3A_199 : i1
      %and3A_201 = arith.andi %ne3A_200, %ne3A_196 : i1
      %add3A_202 = arith.addi %rem3A_194, %select_n3A_193 : i32
      %select_n3A_203 = arith.select %and3A_201, %add3A_202, %rem3A_194 : i32
      %broadcast_in_dim3A = arith.constant 0.000000e+00 : f32
      %broadcast_in_dim3A_204 = vector.broadcast %broadcast_in_dim3A : f32 to vector<16xf32>
      %mul3A_205 = arith.constant 16 : i32
      %mul3A_206 = arith.muli %select_n3A_203, %mul3A_205 : i32
      %swap3A = arith.index_cast %select_n3A : i32 to index
      %swap3A_207 = arith.index_cast %mul3A_206 : i32 to index
      %swap3A_208 = tpu.vector_load %arg14[%swap3A, %swap3A_207] {strides = array<i32>} : memref<80x128xf32, #tpu.memory_space<vmem>>, vector<1x16xf32>,
      %swap3A_209 = vector.shape_cast %swap3A_208 : vector<1x16xf32> to vector<16xf32>
      %swap3A_210 = vector.shape_cast %broadcast_in_dim3A_204 : vector<16xf32> to vector<1x16xf32>
      tpu.vector_store %arg14[%swap3A, %swap3A_207], %swap3A_210 {strides = array<i32>} : memref<80x128xf32, #tpu.memory_space<vmem>>, vector<1x16xf32>,
      %scan3A_211 = arith.constant 0 : i32
      scf.yield %scan3A_211 : i32
    }
    %scan3A_8 = arith.constant 640 : i32
    %mul3A_9 = arith.constant 640 : i32
    %mul3A_10 = arith.muli %arg1, %mul3A_9 : i32
    %add3A_11 = arith.constant 0 : i32
    %add3A_12 = arith.addi %mul3A_10, %add3A_11 : i32
    "tpu.region"() ({
      %run_scoped3A = tpu.sem_alloc : memref<!tpu.dma_semaphore, #tpu.memory_space<semaphore_mem>>
      %dma_start3A_172 = arith.constant 0 : i32
      %dma_start3A_173 = tpu.memref_slice %arg6[%add3A_12, %dma_start3A_172] : memref<10240x128xf32, #tpu.memory_space<vmem_shared>> -> memref<80x128xf32, #tpu.memory_space<vmem_shared>>
      %dma_start3A_174 = arith.constant 0 : i32
      %dma_start3A_175 = tpu.memref_slice %arg6[%add3A_12, %dma_start3A_174] : memref<10240x128xf32, #tpu.memory_space<vmem_shared>> -> memref<80x128xf32, #tpu.memory_space<vmem_shared>>
      tpu.enqueue_dma source(%arg14 : memref<80x128xf32, #tpu.memory_space<vmem>>) target(%dma_start3A_175 : memref<80x128xf32, #tpu.memory_space<vmem_shared>>) target_semaphore(%run_scoped3A : memref<!tpu.dma_semaphore, #tpu.memory_space<semaphore_mem>>)
      %dma_wait3A_176 = arith.constant 0 : i32
      %dma_wait3A_177 = tpu.memref_slice %arg6[%add3A_12, %dma_wait3A_176] : memref<10240x128xf32, #tpu.memory_space<vmem_shared>> -> memref<80x128xf32, #tpu.memory_space<vmem_shared>>
      %dma_wait3A_178 = arith.constant 0 : i32
      %dma_wait3A_179 = tpu.memref_slice %arg6[%add3A_12, %dma_wait3A_178] : memref<10240x128xf32, #tpu.memory_space<vmem_shared>> -> memref<80x128xf32, #tpu.memory_space<vmem_shared>>
      tpu.wait_dma2 semaphore(%run_scoped3A : memref<!tpu.dma_semaphore, #tpu.memory_space<semaphore_mem>>) src(%arg14 : memref<80x128xf32, #tpu.memory_space<vmem>>) dst(%dma_wait3A_179 : memref<80x128xf32, #tpu.memory_space<vmem_shared>>)
      tpu.yield
    }) : () -> ()
    %mul3A_13 = arith.constant 640 : i32
    %mul3A_14 = arith.muli %arg1, %mul3A_13 : i32
    %add3A_15 = arith.constant 80 : i32
    %add3A_16 = arith.addi %mul3A_14, %add3A_15 : i32
    "tpu.region"() ({
      %run_scoped3A = tpu.sem_alloc : memref<!tpu.dma_semaphore, #tpu.memory_space<semaphore_mem>>
      %dma_start3A_172 = arith.constant 0 : i32
      %dma_start3A_173 = tpu.memref_slice %arg6[%add3A_16, %dma_start3A_172] : memref<10240x128xf32, #tpu.memory_space<vmem_shared>> -> memref<80x128xf32, #tpu.memory_space<vmem_shared>>
      %dma_start3A_174 = arith.constant 0 : i32
      %dma_start3A_175 = tpu.memref_slice %arg6[%add3A_16, %dma_start3A_174] : memref<10240x128xf32, #tpu.memory_space<vmem_shared>> -> memref<80x128xf32, #tpu.memory_space<vmem_shared>>
      tpu.enqueue_dma source(%arg14 : memref<80x128xf32, #tpu.memory_space<vmem>>) target(%dma_start3A_175 : memref<80x128xf32, #tpu.memory_space<vmem_shared>>) target_semaphore(%run_scoped3A : memref<!tpu.dma_semaphore, #tpu.memory_space<semaphore_mem>>)
      %dma_wait3A_176 = arith.constant 0 : i32
      %dma_wait3A_177 = tpu.memref_slice %arg6[%add3A_16, %dma_wait3A_176] : memref<10240x128xf32, #tpu.memory_space<vmem_shared>> -> memref<80x128xf32, #tpu.memory_space<vmem_shared>>
      %dma_wait3A_178 = arith.constant 0 : i32
      %dma_wait3A_179 = tpu.memref_slice %arg6[%add3A_16, %dma_wait3A_178] : memref<10240x128xf32, #tpu.memory_space<vmem_shared>> -> memref<80x128xf32, #tpu.memory_space<vmem_shared>>
      tpu.wait_dma2 semaphore(%run_scoped3A : memref<!tpu.dma_semaphore, #tpu.memory_space<semaphore_mem>>) src(%arg14 : memref<80x128xf32, #tpu.memory_space<vmem>>) dst(%dma_wait3A_179 : memref<80x128xf32, #tpu.memory_space<vmem_shared>>)
      tpu.yield
    }) : () -> ()
    %mul3A_17 = arith.constant 640 : i32
    %mul3A_18 = arith.muli %arg1, %mul3A_17 : i32
    %add3A_19 = arith.constant 160 : i32
    %add3A_20 = arith.addi %mul3A_18, %add3A_19 : i32
    "tpu.region"() ({
      %run_scoped3A = tpu.sem_alloc : memref<!tpu.dma_semaphore, #tpu.memory_space<semaphore_mem>>
      %dma_start3A_172 = arith.constant 0 : i32
      %dma_start3A_173 = tpu.memref_slice %arg6[%add3A_20, %dma_start3A_172] : memref<10240x128xf32, #tpu.memory_space<vmem_shared>> -> memref<80x128xf32, #tpu.memory_space<vmem_shared>>
      %dma_start3A_174 = arith.constant 0 : i32
      %dma_start3A_175 = tpu.memref_slice %arg6[%add3A_20, %dma_start3A_174] : memref<10240x128xf32, #tpu.memory_space<vmem_shared>> -> memref<80x128xf32, #tpu.memory_space<vmem_shared>>
      tpu.enqueue_dma source(%arg14 : memref<80x128xf32, #tpu.memory_space<vmem>>) target(%dma_start3A_175 : memref<80x128xf32, #tpu.memory_space<vmem_shared>>) target_semaphore(%run_scoped3A : memref<!tpu.dma_semaphore, #tpu.memory_space<semaphore_mem>>)
      %dma_wait3A_176 = arith.constant 0 : i32
      %dma_wait3A_177 = tpu.memref_slice %arg6[%add3A_20, %dma_wait3A_176] : memref<10240x128xf32, #tpu.memory_space<vmem_shared>> -> memref<80x128xf32, #tpu.memory_space<vmem_shared>>
      %dma_wait3A_178 = arith.constant 0 : i32
      %dma_wait3A_179 = tpu.memref_slice %arg6[%add3A_20, %dma_wait3A_178] : memref<10240x128xf32, #tpu.memory_space<vmem_shared>> -> memref<80x128xf32, #tpu.memory_space<vmem_shared>>
      tpu.wait_dma2 semaphore(%run_scoped3A : memref<!tpu.dma_semaphore, #tpu.memory_space<semaphore_mem>>) src(%arg14 : memref<80x128xf32, #tpu.memory_space<vmem>>) dst(%dma_wait3A_179 : memref<80x128xf32, #tpu.memory_space<vmem_shared>>)
      tpu.yield
    }) : () -> ()
    %mul3A_21 = arith.constant 640 : i32
    %mul3A_22 = arith.muli %arg1, %mul3A_21 : i32
    %add3A_23 = arith.constant 240 : i32
    %add3A_24 = arith.addi %mul3A_22, %add3A_23 : i32
    "tpu.region"() ({
      %run_scoped3A = tpu.sem_alloc : memref<!tpu.dma_semaphore, #tpu.memory_space<semaphore_mem>>
      %dma_start3A_172 = arith.constant 0 : i32
      %dma_start3A_173 = tpu.memref_slice %arg6[%add3A_24, %dma_start3A_172] : memref<10240x128xf32, #tpu.memory_space<vmem_shared>> -> memref<80x128xf32, #tpu.memory_space<vmem_shared>>
      %dma_start3A_174 = arith.constant 0 : i32
      %dma_start3A_175 = tpu.memref_slice %arg6[%add3A_24, %dma_start3A_174] : memref<10240x128xf32, #tpu.memory_space<vmem_shared>> -> memref<80x128xf32, #tpu.memory_space<vmem_shared>>
      tpu.enqueue_dma source(%arg14 : memref<80x128xf32, #tpu.memory_space<vmem>>) target(%dma_start3A_175 : memref<80x128xf32, #tpu.memory_space<vmem_shared>>) target_semaphore(%run_scoped3A : memref<!tpu.dma_semaphore, #tpu.memory_space<semaphore_mem>>)
      %dma_wait3A_176 = arith.constant 0 : i32
      %dma_wait3A_177 = tpu.memref_slice %arg6[%add3A_24, %dma_wait3A_176] : memref<10240x128xf32, #tpu.memory_space<vmem_shared>> -> memref<80x128xf32, #tpu.memory_space<vmem_shared>>
      %dma_wait3A_178 = arith.constant 0 : i32
      %dma_wait3A_179 = tpu.memref_slice %arg6[%add3A_24, %dma_wait3A_178] : memref<10240x128xf32, #tpu.memory_space<vmem_shared>> -> memref<80x128xf32, #tpu.memory_space<vmem_shared>>
      tpu.wait_dma2 semaphore(%run_scoped3A : memref<!tpu.dma_semaphore, #tpu.memory_space<semaphore_mem>>) src(%arg14 : memref<80x128xf32, #tpu.memory_space<vmem>>) dst(%dma_wait3A_179 : memref<80x128xf32, #tpu.memory_space<vmem_shared>>)
      tpu.yield
    }) : () -> ()
    %mul3A_25 = arith.constant 640 : i32
    %mul3A_26 = arith.muli %arg1, %mul3A_25 : i32
    %add3A_27 = arith.constant 320 : i32
    %add3A_28 = arith.addi %mul3A_26, %add3A_27 : i32
    "tpu.region"() ({
      %run_scoped3A = tpu.sem_alloc : memref<!tpu.dma_semaphore, #tpu.memory_space<semaphore_mem>>
      %dma_start3A_172 = arith.constant 0 : i32
      %dma_start3A_173 = tpu.memref_slice %arg6[%add3A_28, %dma_start3A_172] : memref<10240x128xf32, #tpu.memory_space<vmem_shared>> -> memref<80x128xf32, #tpu.memory_space<vmem_shared>>
      %dma_start3A_174 = arith.constant 0 : i32
      %dma_start3A_175 = tpu.memref_slice %arg6[%add3A_28, %dma_start3A_174] : memref<10240x128xf32, #tpu.memory_space<vmem_shared>> -> memref<80x128xf32, #tpu.memory_space<vmem_shared>>
      tpu.enqueue_dma source(%arg14 : memref<80x128xf32, #tpu.memory_space<vmem>>) target(%dma_start3A_175 : memref<80x128xf32, #tpu.memory_space<vmem_shared>>) target_semaphore(%run_scoped3A : memref<!tpu.dma_semaphore, #tpu.memory_space<semaphore_mem>>)
      %dma_wait3A_176 = arith.constant 0 : i32
      %dma_wait3A_177 = tpu.memref_slice %arg6[%add3A_28, %dma_wait3A_176] : memref<10240x128xf32, #tpu.memory_space<vmem_shared>> -> memref<80x128xf32, #tpu.memory_space<vmem_shared>>
      %dma_wait3A_178 = arith.constant 0 : i32
      %dma_wait3A_179 = tpu.memref_slice %arg6[%add3A_28, %dma_wait3A_178] : memref<10240x128xf32, #tpu.memory_space<vmem_shared>> -> memref<80x128xf32, #tpu.memory_space<vmem_shared>>
      tpu.wait_dma2 semaphore(%run_scoped3A : memref<!tpu.dma_semaphore, #tpu.memory_space<semaphore_mem>>) src(%arg14 : memref<80x128xf32, #tpu.memory_space<vmem>>) dst(%dma_wait3A_179 : memref<80x128xf32, #tpu.memory_space<vmem_shared>>)
      tpu.yield
    }) : () -> ()
    %mul3A_29 = arith.constant 640 : i32
    %mul3A_30 = arith.muli %arg1, %mul3A_29 : i32
    %add3A_31 = arith.constant 400 : i32
    %add3A_32 = arith.addi %mul3A_30, %add3A_31 : i32
    "tpu.region"() ({
      %run_scoped3A = tpu.sem_alloc : memref<!tpu.dma_semaphore, #tpu.memory_space<semaphore_mem>>
      %dma_start3A_172 = arith.constant 0 : i32
      %dma_start3A_173 = tpu.memref_slice %arg6[%add3A_32, %dma_start3A_172] : memref<10240x128xf32, #tpu.memory_space<vmem_shared>> -> memref<80x128xf32, #tpu.memory_space<vmem_shared>>
      %dma_start3A_174 = arith.constant 0 : i32
      %dma_start3A_175 = tpu.memref_slice %arg6[%add3A_32, %dma_start3A_174] : memref<10240x128xf32, #tpu.memory_space<vmem_shared>> -> memref<80x128xf32, #tpu.memory_space<vmem_shared>>
      tpu.enqueue_dma source(%arg14 : memref<80x128xf32, #tpu.memory_space<vmem>>) target(%dma_start3A_175 : memref<80x128xf32, #tpu.memory_space<vmem_shared>>) target_semaphore(%run_scoped3A : memref<!tpu.dma_semaphore, #tpu.memory_space<semaphore_mem>>)
      %dma_wait3A_176 = arith.constant 0 : i32
      %dma_wait3A_177 = tpu.memref_slice %arg6[%add3A_32, %dma_wait3A_176] : memref<10240x128xf32, #tpu.memory_space<vmem_shared>> -> memref<80x128xf32, #tpu.memory_space<vmem_shared>>
      %dma_wait3A_178 = arith.constant 0 : i32
      %dma_wait3A_179 = tpu.memref_slice %arg6[%add3A_32, %dma_wait3A_178] : memref<10240x128xf32, #tpu.memory_space<vmem_shared>> -> memref<80x128xf32, #tpu.memory_space<vmem_shared>>
      tpu.wait_dma2 semaphore(%run_scoped3A : memref<!tpu.dma_semaphore, #tpu.memory_space<semaphore_mem>>) src(%arg14 : memref<80x128xf32, #tpu.memory_space<vmem>>) dst(%dma_wait3A_179 : memref<80x128xf32, #tpu.memory_space<vmem_shared>>)
      tpu.yield
    }) : () -> ()
    %mul3A_33 = arith.constant 640 : i32
    %mul3A_34 = arith.muli %arg1, %mul3A_33 : i32
    %add3A_35 = arith.constant 480 : i32
    %add3A_36 = arith.addi %mul3A_34, %add3A_35 : i32
    "tpu.region"() ({
      %run_scoped3A = tpu.sem_alloc : memref<!tpu.dma_semaphore, #tpu.memory_space<semaphore_mem>>
      %dma_start3A_172 = arith.constant 0 : i32
      %dma_start3A_173 = tpu.memref_slice %arg6[%add3A_36, %dma_start3A_172] : memref<10240x128xf32, #tpu.memory_space<vmem_shared>> -> memref<80x128xf32, #tpu.memory_space<vmem_shared>>
      %dma_start3A_174 = arith.constant 0 : i32
      %dma_start3A_175 = tpu.memref_slice %arg6[%add3A_36, %dma_start3A_174] : memref<10240x128xf32, #tpu.memory_space<vmem_shared>> -> memref<80x128xf32, #tpu.memory_space<vmem_shared>>
      tpu.enqueue_dma source(%arg14 : memref<80x128xf32, #tpu.memory_space<vmem>>) target(%dma_start3A_175 : memref<80x128xf32, #tpu.memory_space<vmem_shared>>) target_semaphore(%run_scoped3A : memref<!tpu.dma_semaphore, #tpu.memory_space<semaphore_mem>>)
      %dma_wait3A_176 = arith.constant 0 : i32
      %dma_wait3A_177 = tpu.memref_slice %arg6[%add3A_36, %dma_wait3A_176] : memref<10240x128xf32, #tpu.memory_space<vmem_shared>> -> memref<80x128xf32, #tpu.memory_space<vmem_shared>>
      %dma_wait3A_178 = arith.constant 0 : i32
      %dma_wait3A_179 = tpu.memref_slice %arg6[%add3A_36, %dma_wait3A_178] : memref<10240x128xf32, #tpu.memory_space<vmem_shared>> -> memref<80x128xf32, #tpu.memory_space<vmem_shared>>
      tpu.wait_dma2 semaphore(%run_scoped3A : memref<!tpu.dma_semaphore, #tpu.memory_space<semaphore_mem>>) src(%arg14 : memref<80x128xf32, #tpu.memory_space<vmem>>) dst(%dma_wait3A_179 : memref<80x128xf32, #tpu.memory_space<vmem_shared>>)
      tpu.yield
    }) : () -> ()
    %mul3A_37 = arith.constant 640 : i32
    %mul3A_38 = arith.muli %arg1, %mul3A_37 : i32
    %add3A_39 = arith.constant 560 : i32
    %add3A_40 = arith.addi %mul3A_38, %add3A_39 : i32
    "tpu.region"() ({
      %run_scoped3A = tpu.sem_alloc : memref<!tpu.dma_semaphore, #tpu.memory_space<semaphore_mem>>
      %dma_start3A_172 = arith.constant 0 : i32
      %dma_start3A_173 = tpu.memref_slice %arg6[%add3A_40, %dma_start3A_172] : memref<10240x128xf32, #tpu.memory_space<vmem_shared>> -> memref<80x128xf32, #tpu.memory_space<vmem_shared>>
      %dma_start3A_174 = arith.constant 0 : i32
      %dma_start3A_175 = tpu.memref_slice %arg6[%add3A_40, %dma_start3A_174] : memref<10240x128xf32, #tpu.memory_space<vmem_shared>> -> memref<80x128xf32, #tpu.memory_space<vmem_shared>>
      tpu.enqueue_dma source(%arg14 : memref<80x128xf32, #tpu.memory_space<vmem>>) target(%dma_start3A_175 : memref<80x128xf32, #tpu.memory_space<vmem_shared>>) target_semaphore(%run_scoped3A : memref<!tpu.dma_semaphore, #tpu.memory_space<semaphore_mem>>)
      %dma_wait3A_176 = arith.constant 0 : i32
      %dma_wait3A_177 = tpu.memref_slice %arg6[%add3A_40, %dma_wait3A_176] : memref<10240x128xf32, #tpu.memory_space<vmem_shared>> -> memref<80x128xf32, #tpu.memory_space<vmem_shared>>
      %dma_wait3A_178 = arith.constant 0 : i32
      %dma_wait3A_179 = tpu.memref_slice %arg6[%add3A_40, %dma_wait3A_178] : memref<10240x128xf32, #tpu.memory_space<vmem_shared>> -> memref<80x128xf32, #tpu.memory_space<vmem_shared>>
      tpu.wait_dma2 semaphore(%run_scoped3A : memref<!tpu.dma_semaphore, #tpu.memory_space<semaphore_mem>>) src(%arg14 : memref<80x128xf32, #tpu.memory_space<vmem>>) dst(%dma_wait3A_179 : memref<80x128xf32, #tpu.memory_space<vmem_shared>>)
      tpu.yield
    }) : () -> ()
    %scan3A_41 = arith.constant 0 : i32
    %scan3A_42 = arith.constant 0 : i32
    %scan3A_43 = arith.constant 80 : i32
    %scan3A_44 = arith.addi %scan3A_42, %scan3A_43 : i32
    %scan3A_45 = arith.constant 1 : i32
    %scan3A_46 = scf.for %scan3A_172 = %scan3A_42 to %scan3A_44 step %scan3A_45 iter_args(%scan3A_173 = %scan3A_41) -> (i32)  : i32 {
      %broadcast_in_dim3A = arith.constant 1.000000e+00 : f32
      %broadcast_in_dim3A_174 = vector.broadcast %broadcast_in_dim3A : f32 to vector<16xf32>
      %swap3A = arith.index_cast %scan3A_172 : i32 to index
      %swap3A_175 = arith.constant 0 : index
      %swap3A_176 = tpu.vector_load %arg17[%swap3A, %swap3A_175] {strides = array<i32>} : memref<80x16xf32, #tpu.memory_space<vmem>>, vector<1x16xf32>,
      %swap3A_177 = vector.shape_cast %swap3A_176 : vector<1x16xf32> to vector<16xf32>
      %swap3A_178 = vector.shape_cast %broadcast_in_dim3A_174 : vector<16xf32> to vector<1x16xf32>
      tpu.vector_store %arg17[%swap3A, %swap3A_175], %swap3A_178 {strides = array<i32>} : memref<80x16xf32, #tpu.memory_space<vmem>>, vector<1x16xf32>,
      %scan3A_179 = arith.constant 0 : i32
      scf.yield %scan3A_179 : i32
    }
    %scan3A_47 = arith.constant 80 : i32
    %scan3A_48 = arith.constant 0 : i32
    %scan3A_49 = arith.constant 0 : i32
    %scan3A_50 = arith.constant 40 : i32
    %scan3A_51 = arith.addi %scan3A_49, %scan3A_50 : i32
    %scan3A_52 = arith.constant 1 : i32
    %scan3A_53 = scf.for %scan3A_172 = %scan3A_49 to %scan3A_51 step %scan3A_52 iter_args(%scan3A_173 = %scan3A_48) -> (i32)  : i32 {
      %broadcast_in_dim3A = arith.constant 0.000000e+00 : f32
      %broadcast_in_dim3A_174 = vector.broadcast %broadcast_in_dim3A : f32 to vector<16xf32>
      %swap3A = arith.index_cast %scan3A_172 : i32 to index
      %swap3A_175 = arith.constant 0 : index
      %swap3A_176 = tpu.vector_load %arg18[%swap3A, %swap3A_175] {strides = array<i32>} : memref<40x16xf32, #tpu.memory_space<vmem>>, vector<1x16xf32>,
      %swap3A_177 = vector.shape_cast %swap3A_176 : vector<1x16xf32> to vector<16xf32>
      %swap3A_178 = vector.shape_cast %broadcast_in_dim3A_174 : vector<16xf32> to vector<1x16xf32>
      tpu.vector_store %arg18[%swap3A, %swap3A_175], %swap3A_178 {strides = array<i32>} : memref<40x16xf32, #tpu.memory_space<vmem>>, vector<1x16xf32>,
      %scan3A_179 = arith.constant 0 : i32
      scf.yield %scan3A_179 : i32
    }
    %scan3A_54 = arith.constant 40 : i32
    %mul3A_55 = arith.constant 640 : i32
    %mul3A_56 = arith.muli %arg1, %mul3A_55 : i32
    %add3A_57 = arith.constant 0 : i32
    %add3A_58 = arith.addi %mul3A_56, %add3A_57 : i32
    "tpu.region"() ({
      %run_scoped3A = tpu.sem_alloc : memref<!tpu.dma_semaphore, #tpu.memory_space<semaphore_mem>>
      %dma_start3A_172 = arith.constant 0 : i32
      %dma_start3A_173 = tpu.memref_slice %arg7[%add3A_58, %dma_start3A_172] : memref<10240x16xf32, #tpu.memory_space<vmem_shared>> -> memref<40x16xf32, #tpu.memory_space<vmem_shared>>
      %dma_start3A_174 = arith.constant 0 : i32
      %dma_start3A_175 = tpu.memref_slice %arg7[%add3A_58, %dma_start3A_174] : memref<10240x16xf32, #tpu.memory_space<vmem_shared>> -> memref<40x16xf32, #tpu.memory_space<vmem_shared>>
      tpu.enqueue_dma source(%arg18 : memref<40x16xf32, #tpu.memory_space<vmem>>) target(%dma_start3A_175 : memref<40x16xf32, #tpu.memory_space<vmem_shared>>) target_semaphore(%run_scoped3A : memref<!tpu.dma_semaphore, #tpu.memory_space<semaphore_mem>>)
      %dma_wait3A_176 = arith.constant 0 : i32
      %dma_wait3A_177 = tpu.memref_slice %arg7[%add3A_58, %dma_wait3A_176] : memref<10240x16xf32, #tpu.memory_space<vmem_shared>> -> memref<40x16xf32, #tpu.memory_space<vmem_shared>>
      %dma_wait3A_178 = arith.constant 0 : i32
      %dma_wait3A_179 = tpu.memref_slice %arg7[%add3A_58, %dma_wait3A_178] : memref<10240x16xf32, #tpu.memory_space<vmem_shared>> -> memref<40x16xf32, #tpu.memory_space<vmem_shared>>
      tpu.wait_dma2 semaphore(%run_scoped3A : memref<!tpu.dma_semaphore, #tpu.memory_space<semaphore_mem>>) src(%arg18 : memref<40x16xf32, #tpu.memory_space<vmem>>) dst(%dma_wait3A_179 : memref<40x16xf32, #tpu.memory_space<vmem_shared>>)
      tpu.yield
    }) : () -> ()
    %mul3A_59 = arith.constant 640 : i32
    %mul3A_60 = arith.muli %arg1, %mul3A_59 : i32
    %add3A_61 = arith.constant 40 : i32
    %add3A_62 = arith.addi %mul3A_60, %add3A_61 : i32
    "tpu.region"() ({
      %run_scoped3A = tpu.sem_alloc : memref<!tpu.dma_semaphore, #tpu.memory_space<semaphore_mem>>
      %dma_start3A_172 = arith.constant 0 : i32
      %dma_start3A_173 = tpu.memref_slice %arg7[%add3A_62, %dma_start3A_172] : memref<10240x16xf32, #tpu.memory_space<vmem_shared>> -> memref<40x16xf32, #tpu.memory_space<vmem_shared>>
      %dma_start3A_174 = arith.constant 0 : i32
      %dma_start3A_175 = tpu.memref_slice %arg7[%add3A_62, %dma_start3A_174] : memref<10240x16xf32, #tpu.memory_space<vmem_shared>> -> memref<40x16xf32, #tpu.memory_space<vmem_shared>>
      tpu.enqueue_dma source(%arg18 : memref<40x16xf32, #tpu.memory_space<vmem>>) target(%dma_start3A_175 : memref<40x16xf32, #tpu.memory_space<vmem_shared>>) target_semaphore(%run_scoped3A : memref<!tpu.dma_semaphore, #tpu.memory_space<semaphore_mem>>)
      %dma_wait3A_176 = arith.constant 0 : i32
      %dma_wait3A_177 = tpu.memref_slice %arg7[%add3A_62, %dma_wait3A_176] : memref<10240x16xf32, #tpu.memory_space<vmem_shared>> -> memref<40x16xf32, #tpu.memory_space<vmem_shared>>
      %dma_wait3A_178 = arith.constant 0 : i32
      %dma_wait3A_179 = tpu.memref_slice %arg7[%add3A_62, %dma_wait3A_178] : memref<10240x16xf32, #tpu.memory_space<vmem_shared>> -> memref<40x16xf32, #tpu.memory_space<vmem_shared>>
      tpu.wait_dma2 semaphore(%run_scoped3A : memref<!tpu.dma_semaphore, #tpu.memory_space<semaphore_mem>>) src(%arg18 : memref<40x16xf32, #tpu.memory_space<vmem>>) dst(%dma_wait3A_179 : memref<40x16xf32, #tpu.memory_space<vmem_shared>>)
      tpu.yield
    }) : () -> ()
    %mul3A_63 = arith.constant 640 : i32
    %mul3A_64 = arith.muli %arg1, %mul3A_63 : i32
    %add3A_65 = arith.constant 80 : i32
    %add3A_66 = arith.addi %mul3A_64, %add3A_65 : i32
    "tpu.region"() ({
      %run_scoped3A = tpu.sem_alloc : memref<!tpu.dma_semaphore, #tpu.memory_space<semaphore_mem>>
      %dma_start3A_172 = arith.constant 0 : i32
      %dma_start3A_173 = tpu.memref_slice %arg7[%add3A_66, %dma_start3A_172] : memref<10240x16xf32, #tpu.memory_space<vmem_shared>> -> memref<40x16xf32, #tpu.memory_space<vmem_shared>>
      %dma_start3A_174 = arith.constant 0 : i32
      %dma_start3A_175 = tpu.memref_slice %arg7[%add3A_66, %dma_start3A_174] : memref<10240x16xf32, #tpu.memory_space<vmem_shared>> -> memref<40x16xf32, #tpu.memory_space<vmem_shared>>
      tpu.enqueue_dma source(%arg18 : memref<40x16xf32, #tpu.memory_space<vmem>>) target(%dma_start3A_175 : memref<40x16xf32, #tpu.memory_space<vmem_shared>>) target_semaphore(%run_scoped3A : memref<!tpu.dma_semaphore, #tpu.memory_space<semaphore_mem>>)
      %dma_wait3A_176 = arith.constant 0 : i32
      %dma_wait3A_177 = tpu.memref_slice %arg7[%add3A_66, %dma_wait3A_176] : memref<10240x16xf32, #tpu.memory_space<vmem_shared>> -> memref<40x16xf32, #tpu.memory_space<vmem_shared>>
      %dma_wait3A_178 = arith.constant 0 : i32
      %dma_wait3A_179 = tpu.memref_slice %arg7[%add3A_66, %dma_wait3A_178] : memref<10240x16xf32, #tpu.memory_space<vmem_shared>> -> memref<40x16xf32, #tpu.memory_space<vmem_shared>>
      tpu.wait_dma2 semaphore(%run_scoped3A : memref<!tpu.dma_semaphore, #tpu.memory_space<semaphore_mem>>) src(%arg18 : memref<40x16xf32, #tpu.memory_space<vmem>>) dst(%dma_wait3A_179 : memref<40x16xf32, #tpu.memory_space<vmem_shared>>)
      tpu.yield
    }) : () -> ()
    %mul3A_67 = arith.constant 640 : i32
    %mul3A_68 = arith.muli %arg1, %mul3A_67 : i32
    %add3A_69 = arith.constant 120 : i32
    %add3A_70 = arith.addi %mul3A_68, %add3A_69 : i32
    "tpu.region"() ({
      %run_scoped3A = tpu.sem_alloc : memref<!tpu.dma_semaphore, #tpu.memory_space<semaphore_mem>>
      %dma_start3A_172 = arith.constant 0 : i32
      %dma_start3A_173 = tpu.memref_slice %arg7[%add3A_70, %dma_start3A_172] : memref<10240x16xf32, #tpu.memory_space<vmem_shared>> -> memref<40x16xf32, #tpu.memory_space<vmem_shared>>
      %dma_start3A_174 = arith.constant 0 : i32
      %dma_start3A_175 = tpu.memref_slice %arg7[%add3A_70, %dma_start3A_174] : memref<10240x16xf32, #tpu.memory_space<vmem_shared>> -> memref<40x16xf32, #tpu.memory_space<vmem_shared>>
      tpu.enqueue_dma source(%arg18 : memref<40x16xf32, #tpu.memory_space<vmem>>) target(%dma_start3A_175 : memref<40x16xf32, #tpu.memory_space<vmem_shared>>) target_semaphore(%run_scoped3A : memref<!tpu.dma_semaphore, #tpu.memory_space<semaphore_mem>>)
      %dma_wait3A_176 = arith.constant 0 : i32
      %dma_wait3A_177 = tpu.memref_slice %arg7[%add3A_70, %dma_wait3A_176] : memref<10240x16xf32, #tpu.memory_space<vmem_shared>> -> memref<40x16xf32, #tpu.memory_space<vmem_shared>>
      %dma_wait3A_178 = arith.constant 0 : i32
      %dma_wait3A_179 = tpu.memref_slice %arg7[%add3A_70, %dma_wait3A_178] : memref<10240x16xf32, #tpu.memory_space<vmem_shared>> -> memref<40x16xf32, #tpu.memory_space<vmem_shared>>
      tpu.wait_dma2 semaphore(%run_scoped3A : memref<!tpu.dma_semaphore, #tpu.memory_space<semaphore_mem>>) src(%arg18 : memref<40x16xf32, #tpu.memory_space<vmem>>) dst(%dma_wait3A_179 : memref<40x16xf32, #tpu.memory_space<vmem_shared>>)
      tpu.yield
    }) : () -> ()
    %mul3A_71 = arith.constant 640 : i32
    %mul3A_72 = arith.muli %arg1, %mul3A_71 : i32
    %add3A_73 = arith.constant 160 : i32
    %add3A_74 = arith.addi %mul3A_72, %add3A_73 : i32
    "tpu.region"() ({
      %run_scoped3A = tpu.sem_alloc : memref<!tpu.dma_semaphore, #tpu.memory_space<semaphore_mem>>
      %dma_start3A_172 = arith.constant 0 : i32
      %dma_start3A_173 = tpu.memref_slice %arg7[%add3A_74, %dma_start3A_172] : memref<10240x16xf32, #tpu.memory_space<vmem_shared>> -> memref<40x16xf32, #tpu.memory_space<vmem_shared>>
      %dma_start3A_174 = arith.constant 0 : i32
      %dma_start3A_175 = tpu.memref_slice %arg7[%add3A_74, %dma_start3A_174] : memref<10240x16xf32, #tpu.memory_space<vmem_shared>> -> memref<40x16xf32, #tpu.memory_space<vmem_shared>>
      tpu.enqueue_dma source(%arg18 : memref<40x16xf32, #tpu.memory_space<vmem>>) target(%dma_start3A_175 : memref<40x16xf32, #tpu.memory_space<vmem_shared>>) target_semaphore(%run_scoped3A : memref<!tpu.dma_semaphore, #tpu.memory_space<semaphore_mem>>)
      %dma_wait3A_176 = arith.constant 0 : i32
      %dma_wait3A_177 = tpu.memref_slice %arg7[%add3A_74, %dma_wait3A_176] : memref<10240x16xf32, #tpu.memory_space<vmem_shared>> -> memref<40x16xf32, #tpu.memory_space<vmem_shared>>
      %dma_wait3A_178 = arith.constant 0 : i32
      %dma_wait3A_179 = tpu.memref_slice %arg7[%add3A_74, %dma_wait3A_178] : memref<10240x16xf32, #tpu.memory_space<vmem_shared>> -> memref<40x16xf32, #tpu.memory_space<vmem_shared>>
      tpu.wait_dma2 semaphore(%run_scoped3A : memref<!tpu.dma_semaphore, #tpu.memory_space<semaphore_mem>>) src(%arg18 : memref<40x16xf32, #tpu.memory_space<vmem>>) dst(%dma_wait3A_179 : memref<40x16xf32, #tpu.memory_space<vmem_shared>>)
      tpu.yield
    }) : () -> ()
    %mul3A_75 = arith.constant 640 : i32
    %mul3A_76 = arith.muli %arg1, %mul3A_75 : i32
    %add3A_77 = arith.constant 200 : i32
    %add3A_78 = arith.addi %mul3A_76, %add3A_77 : i32
    "tpu.region"() ({
      %run_scoped3A = tpu.sem_alloc : memref<!tpu.dma_semaphore, #tpu.memory_space<semaphore_mem>>
      %dma_start3A_172 = arith.constant 0 : i32
      %dma_start3A_173 = tpu.memref_slice %arg7[%add3A_78, %dma_start3A_172] : memref<10240x16xf32, #tpu.memory_space<vmem_shared>> -> memref<40x16xf32, #tpu.memory_space<vmem_shared>>
      %dma_start3A_174 = arith.constant 0 : i32
      %dma_start3A_175 = tpu.memref_slice %arg7[%add3A_78, %dma_start3A_174] : memref<10240x16xf32, #tpu.memory_space<vmem_shared>> -> memref<40x16xf32, #tpu.memory_space<vmem_shared>>
      tpu.enqueue_dma source(%arg18 : memref<40x16xf32, #tpu.memory_space<vmem>>) target(%dma_start3A_175 : memref<40x16xf32, #tpu.memory_space<vmem_shared>>) target_semaphore(%run_scoped3A : memref<!tpu.dma_semaphore, #tpu.memory_space<semaphore_mem>>)
      %dma_wait3A_176 = arith.constant 0 : i32
      %dma_wait3A_177 = tpu.memref_slice %arg7[%add3A_78, %dma_wait3A_176] : memref<10240x16xf32, #tpu.memory_space<vmem_shared>> -> memref<40x16xf32, #tpu.memory_space<vmem_shared>>
      %dma_wait3A_178 = arith.constant 0 : i32
      %dma_wait3A_179 = tpu.memref_slice %arg7[%add3A_78, %dma_wait3A_178] : memref<10240x16xf32, #tpu.memory_space<vmem_shared>> -> memref<40x16xf32, #tpu.memory_space<vmem_shared>>
      tpu.wait_dma2 semaphore(%run_scoped3A : memref<!tpu.dma_semaphore, #tpu.memory_space<semaphore_mem>>) src(%arg18 : memref<40x16xf32, #tpu.memory_space<vmem>>) dst(%dma_wait3A_179 : memref<40x16xf32, #tpu.memory_space<vmem_shared>>)
      tpu.yield
    }) : () -> ()
    %mul3A_79 = arith.constant 640 : i32
    %mul3A_80 = arith.muli %arg1, %mul3A_79 : i32
    %add3A_81 = arith.constant 240 : i32
    %add3A_82 = arith.addi %mul3A_80, %add3A_81 : i32
    "tpu.region"() ({
      %run_scoped3A = tpu.sem_alloc : memref<!tpu.dma_semaphore, #tpu.memory_space<semaphore_mem>>
      %dma_start3A_172 = arith.constant 0 : i32
      %dma_start3A_173 = tpu.memref_slice %arg7[%add3A_82, %dma_start3A_172] : memref<10240x16xf32, #tpu.memory_space<vmem_shared>> -> memref<40x16xf32, #tpu.memory_space<vmem_shared>>
      %dma_start3A_174 = arith.constant 0 : i32
      %dma_start3A_175 = tpu.memref_slice %arg7[%add3A_82, %dma_start3A_174] : memref<10240x16xf32, #tpu.memory_space<vmem_shared>> -> memref<40x16xf32, #tpu.memory_space<vmem_shared>>
      tpu.enqueue_dma source(%arg18 : memref<40x16xf32, #tpu.memory_space<vmem>>) target(%dma_start3A_175 : memref<40x16xf32, #tpu.memory_space<vmem_shared>>) target_semaphore(%run_scoped3A : memref<!tpu.dma_semaphore, #tpu.memory_space<semaphore_mem>>)
      %dma_wait3A_176 = arith.constant 0 : i32
      %dma_wait3A_177 = tpu.memref_slice %arg7[%add3A_82, %dma_wait3A_176] : memref<10240x16xf32, #tpu.memory_space<vmem_shared>> -> memref<40x16xf32, #tpu.memory_space<vmem_shared>>
      %dma_wait3A_178 = arith.constant 0 : i32
      %dma_wait3A_179 = tpu.memref_slice %arg7[%add3A_82, %dma_wait3A_178] : memref<10240x16xf32, #tpu.memory_space<vmem_shared>> -> memref<40x16xf32, #tpu.memory_space<vmem_shared>>
      tpu.wait_dma2 semaphore(%run_scoped3A : memref<!tpu.dma_semaphore, #tpu.memory_space<semaphore_mem>>) src(%arg18 : memref<40x16xf32, #tpu.memory_space<vmem>>) dst(%dma_wait3A_179 : memref<40x16xf32, #tpu.memory_space<vmem_shared>>)
      tpu.yield
    }) : () -> ()
    %mul3A_83 = arith.constant 640 : i32
    %mul3A_84 = arith.muli %arg1, %mul3A_83 : i32
    %add3A_85 = arith.constant 280 : i32
    %add3A_86 = arith.addi %mul3A_84, %add3A_85 : i32
    "tpu.region"() ({
      %run_scoped3A = tpu.sem_alloc : memref<!tpu.dma_semaphore, #tpu.memory_space<semaphore_mem>>
      %dma_start3A_172 = arith.constant 0 : i32
      %dma_start3A_173 = tpu.memref_slice %arg7[%add3A_86, %dma_start3A_172] : memref<10240x16xf32, #tpu.memory_space<vmem_shared>> -> memref<40x16xf32, #tpu.memory_space<vmem_shared>>
      %dma_start3A_174 = arith.constant 0 : i32
      %dma_start3A_175 = tpu.memref_slice %arg7[%add3A_86, %dma_start3A_174] : memref<10240x16xf32, #tpu.memory_space<vmem_shared>> -> memref<40x16xf32, #tpu.memory_space<vmem_shared>>
      tpu.enqueue_dma source(%arg18 : memref<40x16xf32, #tpu.memory_space<vmem>>) target(%dma_start3A_175 : memref<40x16xf32, #tpu.memory_space<vmem_shared>>) target_semaphore(%run_scoped3A : memref<!tpu.dma_semaphore, #tpu.memory_space<semaphore_mem>>)
      %dma_wait3A_176 = arith.constant 0 : i32
      %dma_wait3A_177 = tpu.memref_slice %arg7[%add3A_86, %dma_wait3A_176] : memref<10240x16xf32, #tpu.memory_space<vmem_shared>> -> memref<40x16xf32, #tpu.memory_space<vmem_shared>>
      %dma_wait3A_178 = arith.constant 0 : i32
      %dma_wait3A_179 = tpu.memref_slice %arg7[%add3A_86, %dma_wait3A_178] : memref<10240x16xf32, #tpu.memory_space<vmem_shared>> -> memref<40x16xf32, #tpu.memory_space<vmem_shared>>
      tpu.wait_dma2 semaphore(%run_scoped3A : memref<!tpu.dma_semaphore, #tpu.memory_space<semaphore_mem>>) src(%arg18 : memref<40x16xf32, #tpu.memory_space<vmem>>) dst(%dma_wait3A_179 : memref<40x16xf32, #tpu.memory_space<vmem_shared>>)
      tpu.yield
    }) : () -> ()
    %mul3A_87 = arith.constant 640 : i32
    %mul3A_88 = arith.muli %arg1, %mul3A_87 : i32
    %add3A_89 = arith.constant 320 : i32
    %add3A_90 = arith.addi %mul3A_88, %add3A_89 : i32
    "tpu.region"() ({
      %run_scoped3A = tpu.sem_alloc : memref<!tpu.dma_semaphore, #tpu.memory_space<semaphore_mem>>
      %dma_start3A_172 = arith.constant 0 : i32
      %dma_start3A_173 = tpu.memref_slice %arg7[%add3A_90, %dma_start3A_172] : memref<10240x16xf32, #tpu.memory_space<vmem_shared>> -> memref<40x16xf32, #tpu.memory_space<vmem_shared>>
      %dma_start3A_174 = arith.constant 0 : i32
      %dma_start3A_175 = tpu.memref_slice %arg7[%add3A_90, %dma_start3A_174] : memref<10240x16xf32, #tpu.memory_space<vmem_shared>> -> memref<40x16xf32, #tpu.memory_space<vmem_shared>>
      tpu.enqueue_dma source(%arg18 : memref<40x16xf32, #tpu.memory_space<vmem>>) target(%dma_start3A_175 : memref<40x16xf32, #tpu.memory_space<vmem_shared>>) target_semaphore(%run_scoped3A : memref<!tpu.dma_semaphore, #tpu.memory_space<semaphore_mem>>)
      %dma_wait3A_176 = arith.constant 0 : i32
      %dma_wait3A_177 = tpu.memref_slice %arg7[%add3A_90, %dma_wait3A_176] : memref<10240x16xf32, #tpu.memory_space<vmem_shared>> -> memref<40x16xf32, #tpu.memory_space<vmem_shared>>
      %dma_wait3A_178 = arith.constant 0 : i32
      %dma_wait3A_179 = tpu.memref_slice %arg7[%add3A_90, %dma_wait3A_178] : memref<10240x16xf32, #tpu.memory_space<vmem_shared>> -> memref<40x16xf32, #tpu.memory_space<vmem_shared>>
      tpu.wait_dma2 semaphore(%run_scoped3A : memref<!tpu.dma_semaphore, #tpu.memory_space<semaphore_mem>>) src(%arg18 : memref<40x16xf32, #tpu.memory_space<vmem>>) dst(%dma_wait3A_179 : memref<40x16xf32, #tpu.memory_space<vmem_shared>>)
      tpu.yield
    }) : () -> ()
    %mul3A_91 = arith.constant 640 : i32
    %mul3A_92 = arith.muli %arg1, %mul3A_91 : i32
    %add3A_93 = arith.constant 360 : i32
    %add3A_94 = arith.addi %mul3A_92, %add3A_93 : i32
    "tpu.region"() ({
      %run_scoped3A = tpu.sem_alloc : memref<!tpu.dma_semaphore, #tpu.memory_space<semaphore_mem>>
      %dma_start3A_172 = arith.constant 0 : i32
      %dma_start3A_173 = tpu.memref_slice %arg7[%add3A_94, %dma_start3A_172] : memref<10240x16xf32, #tpu.memory_space<vmem_shared>> -> memref<40x16xf32, #tpu.memory_space<vmem_shared>>
      %dma_start3A_174 = arith.constant 0 : i32
      %dma_start3A_175 = tpu.memref_slice %arg7[%add3A_94, %dma_start3A_174] : memref<10240x16xf32, #tpu.memory_space<vmem_shared>> -> memref<40x16xf32, #tpu.memory_space<vmem_shared>>
      tpu.enqueue_dma source(%arg18 : memref<40x16xf32, #tpu.memory_space<vmem>>) target(%dma_start3A_175 : memref<40x16xf32, #tpu.memory_space<vmem_shared>>) target_semaphore(%run_scoped3A : memref<!tpu.dma_semaphore, #tpu.memory_space<semaphore_mem>>)
      %dma_wait3A_176 = arith.constant 0 : i32
      %dma_wait3A_177 = tpu.memref_slice %arg7[%add3A_94, %dma_wait3A_176] : memref<10240x16xf32, #tpu.memory_space<vmem_shared>> -> memref<40x16xf32, #tpu.memory_space<vmem_shared>>
      %dma_wait3A_178 = arith.constant 0 : i32
      %dma_wait3A_179 = tpu.memref_slice %arg7[%add3A_94, %dma_wait3A_178] : memref<10240x16xf32, #tpu.memory_space<vmem_shared>> -> memref<40x16xf32, #tpu.memory_space<vmem_shared>>
      tpu.wait_dma2 semaphore(%run_scoped3A : memref<!tpu.dma_semaphore, #tpu.memory_space<semaphore_mem>>) src(%arg18 : memref<40x16xf32, #tpu.memory_space<vmem>>) dst(%dma_wait3A_179 : memref<40x16xf32, #tpu.memory_space<vmem_shared>>)
      tpu.yield
    }) : () -> ()
    %mul3A_95 = arith.constant 640 : i32
    %mul3A_96 = arith.muli %arg1, %mul3A_95 : i32
    %add3A_97 = arith.constant 400 : i32
    %add3A_98 = arith.addi %mul3A_96, %add3A_97 : i32
    "tpu.region"() ({
      %run_scoped3A = tpu.sem_alloc : memref<!tpu.dma_semaphore, #tpu.memory_space<semaphore_mem>>
      %dma_start3A_172 = arith.constant 0 : i32
      %dma_start3A_173 = tpu.memref_slice %arg7[%add3A_98, %dma_start3A_172] : memref<10240x16xf32, #tpu.memory_space<vmem_shared>> -> memref<40x16xf32, #tpu.memory_space<vmem_shared>>
      %dma_start3A_174 = arith.constant 0 : i32
      %dma_start3A_175 = tpu.memref_slice %arg7[%add3A_98, %dma_start3A_174] : memref<10240x16xf32, #tpu.memory_space<vmem_shared>> -> memref<40x16xf32, #tpu.memory_space<vmem_shared>>
      tpu.enqueue_dma source(%arg18 : memref<40x16xf32, #tpu.memory_space<vmem>>) target(%dma_start3A_175 : memref<40x16xf32, #tpu.memory_space<vmem_shared>>) target_semaphore(%run_scoped3A : memref<!tpu.dma_semaphore, #tpu.memory_space<semaphore_mem>>)
      %dma_wait3A_176 = arith.constant 0 : i32
      %dma_wait3A_177 = tpu.memref_slice %arg7[%add3A_98, %dma_wait3A_176] : memref<10240x16xf32, #tpu.memory_space<vmem_shared>> -> memref<40x16xf32, #tpu.memory_space<vmem_shared>>
      %dma_wait3A_178 = arith.constant 0 : i32
      %dma_wait3A_179 = tpu.memref_slice %arg7[%add3A_98, %dma_wait3A_178] : memref<10240x16xf32, #tpu.memory_space<vmem_shared>> -> memref<40x16xf32, #tpu.memory_space<vmem_shared>>
      tpu.wait_dma2 semaphore(%run_scoped3A : memref<!tpu.dma_semaphore, #tpu.memory_space<semaphore_mem>>) src(%arg18 : memref<40x16xf32, #tpu.memory_space<vmem>>) dst(%dma_wait3A_179 : memref<40x16xf32, #tpu.memory_space<vmem_shared>>)
      tpu.yield
    }) : () -> ()
    %mul3A_99 = arith.constant 640 : i32
    %mul3A_100 = arith.muli %arg1, %mul3A_99 : i32
    %add3A_101 = arith.constant 440 : i32
    %add3A_102 = arith.addi %mul3A_100, %add3A_101 : i32
    "tpu.region"() ({
      %run_scoped3A = tpu.sem_alloc : memref<!tpu.dma_semaphore, #tpu.memory_space<semaphore_mem>>
      %dma_start3A_172 = arith.constant 0 : i32
      %dma_start3A_173 = tpu.memref_slice %arg7[%add3A_102, %dma_start3A_172] : memref<10240x16xf32, #tpu.memory_space<vmem_shared>> -> memref<40x16xf32, #tpu.memory_space<vmem_shared>>
      %dma_start3A_174 = arith.constant 0 : i32
      %dma_start3A_175 = tpu.memref_slice %arg7[%add3A_102, %dma_start3A_174] : memref<10240x16xf32, #tpu.memory_space<vmem_shared>> -> memref<40x16xf32, #tpu.memory_space<vmem_shared>>
      tpu.enqueue_dma source(%arg18 : memref<40x16xf32, #tpu.memory_space<vmem>>) target(%dma_start3A_175 : memref<40x16xf32, #tpu.memory_space<vmem_shared>>) target_semaphore(%run_scoped3A : memref<!tpu.dma_semaphore, #tpu.memory_space<semaphore_mem>>)
      %dma_wait3A_176 = arith.constant 0 : i32
      %dma_wait3A_177 = tpu.memref_slice %arg7[%add3A_102, %dma_wait3A_176] : memref<10240x16xf32, #tpu.memory_space<vmem_shared>> -> memref<40x16xf32, #tpu.memory_space<vmem_shared>>
      %dma_wait3A_178 = arith.constant 0 : i32
      %dma_wait3A_179 = tpu.memref_slice %arg7[%add3A_102, %dma_wait3A_178] : memref<10240x16xf32, #tpu.memory_space<vmem_shared>> -> memref<40x16xf32, #tpu.memory_space<vmem_shared>>
      tpu.wait_dma2 semaphore(%run_scoped3A : memref<!tpu.dma_semaphore, #tpu.memory_space<semaphore_mem>>) src(%arg18 : memref<40x16xf32, #tpu.memory_space<vmem>>) dst(%dma_wait3A_179 : memref<40x16xf32, #tpu.memory_space<vmem_shared>>)
      tpu.yield
    }) : () -> ()
    %mul3A_103 = arith.constant 640 : i32
    %mul3A_104 = arith.muli %arg1, %mul3A_103 : i32
    %add3A_105 = arith.constant 480 : i32
    %add3A_106 = arith.addi %mul3A_104, %add3A_105 : i32
    "tpu.region"() ({
      %run_scoped3A = tpu.sem_alloc : memref<!tpu.dma_semaphore, #tpu.memory_space<semaphore_mem>>
      %dma_start3A_172 = arith.constant 0 : i32
      %dma_start3A_173 = tpu.memref_slice %arg7[%add3A_106, %dma_start3A_172] : memref<10240x16xf32, #tpu.memory_space<vmem_shared>> -> memref<40x16xf32, #tpu.memory_space<vmem_shared>>
      %dma_start3A_174 = arith.constant 0 : i32
      %dma_start3A_175 = tpu.memref_slice %arg7[%add3A_106, %dma_start3A_174] : memref<10240x16xf32, #tpu.memory_space<vmem_shared>> -> memref<40x16xf32, #tpu.memory_space<vmem_shared>>
      tpu.enqueue_dma source(%arg18 : memref<40x16xf32, #tpu.memory_space<vmem>>) target(%dma_start3A_175 : memref<40x16xf32, #tpu.memory_space<vmem_shared>>) target_semaphore(%run_scoped3A : memref<!tpu.dma_semaphore, #tpu.memory_space<semaphore_mem>>)
      %dma_wait3A_176 = arith.constant 0 : i32
      %dma_wait3A_177 = tpu.memref_slice %arg7[%add3A_106, %dma_wait3A_176] : memref<10240x16xf32, #tpu.memory_space<vmem_shared>> -> memref<40x16xf32, #tpu.memory_space<vmem_shared>>
      %dma_wait3A_178 = arith.constant 0 : i32
      %dma_wait3A_179 = tpu.memref_slice %arg7[%add3A_106, %dma_wait3A_178] : memref<10240x16xf32, #tpu.memory_space<vmem_shared>> -> memref<40x16xf32, #tpu.memory_space<vmem_shared>>
      tpu.wait_dma2 semaphore(%run_scoped3A : memref<!tpu.dma_semaphore, #tpu.memory_space<semaphore_mem>>) src(%arg18 : memref<40x16xf32, #tpu.memory_space<vmem>>) dst(%dma_wait3A_179 : memref<40x16xf32, #tpu.memory_space<vmem_shared>>)
      tpu.yield
    }) : () -> ()
    %mul3A_107 = arith.constant 640 : i32
    %mul3A_108 = arith.muli %arg1, %mul3A_107 : i32
    %add3A_109 = arith.constant 520 : i32
    %add3A_110 = arith.addi %mul3A_108, %add3A_109 : i32
    "tpu.region"() ({
      %run_scoped3A = tpu.sem_alloc : memref<!tpu.dma_semaphore, #tpu.memory_space<semaphore_mem>>
      %dma_start3A_172 = arith.constant 0 : i32
      %dma_start3A_173 = tpu.memref_slice %arg7[%add3A_110, %dma_start3A_172] : memref<10240x16xf32, #tpu.memory_space<vmem_shared>> -> memref<40x16xf32, #tpu.memory_space<vmem_shared>>
      %dma_start3A_174 = arith.constant 0 : i32
      %dma_start3A_175 = tpu.memref_slice %arg7[%add3A_110, %dma_start3A_174] : memref<10240x16xf32, #tpu.memory_space<vmem_shared>> -> memref<40x16xf32, #tpu.memory_space<vmem_shared>>
      tpu.enqueue_dma source(%arg18 : memref<40x16xf32, #tpu.memory_space<vmem>>) target(%dma_start3A_175 : memref<40x16xf32, #tpu.memory_space<vmem_shared>>) target_semaphore(%run_scoped3A : memref<!tpu.dma_semaphore, #tpu.memory_space<semaphore_mem>>)
      %dma_wait3A_176 = arith.constant 0 : i32
      %dma_wait3A_177 = tpu.memref_slice %arg7[%add3A_110, %dma_wait3A_176] : memref<10240x16xf32, #tpu.memory_space<vmem_shared>> -> memref<40x16xf32, #tpu.memory_space<vmem_shared>>
      %dma_wait3A_178 = arith.constant 0 : i32
      %dma_wait3A_179 = tpu.memref_slice %arg7[%add3A_110, %dma_wait3A_178] : memref<10240x16xf32, #tpu.memory_space<vmem_shared>> -> memref<40x16xf32, #tpu.memory_space<vmem_shared>>
      tpu.wait_dma2 semaphore(%run_scoped3A : memref<!tpu.dma_semaphore, #tpu.memory_space<semaphore_mem>>) src(%arg18 : memref<40x16xf32, #tpu.memory_space<vmem>>) dst(%dma_wait3A_179 : memref<40x16xf32, #tpu.memory_space<vmem_shared>>)
      tpu.yield
    }) : () -> ()
    %mul3A_111 = arith.constant 640 : i32
    %mul3A_112 = arith.muli %arg1, %mul3A_111 : i32
    %add3A_113 = arith.constant 560 : i32
    %add3A_114 = arith.addi %mul3A_112, %add3A_113 : i32
    "tpu.region"() ({
      %run_scoped3A = tpu.sem_alloc : memref<!tpu.dma_semaphore, #tpu.memory_space<semaphore_mem>>
      %dma_start3A_172 = arith.constant 0 : i32
      %dma_start3A_173 = tpu.memref_slice %arg7[%add3A_114, %dma_start3A_172] : memref<10240x16xf32, #tpu.memory_space<vmem_shared>> -> memref<40x16xf32, #tpu.memory_space<vmem_shared>>
      %dma_start3A_174 = arith.constant 0 : i32
      %dma_start3A_175 = tpu.memref_slice %arg7[%add3A_114, %dma_start3A_174] : memref<10240x16xf32, #tpu.memory_space<vmem_shared>> -> memref<40x16xf32, #tpu.memory_space<vmem_shared>>
      tpu.enqueue_dma source(%arg18 : memref<40x16xf32, #tpu.memory_space<vmem>>) target(%dma_start3A_175 : memref<40x16xf32, #tpu.memory_space<vmem_shared>>) target_semaphore(%run_scoped3A : memref<!tpu.dma_semaphore, #tpu.memory_space<semaphore_mem>>)
      %dma_wait3A_176 = arith.constant 0 : i32
      %dma_wait3A_177 = tpu.memref_slice %arg7[%add3A_114, %dma_wait3A_176] : memref<10240x16xf32, #tpu.memory_space<vmem_shared>> -> memref<40x16xf32, #tpu.memory_space<vmem_shared>>
      %dma_wait3A_178 = arith.constant 0 : i32
      %dma_wait3A_179 = tpu.memref_slice %arg7[%add3A_114, %dma_wait3A_178] : memref<10240x16xf32, #tpu.memory_space<vmem_shared>> -> memref<40x16xf32, #tpu.memory_space<vmem_shared>>
      tpu.wait_dma2 semaphore(%run_scoped3A : memref<!tpu.dma_semaphore, #tpu.memory_space<semaphore_mem>>) src(%arg18 : memref<40x16xf32, #tpu.memory_space<vmem>>) dst(%dma_wait3A_179 : memref<40x16xf32, #tpu.memory_space<vmem_shared>>)
      tpu.yield
    }) : () -> ()
    %mul3A_115 = arith.constant 640 : i32
    %mul3A_116 = arith.muli %arg1, %mul3A_115 : i32
    %add3A_117 = arith.constant 600 : i32
    %add3A_118 = arith.addi %mul3A_116, %add3A_117 : i32
    "tpu.region"() ({
      %run_scoped3A = tpu.sem_alloc : memref<!tpu.dma_semaphore, #tpu.memory_space<semaphore_mem>>
      %dma_start3A_172 = arith.constant 0 : i32
      %dma_start3A_173 = tpu.memref_slice %arg7[%add3A_118, %dma_start3A_172] : memref<10240x16xf32, #tpu.memory_space<vmem_shared>> -> memref<40x16xf32, #tpu.memory_space<vmem_shared>>
      %dma_start3A_174 = arith.constant 0 : i32
      %dma_start3A_175 = tpu.memref_slice %arg7[%add3A_118, %dma_start3A_174] : memref<10240x16xf32, #tpu.memory_space<vmem_shared>> -> memref<40x16xf32, #tpu.memory_space<vmem_shared>>
      tpu.enqueue_dma source(%arg18 : memref<40x16xf32, #tpu.memory_space<vmem>>) target(%dma_start3A_175 : memref<40x16xf32, #tpu.memory_space<vmem_shared>>) target_semaphore(%run_scoped3A : memref<!tpu.dma_semaphore, #tpu.memory_space<semaphore_mem>>)
      %dma_wait3A_176 = arith.constant 0 : i32
      %dma_wait3A_177 = tpu.memref_slice %arg7[%add3A_118, %dma_wait3A_176] : memref<10240x16xf32, #tpu.memory_space<vmem_shared>> -> memref<40x16xf32, #tpu.memory_space<vmem_shared>>
      %dma_wait3A_178 = arith.constant 0 : i32
      %dma_wait3A_179 = tpu.memref_slice %arg7[%add3A_118, %dma_wait3A_178] : memref<10240x16xf32, #tpu.memory_space<vmem_shared>> -> memref<40x16xf32, #tpu.memory_space<vmem_shared>>
      tpu.wait_dma2 semaphore(%run_scoped3A : memref<!tpu.dma_semaphore, #tpu.memory_space<semaphore_mem>>) src(%arg18 : memref<40x16xf32, #tpu.memory_space<vmem>>) dst(%dma_wait3A_179 : memref<40x16xf32, #tpu.memory_space<vmem_shared>>)
      tpu.yield
    }) : () -> ()
    %barrier3A = arith.constant 0 : index
    tpu.barrier barrier_id(%barrier3A)
    %add3A_119 = arith.constant 0 : i32
    %add3A_120 = arith.addi %mul3A_2, %add3A_119 : i32
    %dma_start3A = tpu.memref_slice %arg3[%add3A_120] : memref<640000xi32, #tpu.memory_space<hbm>> -> memref<80xi32, #tpu.memory_space<hbm>>
    %dma_start3A_121 = tpu.memref_slice %arg3[%add3A_120] : memref<640000xi32, #tpu.memory_space<hbm>> -> memref<80xi32, #tpu.memory_space<hbm>>
    tpu.enqueue_dma source(%dma_start3A_121 : memref<80xi32, #tpu.memory_space<hbm>>) target(%arg8 : memref<80xi32, #tpu.memory_space<vmem>>) target_semaphore(%arg19 : memref<!tpu.dma_semaphore, #tpu.memory_space<semaphore_mem>>)
    %add3A_122 = arith.constant 320000 : i32
    %add3A_123 = arith.addi %add3A_122, %mul3A_2 : i32
    %add3A_124 = arith.constant 0 : i32
    %add3A_125 = arith.addi %add3A_123, %add3A_124 : i32
    %dma_start3A_126 = tpu.memref_slice %arg3[%add3A_125] : memref<640000xi32, #tpu.memory_space<hbm>> -> memref<80xi32, #tpu.memory_space<hbm>>
    %dma_start3A_127 = tpu.memref_slice %arg3[%add3A_125] : memref<640000xi32, #tpu.memory_space<hbm>> -> memref<80xi32, #tpu.memory_space<hbm>>
    tpu.enqueue_dma source(%dma_start3A_127 : memref<80xi32, #tpu.memory_space<hbm>>) target(%arg9 : memref<80xi32, #tpu.memory_space<vmem>>) target_semaphore(%arg19 : memref<!tpu.dma_semaphore, #tpu.memory_space<semaphore_mem>>)
    %add3A_128 = arith.constant 80 : i32
    %add3A_129 = arith.addi %mul3A_2, %add3A_128 : i32
    %dma_start3A_130 = tpu.memref_slice %arg3[%add3A_129] : memref<640000xi32, #tpu.memory_space<hbm>> -> memref<80xi32, #tpu.memory_space<hbm>>
    %dma_start3A_131 = tpu.memref_slice %arg3[%add3A_129] : memref<640000xi32, #tpu.memory_space<hbm>> -> memref<80xi32, #tpu.memory_space<hbm>>
    tpu.enqueue_dma source(%dma_start3A_131 : memref<80xi32, #tpu.memory_space<hbm>>) target(%arg10 : memref<80xi32, #tpu.memory_space<vmem>>) target_semaphore(%arg20 : memref<!tpu.dma_semaphore, #tpu.memory_space<semaphore_mem>>)
    %add3A_132 = arith.constant 320000 : i32
    %add3A_133 = arith.addi %add3A_132, %mul3A_2 : i32
    %add3A_134 = arith.constant 80 : i32
    %add3A_135 = arith.addi %add3A_133, %add3A_134 : i32
    %dma_start3A_136 = tpu.memref_slice %arg3[%add3A_135] : memref<640000xi32, #tpu.memory_space<hbm>> -> memref<80xi32, #tpu.memory_space<hbm>>
    %dma_start3A_137 = tpu.memref_slice %arg3[%add3A_135] : memref<640000xi32, #tpu.memory_space<hbm>> -> memref<80xi32, #tpu.memory_space<hbm>>
    tpu.enqueue_dma source(%dma_start3A_137 : memref<80xi32, #tpu.memory_space<hbm>>) target(%arg11 : memref<80xi32, #tpu.memory_space<vmem>>) target_semaphore(%arg20 : memref<!tpu.dma_semaphore, #tpu.memory_space<semaphore_mem>>)
    %add3A_138 = arith.constant 0 : i32
    %add3A_139 = arith.addi %mul3A_2, %add3A_138 : i32
    %dma_wait3A = tpu.memref_slice %arg3[%add3A_139] : memref<640000xi32, #tpu.memory_space<hbm>> -> memref<80xi32, #tpu.memory_space<hbm>>
    %dma_wait3A_140 = tpu.memref_slice %arg3[%add3A_139] : memref<640000xi32, #tpu.memory_space<hbm>> -> memref<80xi32, #tpu.memory_space<hbm>>
    tpu.wait_dma2 semaphore(%arg19 : memref<!tpu.dma_semaphore, #tpu.memory_space<semaphore_mem>>) src(%dma_wait3A_140 : memref<80xi32, #tpu.memory_space<hbm>>) dst(%arg8 : memref<80xi32, #tpu.memory_space<vmem>>)
    %add3A_141 = arith.constant 320000 : i32
    %add3A_142 = arith.addi %add3A_141, %mul3A_2 : i32
    %add3A_143 = arith.constant 0 : i32
    %add3A_144 = arith.addi %add3A_142, %add3A_143 : i32
    %dma_wait3A_145 = tpu.memref_slice %arg3[%add3A_144] : memref<640000xi32, #tpu.memory_space<hbm>> -> memref<80xi32, #tpu.memory_space<hbm>>
    %dma_wait3A_146 = tpu.memref_slice %arg3[%add3A_144] : memref<640000xi32, #tpu.memory_space<hbm>> -> memref<80xi32, #tpu.memory_space<hbm>>
    tpu.wait_dma2 semaphore(%arg19 : memref<!tpu.dma_semaphore, #tpu.memory_space<semaphore_mem>>) src(%dma_wait3A_146 : memref<80xi32, #tpu.memory_space<hbm>>) dst(%arg9 : memref<80xi32, #tpu.memory_space<vmem>>)
    %dma_start3A_147 = arith.constant 0 : i32
    %dma_start3A_148 = arith.constant 0 : i32
    %dma_start3A_149 = tpu.memref_slice %arg2[%dma_start3A_147, %dma_start3A_148] : memref<10000x128xf32, #tpu.memory_space<hbm>> -> memref<10000x128xf32, #tpu.memory_space<hbm>>
    tpu.enqueue_indirect_dma source(%dma_start3A_149 : memref<10000x128xf32, #tpu.memory_space<hbm>>) target(%arg14 : memref<80x128xf32, #tpu.memory_space<vmem>>) offsets(%arg8 : memref<80xi32, #tpu.memory_space<vmem>>) semaphore(%arg22 : memref<!tpu.dma_semaphore, #tpu.memory_space<semaphore_mem>>)
    %scan3A_150 = arith.constant 0 : i32
    %scan3A_151 = arith.constant 0 : i32
    %scan3A_152 = arith.constant 42 : i32
    %scan3A_153 = arith.addi %scan3A_151, %scan3A_152 : i32
    %scan3A_154 = arith.constant 1 : i32
    %scan3A_155 = scf.for %scan3A_172 = %scan3A_151 to %scan3A_153 step %scan3A_154 iter_args(%scan3A_173 = %scan3A_150) -> (i32)  : i32 {
      %mul3A_174 = arith.constant 3 : i32
      %mul3A_175 = arith.muli %mul3A_174, %scan3A_172 : i32
      %add3A_176 = arith.constant 0 : i32
      %add3A_177 = arith.addi %mul3A_175, %add3A_176 : i32
      %lt3A = arith.constant 125 : i32
      %lt3A_178 = arith.cmpi slt, %add3A_177, %lt3A : i32
      %convert_element_type3A = arith.extui %lt3A_178 : i1 to i32
      %cond3A = arith.constant 0 : i32
      %cond3A_179 = arith.cmpi ne, %convert_element_type3A, %cond3A : i32
      scf.if %cond3A_179 {
        %add3A_199 = arith.constant 1 : i32
        %add3A_200 = arith.addi %add3A_177, %add3A_199 : i32
        %lt3A_201 = arith.constant 125 : i32
        %lt3A_202 = arith.cmpi slt, %add3A_200, %lt3A_201 : i32
        %convert_element_type3A_203 = arith.extui %lt3A_202 : i1 to i32
        %cond3A_204 = arith.constant 0 : i32
        %cond3A_205 = arith.cmpi ne, %convert_element_type3A_203, %cond3A_204 : i32
        scf.if %cond3A_205 {
          %add3A_226 = arith.constant 1 : i32
          %add3A_227 = arith.addi %add3A_177, %add3A_226 : i32
          %mul3A_228 = arith.constant 80 : i32
          %mul3A_229 = arith.muli %add3A_227, %mul3A_228 : i32
          %add3A_230 = arith.addi %mul3A_2, %mul3A_229 : i32
          %dma_wait3A_231 = tpu.memref_slice %arg3[%add3A_230] : memref<640000xi32, #tpu.memory_space<hbm>> -> memref<80xi32, #tpu.memory_space<hbm>>
          %dma_wait3A_232 = tpu.memref_slice %arg3[%add3A_230] : memref<640000xi32, #tpu.memory_space<hbm>> -> memref<80xi32, #tpu.memory_space<hbm>>
          tpu.wait_dma2 semaphore(%arg20 : memref<!tpu.dma_semaphore, #tpu.memory_space<semaphore_mem>>) src(%dma_wait3A_232 : memref<80xi32, #tpu.memory_space<hbm>>) dst(%arg10 : memref<80xi32, #tpu.memory_space<vmem>>)
          %add3A_233 = arith.constant 320000 : i32
          %add3A_234 = arith.addi %add3A_233, %mul3A_2 : i32
          %mul3A_235 = arith.constant 80 : i32
          %mul3A_236 = arith.muli %add3A_227, %mul3A_235 : i32
          %add3A_237 = arith.addi %add3A_234, %mul3A_236 : i32
          %dma_wait3A_238 = tpu.memref_slice %arg3[%add3A_237] : memref<640000xi32, #tpu.memory_space<hbm>> -> memref<80xi32, #tpu.memory_space<hbm>>
          %dma_wait3A_239 = tpu.memref_slice %arg3[%add3A_237] : memref<640000xi32, #tpu.memory_space<hbm>> -> memref<80xi32, #tpu.memory_space<hbm>>
          tpu.wait_dma2 semaphore(%arg20 : memref<!tpu.dma_semaphore, #tpu.memory_space<semaphore_mem>>) src(%dma_wait3A_239 : memref<80xi32, #tpu.memory_space<hbm>>) dst(%arg11 : memref<80xi32, #tpu.memory_space<vmem>>)
          %dma_start3A_240 = arith.constant 0 : i32
          %dma_start3A_241 = arith.constant 0 : i32
          %dma_start3A_242 = tpu.memref_slice %arg2[%dma_start3A_240, %dma_start3A_241] : memref<10000x128xf32, #tpu.memory_space<hbm>> -> memref<10000x128xf32, #tpu.memory_space<hbm>>
          tpu.enqueue_indirect_dma source(%dma_start3A_242 : memref<10000x128xf32, #tpu.memory_space<hbm>>) target(%arg15 : memref<80x128xf32, #tpu.memory_space<vmem>>) offsets(%arg10 : memref<80xi32, #tpu.memory_space<vmem>>) semaphore(%arg23 : memref<!tpu.dma_semaphore, #tpu.memory_space<semaphore_mem>>)
        } else {
        }
        %dma_wait3A_206 = arith.constant 0 : i32
        %dma_wait3A_207 = arith.constant 0 : i32
        %dma_wait3A_208 = tpu.memref_slice %arg2[%dma_wait3A_206, %dma_wait3A_207] : memref<10000x128xf32, #tpu.memory_space<hbm>> -> memref<10000x128xf32, #tpu.memory_space<hbm>>
        tpu.wait_indirect_dma semaphore(%arg22 : memref<!tpu.dma_semaphore, #tpu.memory_space<semaphore_mem>>) src(%dma_wait3A_208 : memref<10000x128xf32, #tpu.memory_space<hbm>>) dst(%arg14 : memref<80x128xf32, #tpu.memory_space<vmem>>)
        %dma_start3A_209 = arith.constant 0 : i32
        %dma_start3A_210 = arith.constant 0 : i32
        %dma_start3A_211 = tpu.memref_slice %arg6[%dma_start3A_209, %dma_start3A_210] : memref<10240x128xf32, #tpu.memory_space<vmem_shared>> -> memref<10240x128xf32, #tpu.memory_space<vmem_shared>>
        tpu.enqueue_indirect_dma source(%arg14 : memref<80x128xf32, #tpu.memory_space<vmem>>) target(%dma_start3A_211 : memref<10240x128xf32, #tpu.memory_space<vmem_shared>>) offsets(%arg9 : memref<80xi32, #tpu.memory_space<vmem>>) semaphore(%arg25 : memref<!tpu.dma_semaphore, #tpu.memory_space<semaphore_mem>>) {add = true}
        %dma_start3A_212 = arith.constant 0 : i32
        %dma_start3A_213 = arith.constant 0 : i32
        %dma_start3A_214 = tpu.memref_slice %arg7[%dma_start3A_212, %dma_start3A_213] : memref<10240x16xf32, #tpu.memory_space<vmem_shared>> -> memref<10240x16xf32, #tpu.memory_space<vmem_shared>>
        tpu.enqueue_indirect_dma source(%arg17 : memref<80x16xf32, #tpu.memory_space<vmem>>) target(%dma_start3A_214 : memref<10240x16xf32, #tpu.memory_space<vmem_shared>>) offsets(%arg9 : memref<80xi32, #tpu.memory_space<vmem>>) semaphore(%arg25 : memref<!tpu.dma_semaphore, #tpu.memory_space<semaphore_mem>>) {add = true}
        %ge3A = arith.constant 1 : i32
        %ge3A_215 = arith.cmpi sge, %add3A_177, %ge3A : i32
        %convert_element_type3A_216 = arith.extui %ge3A_215 : i1 to i32
        %cond3A_217 = arith.constant 0 : i32
        %cond3A_218 = arith.cmpi ne, %convert_element_type3A_216, %cond3A_217 : i32
        scf.if %cond3A_218 {
          %dma_wait3A_226 = arith.constant 0 : i32
          %dma_wait3A_227 = arith.constant 0 : i32
          %dma_wait3A_228 = tpu.memref_slice %arg6[%dma_wait3A_226, %dma_wait3A_227] : memref<10240x128xf32, #tpu.memory_space<vmem_shared>> -> memref<10240x128xf32, #tpu.memory_space<vmem_shared>>
          tpu.wait_indirect_dma semaphore(%arg27 : memref<!tpu.dma_semaphore, #tpu.memory_space<semaphore_mem>>) src(%arg16 : memref<80x128xf32, #tpu.memory_space<vmem>>) dst(%dma_wait3A_228 : memref<10240x128xf32, #tpu.memory_space<vmem_shared>>)
          %dma_wait3A_229 = arith.constant 0 : i32
          %dma_wait3A_230 = arith.constant 0 : i32
          %dma_wait3A_231 = tpu.memref_slice %arg7[%dma_wait3A_229, %dma_wait3A_230] : memref<10240x16xf32, #tpu.memory_space<vmem_shared>> -> memref<10240x16xf32, #tpu.memory_space<vmem_shared>>
          tpu.wait_indirect_dma semaphore(%arg27 : memref<!tpu.dma_semaphore, #tpu.memory_space<semaphore_mem>>) src(%arg17 : memref<80x16xf32, #tpu.memory_space<vmem>>) dst(%dma_wait3A_231 : memref<10240x16xf32, #tpu.memory_space<vmem_shared>>)
        } else {
        }
        %add3A_219 = arith.constant 2 : i32
        %add3A_220 = arith.addi %add3A_177, %add3A_219 : i32
        %lt3A_221 = arith.constant 125 : i32
        %lt3A_222 = arith.cmpi slt, %add3A_220, %lt3A_221 : i32
        %convert_element_type3A_223 = arith.extui %lt3A_222 : i1 to i32
        %cond3A_224 = arith.constant 0 : i32
        %cond3A_225 = arith.cmpi ne, %convert_element_type3A_223, %cond3A_224 : i32
        scf.if %cond3A_225 {
          %add3A_226 = arith.constant 2 : i32
          %add3A_227 = arith.addi %add3A_177, %add3A_226 : i32
          %mul3A_228 = arith.constant 80 : i32
          %mul3A_229 = arith.muli %add3A_227, %mul3A_228 : i32
          %add3A_230 = arith.addi %mul3A_2, %mul3A_229 : i32
          %dma_start3A_231 = tpu.memref_slice %arg3[%add3A_230] : memref<640000xi32, #tpu.memory_space<hbm>> -> memref<80xi32, #tpu.memory_space<hbm>>
          %dma_start3A_232 = tpu.memref_slice %arg3[%add3A_230] : memref<640000xi32, #tpu.memory_space<hbm>> -> memref<80xi32, #tpu.memory_space<hbm>>
          tpu.enqueue_dma source(%dma_start3A_232 : memref<80xi32, #tpu.memory_space<hbm>>) target(%arg12 : memref<80xi32, #tpu.memory_space<vmem>>) target_semaphore(%arg21 : memref<!tpu.dma_semaphore, #tpu.memory_space<semaphore_mem>>)
          %add3A_233 = arith.constant 320000 : i32
          %add3A_234 = arith.addi %add3A_233, %mul3A_2 : i32
          %mul3A_235 = arith.constant 80 : i32
          %mul3A_236 = arith.muli %add3A_227, %mul3A_235 : i32
          %add3A_237 = arith.addi %add3A_234, %mul3A_236 : i32
          %dma_start3A_238 = tpu.memref_slice %arg3[%add3A_237] : memref<640000xi32, #tpu.memory_space<hbm>> -> memref<80xi32, #tpu.memory_space<hbm>>
          %dma_start3A_239 = tpu.memref_slice %arg3[%add3A_237] : memref<640000xi32, #tpu.memory_space<hbm>> -> memref<80xi32, #tpu.memory_space<hbm>>
          tpu.enqueue_dma source(%dma_start3A_239 : memref<80xi32, #tpu.memory_space<hbm>>) target(%arg13 : memref<80xi32, #tpu.memory_space<vmem>>) target_semaphore(%arg21 : memref<!tpu.dma_semaphore, #tpu.memory_space<semaphore_mem>>)
        } else {
        }
      } else {
      }
      %mul3A_180 = arith.constant 3 : i32
      %mul3A_181 = arith.muli %mul3A_180, %scan3A_172 : i32
      %add3A_182 = arith.constant 1 : i32
      %add3A_183 = arith.addi %mul3A_181, %add3A_182 : i32
      %lt3A_184 = arith.constant 125 : i32
      %lt3A_185 = arith.cmpi slt, %add3A_183, %lt3A_184 : i32
      %convert_element_type3A_186 = arith.extui %lt3A_185 : i1 to i32
      %cond3A_187 = arith.constant 0 : i32
      %cond3A_188 = arith.cmpi ne, %convert_element_type3A_186, %cond3A_187 : i32
      scf.if %cond3A_188 {
        %add3A_199 = arith.constant 1 : i32
        %add3A_200 = arith.addi %add3A_183, %add3A_199 : i32
        %lt3A_201 = arith.constant 125 : i32
        %lt3A_202 = arith.cmpi slt, %add3A_200, %lt3A_201 : i32
        %convert_element_type3A_203 = arith.extui %lt3A_202 : i1 to i32
        %cond3A_204 = arith.constant 0 : i32
        %cond3A_205 = arith.cmpi ne, %convert_element_type3A_203, %cond3A_204 : i32
        scf.if %cond3A_205 {
          %add3A_226 = arith.constant 1 : i32
          %add3A_227 = arith.addi %add3A_183, %add3A_226 : i32
          %mul3A_228 = arith.constant 80 : i32
          %mul3A_229 = arith.muli %add3A_227, %mul3A_228 : i32
          %add3A_230 = arith.addi %mul3A_2, %mul3A_229 : i32
          %dma_wait3A_231 = tpu.memref_slice %arg3[%add3A_230] : memref<640000xi32, #tpu.memory_space<hbm>> -> memref<80xi32, #tpu.memory_space<hbm>>
          %dma_wait3A_232 = tpu.memref_slice %arg3[%add3A_230] : memref<640000xi32, #tpu.memory_space<hbm>> -> memref<80xi32, #tpu.memory_space<hbm>>
          tpu.wait_dma2 semaphore(%arg21 : memref<!tpu.dma_semaphore, #tpu.memory_space<semaphore_mem>>) src(%dma_wait3A_232 : memref<80xi32, #tpu.memory_space<hbm>>) dst(%arg12 : memref<80xi32, #tpu.memory_space<vmem>>)
          %add3A_233 = arith.constant 320000 : i32
          %add3A_234 = arith.addi %add3A_233, %mul3A_2 : i32
          %mul3A_235 = arith.constant 80 : i32
          %mul3A_236 = arith.muli %add3A_227, %mul3A_235 : i32
          %add3A_237 = arith.addi %add3A_234, %mul3A_236 : i32
          %dma_wait3A_238 = tpu.memref_slice %arg3[%add3A_237] : memref<640000xi32, #tpu.memory_space<hbm>> -> memref<80xi32, #tpu.memory_space<hbm>>
          %dma_wait3A_239 = tpu.memref_slice %arg3[%add3A_237] : memref<640000xi32, #tpu.memory_space<hbm>> -> memref<80xi32, #tpu.memory_space<hbm>>
          tpu.wait_dma2 semaphore(%arg21 : memref<!tpu.dma_semaphore, #tpu.memory_space<semaphore_mem>>) src(%dma_wait3A_239 : memref<80xi32, #tpu.memory_space<hbm>>) dst(%arg13 : memref<80xi32, #tpu.memory_space<vmem>>)
          %dma_start3A_240 = arith.constant 0 : i32
          %dma_start3A_241 = arith.constant 0 : i32
          %dma_start3A_242 = tpu.memref_slice %arg2[%dma_start3A_240, %dma_start3A_241] : memref<10000x128xf32, #tpu.memory_space<hbm>> -> memref<10000x128xf32, #tpu.memory_space<hbm>>
          tpu.enqueue_indirect_dma source(%dma_start3A_242 : memref<10000x128xf32, #tpu.memory_space<hbm>>) target(%arg16 : memref<80x128xf32, #tpu.memory_space<vmem>>) offsets(%arg12 : memref<80xi32, #tpu.memory_space<vmem>>) semaphore(%arg24 : memref<!tpu.dma_semaphore, #tpu.memory_space<semaphore_mem>>)
        } else {
        }
        %dma_wait3A_206 = arith.constant 0 : i32
        %dma_wait3A_207 = arith.constant 0 : i32
        %dma_wait3A_208 = tpu.memref_slice %arg2[%dma_wait3A_206, %dma_wait3A_207] : memref<10000x128xf32, #tpu.memory_space<hbm>> -> memref<10000x128xf32, #tpu.memory_space<hbm>>
        tpu.wait_indirect_dma semaphore(%arg23 : memref<!tpu.dma_semaphore, #tpu.memory_space<semaphore_mem>>) src(%dma_wait3A_208 : memref<10000x128xf32, #tpu.memory_space<hbm>>) dst(%arg15 : memref<80x128xf32, #tpu.memory_space<vmem>>)
        %dma_start3A_209 = arith.constant 0 : i32
        %dma_start3A_210 = arith.constant 0 : i32
        %dma_start3A_211 = tpu.memref_slice %arg6[%dma_start3A_209, %dma_start3A_210] : memref<10240x128xf32, #tpu.memory_space<vmem_shared>> -> memref<10240x128xf32, #tpu.memory_space<vmem_shared>>
        tpu.enqueue_indirect_dma source(%arg15 : memref<80x128xf32, #tpu.memory_space<vmem>>) target(%dma_start3A_211 : memref<10240x128xf32, #tpu.memory_space<vmem_shared>>) offsets(%arg11 : memref<80xi32, #tpu.memory_space<vmem>>) semaphore(%arg26 : memref<!tpu.dma_semaphore, #tpu.memory_space<semaphore_mem>>) {add = true}
        %dma_start3A_212 = arith.constant 0 : i32
        %dma_start3A_213 = arith.constant 0 : i32
        %dma_start3A_214 = tpu.memref_slice %arg7[%dma_start3A_212, %dma_start3A_213] : memref<10240x16xf32, #tpu.memory_space<vmem_shared>> -> memref<10240x16xf32, #tpu.memory_space<vmem_shared>>
        tpu.enqueue_indirect_dma source(%arg17 : memref<80x16xf32, #tpu.memory_space<vmem>>) target(%dma_start3A_214 : memref<10240x16xf32, #tpu.memory_space<vmem_shared>>) offsets(%arg11 : memref<80xi32, #tpu.memory_space<vmem>>) semaphore(%arg26 : memref<!tpu.dma_semaphore, #tpu.memory_space<semaphore_mem>>) {add = true}
        %ge3A = arith.constant 1 : i32
        %ge3A_215 = arith.cmpi sge, %add3A_183, %ge3A : i32
        %convert_element_type3A_216 = arith.extui %ge3A_215 : i1 to i32
        %cond3A_217 = arith.constant 0 : i32
        %cond3A_218 = arith.cmpi ne, %convert_element_type3A_216, %cond3A_217 : i32
        scf.if %cond3A_218 {
          %dma_wait3A_226 = arith.constant 0 : i32
          %dma_wait3A_227 = arith.constant 0 : i32
          %dma_wait3A_228 = tpu.memref_slice %arg6[%dma_wait3A_226, %dma_wait3A_227] : memref<10240x128xf32, #tpu.memory_space<vmem_shared>> -> memref<10240x128xf32, #tpu.memory_space<vmem_shared>>
          tpu.wait_indirect_dma semaphore(%arg25 : memref<!tpu.dma_semaphore, #tpu.memory_space<semaphore_mem>>) src(%arg14 : memref<80x128xf32, #tpu.memory_space<vmem>>) dst(%dma_wait3A_228 : memref<10240x128xf32, #tpu.memory_space<vmem_shared>>)
          %dma_wait3A_229 = arith.constant 0 : i32
          %dma_wait3A_230 = arith.constant 0 : i32
          %dma_wait3A_231 = tpu.memref_slice %arg7[%dma_wait3A_229, %dma_wait3A_230] : memref<10240x16xf32, #tpu.memory_space<vmem_shared>> -> memref<10240x16xf32, #tpu.memory_space<vmem_shared>>
          tpu.wait_indirect_dma semaphore(%arg25 : memref<!tpu.dma_semaphore, #tpu.memory_space<semaphore_mem>>) src(%arg17 : memref<80x16xf32, #tpu.memory_space<vmem>>) dst(%dma_wait3A_231 : memref<10240x16xf32, #tpu.memory_space<vmem_shared>>)
        } else {
        }
        %add3A_219 = arith.constant 2 : i32
        %add3A_220 = arith.addi %add3A_183, %add3A_219 : i32
        %lt3A_221 = arith.constant 125 : i32
        %lt3A_222 = arith.cmpi slt, %add3A_220, %lt3A_221 : i32
        %convert_element_type3A_223 = arith.extui %lt3A_222 : i1 to i32
        %cond3A_224 = arith.constant 0 : i32
        %cond3A_225 = arith.cmpi ne, %convert_element_type3A_223, %cond3A_224 : i32
        scf.if %cond3A_225 {
          %add3A_226 = arith.constant 2 : i32
          %add3A_227 = arith.addi %add3A_183, %add3A_226 : i32
          %mul3A_228 = arith.constant 80 : i32
          %mul3A_229 = arith.muli %add3A_227, %mul3A_228 : i32
          %add3A_230 = arith.addi %mul3A_2, %mul3A_229 : i32
          %dma_start3A_231 = tpu.memref_slice %arg3[%add3A_230] : memref<640000xi32, #tpu.memory_space<hbm>> -> memref<80xi32, #tpu.memory_space<hbm>>
          %dma_start3A_232 = tpu.memref_slice %arg3[%add3A_230] : memref<640000xi32, #tpu.memory_space<hbm>> -> memref<80xi32, #tpu.memory_space<hbm>>
          tpu.enqueue_dma source(%dma_start3A_232 : memref<80xi32, #tpu.memory_space<hbm>>) target(%arg8 : memref<80xi32, #tpu.memory_space<vmem>>) target_semaphore(%arg19 : memref<!tpu.dma_semaphore, #tpu.memory_space<semaphore_mem>>)
          %add3A_233 = arith.constant 320000 : i32
          %add3A_234 = arith.addi %add3A_233, %mul3A_2 : i32
          %mul3A_235 = arith.constant 80 : i32
          %mul3A_236 = arith.muli %add3A_227, %mul3A_235 : i32
          %add3A_237 = arith.addi %add3A_234, %mul3A_236 : i32
          %dma_start3A_238 = tpu.memref_slice %arg3[%add3A_237] : memref<640000xi32, #tpu.memory_space<hbm>> -> memref<80xi32, #tpu.memory_space<hbm>>
          %dma_start3A_239 = tpu.memref_slice %arg3[%add3A_237] : memref<640000xi32, #tpu.memory_space<hbm>> -> memref<80xi32, #tpu.memory_space<hbm>>
          tpu.enqueue_dma source(%dma_start3A_239 : memref<80xi32, #tpu.memory_space<hbm>>) target(%arg9 : memref<80xi32, #tpu.memory_space<vmem>>) target_semaphore(%arg19 : memref<!tpu.dma_semaphore, #tpu.memory_space<semaphore_mem>>)
        } else {
        }
      } else {
      }
      %mul3A_189 = arith.constant 3 : i32
      %mul3A_190 = arith.muli %mul3A_189, %scan3A_172 : i32
      %add3A_191 = arith.constant 2 : i32
      %add3A_192 = arith.addi %mul3A_190, %add3A_191 : i32
      %lt3A_193 = arith.constant 125 : i32
      %lt3A_194 = arith.cmpi slt, %add3A_192, %lt3A_193 : i32
      %convert_element_type3A_195 = arith.extui %lt3A_194 : i1 to i32
      %cond3A_196 = arith.constant 0 : i32
      %cond3A_197 = arith.cmpi ne, %convert_element_type3A_195, %cond3A_196 : i32
      scf.if %cond3A_197 {
        %add3A_199 = arith.constant 1 : i32
        %add3A_200 = arith.addi %add3A_192, %add3A_199 : i32
        %lt3A_201 = arith.constant 125 : i32
        %lt3A_202 = arith.cmpi slt, %add3A_200, %lt3A_201 : i32
        %convert_element_type3A_203 = arith.extui %lt3A_202 : i1 to i32
        %cond3A_204 = arith.constant 0 : i32
        %cond3A_205 = arith.cmpi ne, %convert_element_type3A_203, %cond3A_204 : i32
        scf.if %cond3A_205 {
          %add3A_226 = arith.constant 1 : i32
          %add3A_227 = arith.addi %add3A_192, %add3A_226 : i32
          %mul3A_228 = arith.constant 80 : i32
          %mul3A_229 = arith.muli %add3A_227, %mul3A_228 : i32
          %add3A_230 = arith.addi %mul3A_2, %mul3A_229 : i32
          %dma_wait3A_231 = tpu.memref_slice %arg3[%add3A_230] : memref<640000xi32, #tpu.memory_space<hbm>> -> memref<80xi32, #tpu.memory_space<hbm>>
          %dma_wait3A_232 = tpu.memref_slice %arg3[%add3A_230] : memref<640000xi32, #tpu.memory_space<hbm>> -> memref<80xi32, #tpu.memory_space<hbm>>
          tpu.wait_dma2 semaphore(%arg19 : memref<!tpu.dma_semaphore, #tpu.memory_space<semaphore_mem>>) src(%dma_wait3A_232 : memref<80xi32, #tpu.memory_space<hbm>>) dst(%arg8 : memref<80xi32, #tpu.memory_space<vmem>>)
          %add3A_233 = arith.constant 320000 : i32
          %add3A_234 = arith.addi %add3A_233, %mul3A_2 : i32
          %mul3A_235 = arith.constant 80 : i32
          %mul3A_236 = arith.muli %add3A_227, %mul3A_235 : i32
          %add3A_237 = arith.addi %add3A_234, %mul3A_236 : i32
          %dma_wait3A_238 = tpu.memref_slice %arg3[%add3A_237] : memref<640000xi32, #tpu.memory_space<hbm>> -> memref<80xi32, #tpu.memory_space<hbm>>
          %dma_wait3A_239 = tpu.memref_slice %arg3[%add3A_237] : memref<640000xi32, #tpu.memory_space<hbm>> -> memref<80xi32, #tpu.memory_space<hbm>>
          tpu.wait_dma2 semaphore(%arg19 : memref<!tpu.dma_semaphore, #tpu.memory_space<semaphore_mem>>) src(%dma_wait3A_239 : memref<80xi32, #tpu.memory_space<hbm>>) dst(%arg9 : memref<80xi32, #tpu.memory_space<vmem>>)
          %dma_start3A_240 = arith.constant 0 : i32
          %dma_start3A_241 = arith.constant 0 : i32
          %dma_start3A_242 = tpu.memref_slice %arg2[%dma_start3A_240, %dma_start3A_241] : memref<10000x128xf32, #tpu.memory_space<hbm>> -> memref<10000x128xf32, #tpu.memory_space<hbm>>
          tpu.enqueue_indirect_dma source(%dma_start3A_242 : memref<10000x128xf32, #tpu.memory_space<hbm>>) target(%arg14 : memref<80x128xf32, #tpu.memory_space<vmem>>) offsets(%arg8 : memref<80xi32, #tpu.memory_space<vmem>>) semaphore(%arg22 : memref<!tpu.dma_semaphore, #tpu.memory_space<semaphore_mem>>)
        } else {
        }
        %dma_wait3A_206 = arith.constant 0 : i32
        %dma_wait3A_207 = arith.constant 0 : i32
        %dma_wait3A_208 = tpu.memref_slice %arg2[%dma_wait3A_206, %dma_wait3A_207] : memref<10000x128xf32, #tpu.memory_space<hbm>> -> memref<10000x128xf32, #tpu.memory_space<hbm>>
        tpu.wait_indirect_dma semaphore(%arg24 : memref<!tpu.dma_semaphore, #tpu.memory_space<semaphore_mem>>) src(%dma_wait3A_208 : memref<10000x128xf32, #tpu.memory_space<hbm>>) dst(%arg16 : memref<80x128xf32, #tpu.memory_space<vmem>>)
        %dma_start3A_209 = arith.constant 0 : i32
        %dma_start3A_210 = arith.constant 0 : i32
        %dma_start3A_211 = tpu.memref_slice %arg6[%dma_start3A_209, %dma_start3A_210] : memref<10240x128xf32, #tpu.memory_space<vmem_shared>> -> memref<10240x128xf32, #tpu.memory_space<vmem_shared>>
        tpu.enqueue_indirect_dma source(%arg16 : memref<80x128xf32, #tpu.memory_space<vmem>>) target(%dma_start3A_211 : memref<10240x128xf32, #tpu.memory_space<vmem_shared>>) offsets(%arg13 : memref<80xi32, #tpu.memory_space<vmem>>) semaphore(%arg27 : memref<!tpu.dma_semaphore, #tpu.memory_space<semaphore_mem>>) {add = true}
        %dma_start3A_212 = arith.constant 0 : i32
        %dma_start3A_213 = arith.constant 0 : i32
        %dma_start3A_214 = tpu.memref_slice %arg7[%dma_start3A_212, %dma_start3A_213] : memref<10240x16xf32, #tpu.memory_space<vmem_shared>> -> memref<10240x16xf32, #tpu.memory_space<vmem_shared>>
        tpu.enqueue_indirect_dma source(%arg17 : memref<80x16xf32, #tpu.memory_space<vmem>>) target(%dma_start3A_214 : memref<10240x16xf32, #tpu.memory_space<vmem_shared>>) offsets(%arg13 : memref<80xi32, #tpu.memory_space<vmem>>) semaphore(%arg27 : memref<!tpu.dma_semaphore, #tpu.memory_space<semaphore_mem>>) {add = true}
        %ge3A = arith.constant 1 : i32
        %ge3A_215 = arith.cmpi sge, %add3A_192, %ge3A : i32
        %convert_element_type3A_216 = arith.extui %ge3A_215 : i1 to i32
        %cond3A_217 = arith.constant 0 : i32
        %cond3A_218 = arith.cmpi ne, %convert_element_type3A_216, %cond3A_217 : i32
        scf.if %cond3A_218 {
          %dma_wait3A_226 = arith.constant 0 : i32
          %dma_wait3A_227 = arith.constant 0 : i32
          %dma_wait3A_228 = tpu.memref_slice %arg6[%dma_wait3A_226, %dma_wait3A_227] : memref<10240x128xf32, #tpu.memory_space<vmem_shared>> -> memref<10240x128xf32, #tpu.memory_space<vmem_shared>>
          tpu.wait_indirect_dma semaphore(%arg26 : memref<!tpu.dma_semaphore, #tpu.memory_space<semaphore_mem>>) src(%arg15 : memref<80x128xf32, #tpu.memory_space<vmem>>) dst(%dma_wait3A_228 : memref<10240x128xf32, #tpu.memory_space<vmem_shared>>)
          %dma_wait3A_229 = arith.constant 0 : i32
          %dma_wait3A_230 = arith.constant 0 : i32
          %dma_wait3A_231 = tpu.memref_slice %arg7[%dma_wait3A_229, %dma_wait3A_230] : memref<10240x16xf32, #tpu.memory_space<vmem_shared>> -> memref<10240x16xf32, #tpu.memory_space<vmem_shared>>
          tpu.wait_indirect_dma semaphore(%arg26 : memref<!tpu.dma_semaphore, #tpu.memory_space<semaphore_mem>>) src(%arg17 : memref<80x16xf32, #tpu.memory_space<vmem>>) dst(%dma_wait3A_231 : memref<10240x16xf32, #tpu.memory_space<vmem_shared>>)
        } else {
        }
        %add3A_219 = arith.constant 2 : i32
        %add3A_220 = arith.addi %add3A_192, %add3A_219 : i32
        %lt3A_221 = arith.constant 125 : i32
        %lt3A_222 = arith.cmpi slt, %add3A_220, %lt3A_221 : i32
        %convert_element_type3A_223 = arith.extui %lt3A_222 : i1 to i32
        %cond3A_224 = arith.constant 0 : i32
        %cond3A_225 = arith.cmpi ne, %convert_element_type3A_223, %cond3A_224 : i32
        scf.if %cond3A_225 {
          %add3A_226 = arith.constant 2 : i32
          %add3A_227 = arith.addi %add3A_192, %add3A_226 : i32
          %mul3A_228 = arith.constant 80 : i32
          %mul3A_229 = arith.muli %add3A_227, %mul3A_228 : i32
          %add3A_230 = arith.addi %mul3A_2, %mul3A_229 : i32
          %dma_start3A_231 = tpu.memref_slice %arg3[%add3A_230] : memref<640000xi32, #tpu.memory_space<hbm>> -> memref<80xi32, #tpu.memory_space<hbm>>
          %dma_start3A_232 = tpu.memref_slice %arg3[%add3A_230] : memref<640000xi32, #tpu.memory_space<hbm>> -> memref<80xi32, #tpu.memory_space<hbm>>
          tpu.enqueue_dma source(%dma_start3A_232 : memref<80xi32, #tpu.memory_space<hbm>>) target(%arg10 : memref<80xi32, #tpu.memory_space<vmem>>) target_semaphore(%arg20 : memref<!tpu.dma_semaphore, #tpu.memory_space<semaphore_mem>>)
          %add3A_233 = arith.constant 320000 : i32
          %add3A_234 = arith.addi %add3A_233, %mul3A_2 : i32
          %mul3A_235 = arith.constant 80 : i32
          %mul3A_236 = arith.muli %add3A_227, %mul3A_235 : i32
          %add3A_237 = arith.addi %add3A_234, %mul3A_236 : i32
          %dma_start3A_238 = tpu.memref_slice %arg3[%add3A_237] : memref<640000xi32, #tpu.memory_space<hbm>> -> memref<80xi32, #tpu.memory_space<hbm>>
          %dma_start3A_239 = tpu.memref_slice %arg3[%add3A_237] : memref<640000xi32, #tpu.memory_space<hbm>> -> memref<80xi32, #tpu.memory_space<hbm>>
          tpu.enqueue_dma source(%dma_start3A_239 : memref<80xi32, #tpu.memory_space<hbm>>) target(%arg11 : memref<80xi32, #tpu.memory_space<vmem>>) target_semaphore(%arg20 : memref<!tpu.dma_semaphore, #tpu.memory_space<semaphore_mem>>)
        } else {
        }
      } else {
      }
      %scan3A_198 = arith.constant 0 : i32
      scf.yield %scan3A_198 : i32
    }
    %scan3A_156 = arith.constant 42 : i32
    %dma_wait3A_157 = arith.constant 0 : i32
    %dma_wait3A_158 = arith.constant 0 : i32
    %dma_wait3A_159 = tpu.memref_slice %arg6[%dma_wait3A_157, %dma_wait3A_158] : memref<10240x128xf32, #tpu.memory_space<vmem_shared>> -> memref<10240x128xf32, #tpu.memory_space<vmem_shared>>
    tpu.wait_indirect_dma semaphore(%arg26 : memref<!tpu.dma_semaphore, #tpu.memory_space<semaphore_mem>>) src(%arg15 : memref<80x128xf32, #tpu.memory_space<vmem>>) dst(%dma_wait3A_159 : memref<10240x128xf32, #tpu.memory_space<vmem_shared>>)
    %dma_wait3A_160 = arith.constant 0 : i32
    %dma_wait3A_161 = arith.constant 0 : i32
    %dma_wait3A_162 = tpu.memref_slice %arg7[%dma_wait3A_160, %dma_wait3A_161] : memref<10240x16xf32, #tpu.memory_space<vmem_shared>> -> memref<10240x16xf32, #tpu.memory_space<vmem_shared>>
    tpu.wait_indirect_dma semaphore(%arg26 : memref<!tpu.dma_semaphore, #tpu.memory_space<semaphore_mem>>) src(%arg17 : memref<80x16xf32, #tpu.memory_space<vmem>>) dst(%dma_wait3A_162 : memref<10240x16xf32, #tpu.memory_space<vmem_shared>>)
    %barrier3A_163 = arith.constant 0 : index
    tpu.barrier barrier_id(%barrier3A_163)
    %mul3A_164 = arith.constant 640 : i32
    %mul3A_165 = arith.muli %arg1, %mul3A_164 : i32
    %mul3A_166 = arith.constant 640 : i32
    %mul3A_167 = arith.muli %arg1, %mul3A_166 : i32
    "tpu.region"() ({
      %run_scoped3A = tpu.sem_alloc : memref<!tpu.dma_semaphore, #tpu.memory_space<semaphore_mem>>
      %dma_start3A_172 = arith.constant 0 : i32
      %dma_start3A_173 = tpu.memref_slice %arg4[%arg0, %mul3A_167, %dma_start3A_172] : memref<2x10240x128xf32, #tpu.memory_space<hbm>> -> memref<1x640x128xf32, #tpu.memory_space<hbm>>
      %dma_start3A_174 = tpu.memref_squeeze %dma_start3A_173 : memref<1x640x128xf32, #tpu.memory_space<hbm>> -> memref<640x128xf32, #tpu.memory_space<hbm>>
      %dma_start3A_175 = arith.constant 0 : i32
      %dma_start3A_176 = tpu.memref_slice %arg6[%mul3A_165, %dma_start3A_175] : memref<10240x128xf32, #tpu.memory_space<vmem_shared>> -> memref<640x128xf32, #tpu.memory_space<vmem_shared>>
      tpu.enqueue_dma source(%dma_start3A_176 : memref<640x128xf32, #tpu.memory_space<vmem_shared>>) target(%dma_start3A_174 : memref<640x128xf32, #tpu.memory_space<hbm>>) target_semaphore(%run_scoped3A : memref<!tpu.dma_semaphore, #tpu.memory_space<semaphore_mem>>)
      %dma_wait3A_177 = arith.constant 0 : i32
      %dma_wait3A_178 = tpu.memref_slice %arg4[%arg0, %mul3A_167, %dma_wait3A_177] : memref<2x10240x128xf32, #tpu.memory_space<hbm>> -> memref<1x640x128xf32, #tpu.memory_space<hbm>>
      %dma_wait3A_179 = tpu.memref_squeeze %dma_wait3A_178 : memref<1x640x128xf32, #tpu.memory_space<hbm>> -> memref<640x128xf32, #tpu.memory_space<hbm>>
      %dma_wait3A_180 = arith.constant 0 : i32
      %dma_wait3A_181 = tpu.memref_slice %arg6[%mul3A_165, %dma_wait3A_180] : memref<10240x128xf32, #tpu.memory_space<vmem_shared>> -> memref<640x128xf32, #tpu.memory_space<vmem_shared>>
      tpu.wait_dma2 semaphore(%run_scoped3A : memref<!tpu.dma_semaphore, #tpu.memory_space<semaphore_mem>>) src(%dma_wait3A_181 : memref<640x128xf32, #tpu.memory_space<vmem_shared>>) dst(%dma_wait3A_179 : memref<640x128xf32, #tpu.memory_space<hbm>>)
      tpu.yield
    }) : () -> ()
    %mul3A_168 = arith.constant 640 : i32
    %mul3A_169 = arith.muli %arg1, %mul3A_168 : i32
    %mul3A_170 = arith.constant 640 : i32
    %mul3A_171 = arith.muli %arg1, %mul3A_170 : i32
    "tpu.region"() ({
      %run_scoped3A = tpu.sem_alloc : memref<!tpu.dma_semaphore, #tpu.memory_space<semaphore_mem>>
      %dma_start3A_172 = arith.constant 0 : i32
      %dma_start3A_173 = tpu.memref_slice %arg5[%arg0, %mul3A_171, %dma_start3A_172] : memref<2x10240x16xf32, #tpu.memory_space<hbm>> -> memref<1x640x16xf32, #tpu.memory_space<hbm>>
      %dma_start3A_174 = tpu.memref_squeeze %dma_start3A_173 : memref<1x640x16xf32, #tpu.memory_space<hbm>> -> memref<640x16xf32, #tpu.memory_space<hbm>>
      %dma_start3A_175 = arith.constant 0 : i32
      %dma_start3A_176 = tpu.memref_slice %arg7[%mul3A_169, %dma_start3A_175] : memref<10240x16xf32, #tpu.memory_space<vmem_shared>> -> memref<640x16xf32, #tpu.memory_space<vmem_shared>>
      tpu.enqueue_dma source(%dma_start3A_176 : memref<640x16xf32, #tpu.memory_space<vmem_shared>>) target(%dma_start3A_174 : memref<640x16xf32, #tpu.memory_space<hbm>>) target_semaphore(%run_scoped3A : memref<!tpu.dma_semaphore, #tpu.memory_space<semaphore_mem>>)
      %dma_wait3A_177 = arith.constant 0 : i32
      %dma_wait3A_178 = tpu.memref_slice %arg5[%arg0, %mul3A_171, %dma_wait3A_177] : memref<2x10240x16xf32, #tpu.memory_space<hbm>> -> memref<1x640x16xf32, #tpu.memory_space<hbm>>
      %dma_wait3A_179 = tpu.memref_squeeze %dma_wait3A_178 : memref<1x640x16xf32, #tpu.memory_space<hbm>> -> memref<640x16xf32, #tpu.memory_space<hbm>>
      %dma_wait3A_180 = arith.constant 0 : i32
      %dma_wait3A_181 = tpu.memref_slice %arg7[%mul3A_169, %dma_wait3A_180] : memref<10240x16xf32, #tpu.memory_space<vmem_shared>> -> memref<640x16xf32, #tpu.memory_space<vmem_shared>>
      tpu.wait_dma2 semaphore(%run_scoped3A : memref<!tpu.dma_semaphore, #tpu.memory_space<semaphore_mem>>) src(%dma_wait3A_181 : memref<640x16xf32, #tpu.memory_space<vmem_shared>>) dst(%dma_wait3A_179 : memref<640x16xf32, #tpu.memory_space<hbm>>)
      tpu.yield
    }) : () -> ()
    return
  }
}

module attributes {stable_mosaic.version = 14 : i64} {
  func.func @_tc2_body(%arg0: i32, %arg1: memref<2x5120x128xf32, #tpu.memory_space<vmem>>, %arg2: memref<2x640x128xf32, #tpu.memory_space<vmem>>, %arg3: memref<128x128xf32, #tpu.memory_space<vmem>>, %arg4: memref<1x128xf32, #tpu.memory_space<vmem>>, %arg5: memref<128x256xf32, #tpu.memory_space<vmem>>, %arg6: memref<1x256xf32, #tpu.memory_space<vmem>>, %arg7: memref<256x64xf32, #tpu.memory_space<vmem>>, %arg8: memref<1x64xf32, #tpu.memory_space<vmem>>, %arg9: memref<5120x64xf32, #tpu.memory_space<vmem>>) attributes {dimension_semantics = [#tpu.dimension_semantics<arbitrary>], iteration_bounds = array<i64: 2>, scalar_prefetch = 0 : i64, scratch_operands = 0 : i64, tpu.core_type = #tpu.core_type<tc>, window_params = [{transform_indices = @transform_0, window_bounds = array<i64: 2, 5120, 128>}, {transform_indices = @transform_1, window_bounds = array<i64: 2, 640, 128>}, {pipeline_mode = #tpu.pipeline_mode<synchronous>, transform_indices = @transform_2, window_bounds = array<i64: 128, 128>}, {pipeline_mode = #tpu.pipeline_mode<synchronous>, transform_indices = @transform_3, window_bounds = array<i64: 1, 128>}, {pipeline_mode = #tpu.pipeline_mode<synchronous>, transform_indices = @transform_4, window_bounds = array<i64: 128, 256>}, {pipeline_mode = #tpu.pipeline_mode<synchronous>, transform_indices = @transform_5, window_bounds = array<i64: 1, 256>}, {pipeline_mode = #tpu.pipeline_mode<synchronous>, transform_indices = @transform_6, window_bounds = array<i64: 256, 64>}, {pipeline_mode = #tpu.pipeline_mode<synchronous>, transform_indices = @transform_7, window_bounds = array<i64: 1, 64>}, {transform_indices = @transform_8, window_bounds = array<i64: 5120, 64>}]} {
    %get3A = arith.constant 0 : index
    %get3A_0 = arith.constant 0 : index
    %get3A_1 = arith.constant 0 : index
    %get3A_2 = vector.load %arg1[%get3A, %get3A_0, %get3A_1] : memref<2x5120x128xf32, #tpu.memory_space<vmem>>, vector<1x5120x128xf32>
    %get3A_3 = vector.shape_cast %get3A_2 : vector<1x5120x128xf32> to vector<5120x128xf32>
    %get3A_4 = arith.constant 1 : index
    %get3A_5 = arith.constant 0 : index
    %get3A_6 = arith.constant 0 : index
    %get3A_7 = vector.load %arg1[%get3A_4, %get3A_5, %get3A_6] : memref<2x5120x128xf32, #tpu.memory_space<vmem>>, vector<1x5120x128xf32>
    %get3A_8 = vector.shape_cast %get3A_7 : vector<1x5120x128xf32> to vector<5120x128xf32>
    %add3A = arith.addf %get3A_3, %get3A_8 : vector<5120x128xf32>
    %get3A_9 = arith.constant 0 : index
    %get3A_10 = arith.constant 0 : index
    %get3A_11 = arith.constant 0 : index
    %get3A_12 = vector.load %arg2[%get3A_9, %get3A_10, %get3A_11] : memref<2x640x128xf32, #tpu.memory_space<vmem>>, vector<1x640x128xf32>
    %get3A_13 = vector.shape_cast %get3A_12 : vector<1x640x128xf32> to vector<640x128xf32>
    %get3A_14 = arith.constant 1 : index
    %get3A_15 = arith.constant 0 : index
    %get3A_16 = arith.constant 0 : index
    %get3A_17 = vector.load %arg2[%get3A_14, %get3A_15, %get3A_16] : memref<2x640x128xf32, #tpu.memory_space<vmem>>, vector<1x640x128xf32>
    %get3A_18 = vector.shape_cast %get3A_17 : vector<1x640x128xf32> to vector<640x128xf32>
    %add3A_19 = arith.addf %get3A_13, %get3A_18 : vector<640x128xf32>
    %iota3A = tpu.iota {dimensions = array<i32: 0>} : vector<128x8xi32>
    %iota3A_20 = tpu.iota {dimensions = array<i32: 1>} : vector<128x8xi32>
    %mul3A = arith.constant 16 : i32
    %mul3A_21 = vector.broadcast %mul3A : i32 to vector<128x8xi32>
    %mul3A_22 = arith.muli %iota3A_20, %mul3A_21 : vector<128x8xi32>
    %eq3A = arith.cmpi eq, %iota3A, %mul3A_22 : vector<128x8xi32>
    %convert_element_type3A = arith.extui %eq3A : vector<128x8xi1> to vector<128x8xi32>
    %convert_element_type3A_23 = arith.sitofp %convert_element_type3A : vector<128x8xi32> to vector<128x8xf32>
    %dot_general3A = arith.constant dense<0.000000e+00> : vector<640x8xf32>
    %dot_general3A_24 = tpu.matmul %add3A_19, %convert_element_type3A_23, %dot_general3A {dimension_numbers = #tpu.dot_dimension_numbers<[1], [0], [0], [1], [0, 0, 1, 1], [], []>, transpose_lhs_hint = false} : vector<640x128xf32>, vector<128x8xf32>, vector<640x8xf32> -> vector<640x8xf32>
    %max3A = arith.constant 1.000000e+00 : f32
    %max3A_25 = vector.broadcast %max3A : f32 to vector<640x8xf32>
    %max3A_26 = arith.maximumf %dot_general3A_24, %max3A_25 : vector<640x8xf32>
    %div3A = arith.constant 1.000000e+00 : f32
    %div3A_27 = vector.broadcast %div3A : f32 to vector<640x8xf32>
    %div3A_28 = arith.divf %div3A_27, %max3A_26 : vector<640x8xf32>
    %reshape3A = vector.shape_cast %add3A : vector<5120x128xf32> to vector<640x8x128xf32>
    %broadcast_in_dim3A = vector.shape_cast %div3A_28 : vector<640x8xf32> to vector<640x8x1xf32>
    %mul3A_29 = vector.broadcast %broadcast_in_dim3A : vector<640x8x1xf32> to vector<640x8x128xf32>
    %mul3A_30 = arith.mulf %reshape3A, %mul3A_29 : vector<640x8x128xf32>
    %reshape3A_31 = vector.shape_cast %mul3A_30 : vector<640x8x128xf32> to vector<5120x128xf32>
    %get3A_32 = arith.constant 0 : index
    %get3A_33 = arith.constant 0 : index
    %get3A_34 = vector.load %arg3[%get3A_32, %get3A_33] : memref<128x128xf32, #tpu.memory_space<vmem>>, vector<128x128xf32>
    %dot_general3A_35 = arith.constant dense<0.000000e+00> : vector<5120x128xf32>
    %dot_general3A_36 = tpu.matmul %reshape3A_31, %get3A_34, %dot_general3A_35 {dimension_numbers = #tpu.dot_dimension_numbers<[1], [0], [0], [1], [0, 0, 1, 1], [], []>, transpose_lhs_hint = false} : vector<5120x128xf32>, vector<128x128xf32>, vector<5120x128xf32> -> vector<5120x128xf32>
    %get3A_37 = arith.constant 0 : index
    %get3A_38 = arith.constant 0 : index
    %get3A_39 = vector.load %arg4[%get3A_37, %get3A_38] : memref<1x128xf32, #tpu.memory_space<vmem>>, vector<1x128xf32>
    %add3A_40 = vector.broadcast %get3A_39 : vector<1x128xf32> to vector<5120x128xf32>
    %add3A_41 = arith.addf %dot_general3A_36, %add3A_40 : vector<5120x128xf32>
    %max3A_42 = arith.constant 0.000000e+00 : f32
    %max3A_43 = vector.broadcast %max3A_42 : f32 to vector<5120x128xf32>
    %max3A_44 = arith.maximumf %add3A_41, %max3A_43 : vector<5120x128xf32>
    %get3A_45 = arith.constant 0 : index
    %get3A_46 = arith.constant 0 : index
    %get3A_47 = vector.load %arg5[%get3A_45, %get3A_46] : memref<128x256xf32, #tpu.memory_space<vmem>>, vector<128x256xf32>
    %dot_general3A_48 = arith.constant dense<0.000000e+00> : vector<5120x256xf32>
    %dot_general3A_49 = tpu.matmul %max3A_44, %get3A_47, %dot_general3A_48 {dimension_numbers = #tpu.dot_dimension_numbers<[1], [0], [0], [1], [0, 0, 1, 1], [], []>, transpose_lhs_hint = false} : vector<5120x128xf32>, vector<128x256xf32>, vector<5120x256xf32> -> vector<5120x256xf32>
    %get3A_50 = arith.constant 0 : index
    %get3A_51 = arith.constant 0 : index
    %get3A_52 = vector.load %arg6[%get3A_50, %get3A_51] : memref<1x256xf32, #tpu.memory_space<vmem>>, vector<1x256xf32>
    %add3A_53 = vector.broadcast %get3A_52 : vector<1x256xf32> to vector<5120x256xf32>
    %add3A_54 = arith.addf %dot_general3A_49, %add3A_53 : vector<5120x256xf32>
    %get3A_55 = arith.constant 0 : index
    %get3A_56 = arith.constant 0 : index
    %get3A_57 = vector.load %arg7[%get3A_55, %get3A_56] : memref<256x64xf32, #tpu.memory_space<vmem>>, vector<256x64xf32>
    %dot_general3A_58 = arith.constant dense<0.000000e+00> : vector<5120x64xf32>
    %dot_general3A_59 = tpu.matmul %add3A_54, %get3A_57, %dot_general3A_58 {dimension_numbers = #tpu.dot_dimension_numbers<[1], [0], [0], [1], [0, 0, 1, 1], [], []>, transpose_lhs_hint = false} : vector<5120x256xf32>, vector<256x64xf32>, vector<5120x64xf32> -> vector<5120x64xf32>
    %get3A_60 = arith.constant 0 : index
    %get3A_61 = arith.constant 0 : index
    %get3A_62 = vector.load %arg8[%get3A_60, %get3A_61] : memref<1x64xf32, #tpu.memory_space<vmem>>, vector<1x64xf32>
    %add3A_63 = vector.broadcast %get3A_62 : vector<1x64xf32> to vector<5120x64xf32>
    %add3A_64 = arith.addf %dot_general3A_59, %add3A_63 : vector<5120x64xf32>
    %swap3A = arith.constant 0 : index
    %swap3A_65 = arith.constant 0 : index
    %swap3A_66 = vector.load %arg9[%swap3A, %swap3A_65] : memref<5120x64xf32, #tpu.memory_space<vmem>>, vector<5120x64xf32>
    tpu.vector_store %arg9[%swap3A, %swap3A_65], %add3A_64 {strides = array<i32>} : memref<5120x64xf32, #tpu.memory_space<vmem>>, vector<5120x64xf32>,
    return
  }
  func.func @transform_0(%arg0: i32) -> (i32, i32, i32) {
    %c0_i32 = arith.constant 0 : i32
    %c0_i32_0 = arith.constant 0 : i32
    %c0_i32_1 = arith.constant 0 : i32
    return %c0_i32, %arg0, %c0_i32_0 : i32, i32, i32
  }
  func.func @transform_1(%arg0: i32) -> (i32, i32, i32) {
    %c0_i32 = arith.constant 0 : i32
    %c0_i32_0 = arith.constant 0 : i32
    %c0_i32_1 = arith.constant 0 : i32
    return %c0_i32, %arg0, %c0_i32_0 : i32, i32, i32
  }
  func.func @transform_2(%arg0: i32) -> (i32, i32) {
    %c0_i32 = arith.constant 0 : i32
    %c0_i32_0 = arith.constant 0 : i32
    %c0_i32_1 = arith.constant 0 : i32
    return %c0_i32, %c0_i32_0 : i32, i32
  }
  func.func @transform_3(%arg0: i32) -> (i32, i32) {
    %c0_i32 = arith.constant 0 : i32
    %c0_i32_0 = arith.constant 0 : i32
    %c0_i32_1 = arith.constant 0 : i32
    return %c0_i32, %c0_i32_0 : i32, i32
  }
  func.func @transform_4(%arg0: i32) -> (i32, i32) {
    %c0_i32 = arith.constant 0 : i32
    %c0_i32_0 = arith.constant 0 : i32
    %c0_i32_1 = arith.constant 0 : i32
    return %c0_i32, %c0_i32_0 : i32, i32
  }
  func.func @transform_5(%arg0: i32) -> (i32, i32) {
    %c0_i32 = arith.constant 0 : i32
    %c0_i32_0 = arith.constant 0 : i32
    %c0_i32_1 = arith.constant 0 : i32
    return %c0_i32, %c0_i32_0 : i32, i32
  }
  func.func @transform_6(%arg0: i32) -> (i32, i32) {
    %c0_i32 = arith.constant 0 : i32
    %c0_i32_0 = arith.constant 0 : i32
    %c0_i32_1 = arith.constant 0 : i32
    return %c0_i32, %c0_i32_0 : i32, i32
  }
  func.func @transform_7(%arg0: i32) -> (i32, i32) {
    %c0_i32 = arith.constant 0 : i32
    %c0_i32_0 = arith.constant 0 : i32
    %c0_i32_1 = arith.constant 0 : i32
    return %c0_i32, %c0_i32_0 : i32, i32
  }
  func.func @transform_8(%arg0: i32) -> (i32, i32) {
    %c0_i32 = arith.constant 0 : i32
    %c0_i32_0 = arith.constant 0 : i32
    return %arg0, %c0_i32 : i32, i32
  }
}

module attributes {stable_mosaic.version = 14 : i64} {
  func.func @_tc1_body(%arg0: i32, %arg1: memref<2x5120x128xf32, #tpu.memory_space<vmem>>, %arg2: memref<2x640x128xf32, #tpu.memory_space<vmem>>, %arg3: memref<128x128xf32, #tpu.memory_space<vmem>>, %arg4: memref<1x128xf32, #tpu.memory_space<vmem>>, %arg5: memref<5120x128xf32, #tpu.memory_space<vmem>>) attributes {dimension_semantics = [#tpu.dimension_semantics<arbitrary>], iteration_bounds = array<i64: 2>, scalar_prefetch = 0 : i64, scratch_operands = 0 : i64, tpu.core_type = #tpu.core_type<tc>, window_params = [{transform_indices = @transform_0, window_bounds = array<i64: 2, 5120, 128>}, {transform_indices = @transform_1, window_bounds = array<i64: 2, 640, 128>}, {pipeline_mode = #tpu.pipeline_mode<synchronous>, transform_indices = @transform_2, window_bounds = array<i64: 128, 128>}, {pipeline_mode = #tpu.pipeline_mode<synchronous>, transform_indices = @transform_3, window_bounds = array<i64: 1, 128>}, {transform_indices = @transform_4, window_bounds = array<i64: 5120, 128>}]} {
    %get3A = arith.constant 0 : index
    %get3A_0 = arith.constant 0 : index
    %get3A_1 = arith.constant 0 : index
    %get3A_2 = vector.load %arg1[%get3A, %get3A_0, %get3A_1] : memref<2x5120x128xf32, #tpu.memory_space<vmem>>, vector<1x5120x128xf32>
    %get3A_3 = vector.shape_cast %get3A_2 : vector<1x5120x128xf32> to vector<5120x128xf32>
    %get3A_4 = arith.constant 1 : index
    %get3A_5 = arith.constant 0 : index
    %get3A_6 = arith.constant 0 : index
    %get3A_7 = vector.load %arg1[%get3A_4, %get3A_5, %get3A_6] : memref<2x5120x128xf32, #tpu.memory_space<vmem>>, vector<1x5120x128xf32>
    %get3A_8 = vector.shape_cast %get3A_7 : vector<1x5120x128xf32> to vector<5120x128xf32>
    %add3A = arith.addf %get3A_3, %get3A_8 : vector<5120x128xf32>
    %get3A_9 = arith.constant 0 : index
    %get3A_10 = arith.constant 0 : index
    %get3A_11 = arith.constant 0 : index
    %get3A_12 = vector.load %arg2[%get3A_9, %get3A_10, %get3A_11] : memref<2x640x128xf32, #tpu.memory_space<vmem>>, vector<1x640x128xf32>
    %get3A_13 = vector.shape_cast %get3A_12 : vector<1x640x128xf32> to vector<640x128xf32>
    %get3A_14 = arith.constant 1 : index
    %get3A_15 = arith.constant 0 : index
    %get3A_16 = arith.constant 0 : index
    %get3A_17 = vector.load %arg2[%get3A_14, %get3A_15, %get3A_16] : memref<2x640x128xf32, #tpu.memory_space<vmem>>, vector<1x640x128xf32>
    %get3A_18 = vector.shape_cast %get3A_17 : vector<1x640x128xf32> to vector<640x128xf32>
    %add3A_19 = arith.addf %get3A_13, %get3A_18 : vector<640x128xf32>
    %iota3A = tpu.iota {dimensions = array<i32: 0>} : vector<128x8xi32>
    %iota3A_20 = tpu.iota {dimensions = array<i32: 1>} : vector<128x8xi32>
    %mul3A = arith.constant 16 : i32
    %mul3A_21 = vector.broadcast %mul3A : i32 to vector<128x8xi32>
    %mul3A_22 = arith.muli %iota3A_20, %mul3A_21 : vector<128x8xi32>
    %eq3A = arith.cmpi eq, %iota3A, %mul3A_22 : vector<128x8xi32>
    %convert_element_type3A = arith.extui %eq3A : vector<128x8xi1> to vector<128x8xi32>
    %convert_element_type3A_23 = arith.sitofp %convert_element_type3A : vector<128x8xi32> to vector<128x8xf32>
    %dot_general3A = arith.constant dense<0.000000e+00> : vector<640x8xf32>
    %dot_general3A_24 = tpu.matmul %add3A_19, %convert_element_type3A_23, %dot_general3A {dimension_numbers = #tpu.dot_dimension_numbers<[1], [0], [0], [1], [0, 0, 1, 1], [], []>, transpose_lhs_hint = false} : vector<640x128xf32>, vector<128x8xf32>, vector<640x8xf32> -> vector<640x8xf32>
    %max3A = arith.constant 1.000000e+00 : f32
    %max3A_25 = vector.broadcast %max3A : f32 to vector<640x8xf32>
    %max3A_26 = arith.maximumf %dot_general3A_24, %max3A_25 : vector<640x8xf32>
    %div3A = arith.constant 1.000000e+00 : f32
    %div3A_27 = vector.broadcast %div3A : f32 to vector<640x8xf32>
    %div3A_28 = arith.divf %div3A_27, %max3A_26 : vector<640x8xf32>
    %reshape3A = vector.shape_cast %add3A : vector<5120x128xf32> to vector<640x8x128xf32>
    %broadcast_in_dim3A = vector.shape_cast %div3A_28 : vector<640x8xf32> to vector<640x8x1xf32>
    %mul3A_29 = vector.broadcast %broadcast_in_dim3A : vector<640x8x1xf32> to vector<640x8x128xf32>
    %mul3A_30 = arith.mulf %reshape3A, %mul3A_29 : vector<640x8x128xf32>
    %reshape3A_31 = vector.shape_cast %mul3A_30 : vector<640x8x128xf32> to vector<5120x128xf32>
    %get3A_32 = arith.constant 0 : index
    %get3A_33 = arith.constant 0 : index
    %get3A_34 = vector.load %arg3[%get3A_32, %get3A_33] : memref<128x128xf32, #tpu.memory_space<vmem>>, vector<128x128xf32>
    %dot_general3A_35 = arith.constant dense<0.000000e+00> : vector<5120x128xf32>
    %dot_general3A_36 = tpu.matmul %reshape3A_31, %get3A_34, %dot_general3A_35 {dimension_numbers = #tpu.dot_dimension_numbers<[1], [0], [0], [1], [0, 0, 1, 1], [], []>, transpose_lhs_hint = false} : vector<5120x128xf32>, vector<128x128xf32>, vector<5120x128xf32> -> vector<5120x128xf32>
    %get3A_37 = arith.constant 0 : index
    %get3A_38 = arith.constant 0 : index
    %get3A_39 = vector.load %arg4[%get3A_37, %get3A_38] : memref<1x128xf32, #tpu.memory_space<vmem>>, vector<1x128xf32>
    %add3A_40 = vector.broadcast %get3A_39 : vector<1x128xf32> to vector<5120x128xf32>
    %add3A_41 = arith.addf %dot_general3A_36, %add3A_40 : vector<5120x128xf32>
    %max3A_42 = arith.constant 0.000000e+00 : f32
    %max3A_43 = vector.broadcast %max3A_42 : f32 to vector<5120x128xf32>
    %max3A_44 = arith.maximumf %add3A_41, %max3A_43 : vector<5120x128xf32>
    %swap3A = arith.constant 0 : index
    %swap3A_45 = arith.constant 0 : index
    %swap3A_46 = vector.load %arg5[%swap3A, %swap3A_45] : memref<5120x128xf32, #tpu.memory_space<vmem>>, vector<5120x128xf32>
    tpu.vector_store %arg5[%swap3A, %swap3A_45], %max3A_44 {strides = array<i32>} : memref<5120x128xf32, #tpu.memory_space<vmem>>, vector<5120x128xf32>,
    return
  }
  func.func @transform_0(%arg0: i32) -> (i32, i32, i32) {
    %c0_i32 = arith.constant 0 : i32
    %c0_i32_0 = arith.constant 0 : i32
    %c0_i32_1 = arith.constant 0 : i32
    return %c0_i32, %arg0, %c0_i32_0 : i32, i32, i32
  }
  func.func @transform_1(%arg0: i32) -> (i32, i32, i32) {
    %c0_i32 = arith.constant 0 : i32
    %c0_i32_0 = arith.constant 0 : i32
    %c0_i32_1 = arith.constant 0 : i32
    return %c0_i32, %arg0, %c0_i32_0 : i32, i32, i32
  }
  func.func @transform_2(%arg0: i32) -> (i32, i32) {
    %c0_i32 = arith.constant 0 : i32
    %c0_i32_0 = arith.constant 0 : i32
    %c0_i32_1 = arith.constant 0 : i32
    return %c0_i32, %c0_i32_0 : i32, i32
  }
  func.func @transform_3(%arg0: i32) -> (i32, i32) {
    %c0_i32 = arith.constant 0 : i32
    %c0_i32_0 = arith.constant 0 : i32
    %c0_i32_1 = arith.constant 0 : i32
    return %c0_i32, %c0_i32_0 : i32, i32
  }
  func.func @transform_4(%arg0: i32) -> (i32, i32) {
    %c0_i32 = arith.constant 0 : i32
    %c0_i32_0 = arith.constant 0 : i32
    return %arg0, %c0_i32 : i32, i32
  }
}

</mosaic_0001>

<sc_bundles>
// kernel: kernel.6.cloned.1.call-start
scs
__scs_entry_jumppad:
0x0: {  	(pc) =	sbr.rel $0x88, $3  }
0x1: {  	(tag) =	ssettag $0x0;
	lr =	simm.s32 $0x1  }
0x2: {  	[smem:$0x3F97] =	sst lr;
	_ =	strace $0xD0000000  }
0x3: {  	_ = 	snop  }
0x4: {  	_ = 	snop  }
0x5: {  	_ = 	snop  }
0x6: {  	_ = 	snop  }
0x7: {  	_ = 	snop  }
__scs_overlays_trampoline_lowered:
0x8: {  	[smem:$0x3FA6] =	sst s0  }
0x9: {  	[smem:$0x3FA7] =	sst s1  }
0xa: {  	[smem:$0x3FA8] =	sst s2  }
0xb: {  	[smem:$0x3FA9] =	sst s3  }
0xc: {  	[smem:$0x3FAA] =	sst s4  }
0xd: {  	[smem:$0x3FAB] =	sst s5  }
0xe: {  	[smem:$0x3FAC] =	sst s6  }
0xf: {  	[smem:$0x3FAD] =	sst s7  }
0x10: {  	[smem:$0x3FAE] =	sst s8  }
0x11: {  	[smem:$0x3FAF] =	sst s9;
	s0 =	simm.s32 @!p0 $0x0  }
0x12: {  	s1 =	sld [smem:$0x3F95];
	s0 =	simm.s32 @p0 $0x1  }
0x13: {  	[smem:$0x3FB0] =	sst s0;
	s0 =	simm.s32 @!p1 $0x0  }
0x14: {  	s2 =	sld [smem:$0x3F94];
	s0 =	simm.s32 @p1 $0x1  }
0x15: {  	[smem:$0x3FB1] =	sst s0;
	s0 =	simm.s32 @!p2 $0x0  }
0x16: {  	s3 =	sld [smem:$0x3FDB];
	s0 =	simm.s32 @p2 $0x1  }
0x17: {  	s4 =	simm.s32 $0x1BF5;
	[smem:$0x3FB3] =	sst s0  }
0x18: {  	s0 =	sld [smem:$0x3F96];
	_ =	swait.ge [sflag:s4], $0x0  }
0x19: {  	s7 =	sld [smem:$0x3F97]  }
0x1a: {  	s8 =	sadd.s32 $0xFFFFE003, lr  }
0x1b: {  	s9 =	sadd.s32 $0xFFFFFEF7, lr;
	s5 =	simm.s32 $0xFFFFFFFF;
	p2 =	slt.u32 s8, $0xFFFFF086  }
0x1c: {  	p1 =	slt.u32 s9, $0xF7A;
	s5 =	simm.s32 @!p2 $0x0  }
0x1d: {  	s5 =	simm.s32 @p1 $0x1;
	p0 =	seq.s32 s7, s2  }
0x1e: {  	s7 =	smul.u32 @!p0 $0xF7A, s2;
	p2 =	seq.s32 @!p0 s5, $0x0  }
0x1f: {  	s9 =	smul.u32 $0xF7A, s1;
	s8 =	simm.s32 @!p0 $0x1BF5;
	p2 =	por !p2, p0  }
0x20: {  	[sflag:s8] =	ssyncset.s32 @!p0 $0xFFFFF086;
	s6 =	sadd.s32 @!p0 s3, s7;
	s7 =	simm.s32 @!p0 $0x108  }
0x21: {  	s3 =	sadd.s32 s3, s9;
	s6 =	sadd.s32 @!p0 $0x88, s6;
	s7 =	simm.s32 @p2 $0x1082  }
0x22: {  	[simem:s7], [sflag:s8] =	dma.local @!p0 [hbm:s6], $0xF7A  }
0x23: {  	s9 =	sor.u32 $0xD0000000, s2;
	s6 =	simm.s32 $0x108;
	_ =	swait.ge @!p0 [sflag:s8], $0x0  }
0x24: {  	s3 =	sadd.s32 $0x88, s3;
	s6 =	simm.s32 @!p1 $0x1082;
	[sflag:s4] =	ssyncset.s32 $0xFFFFF086  }
0x25: {  	[simem:s6], [sflag:s4] =	dma.local [hbm:s3], $0xF7A  }
0x26: {  	[smem:$0x3F97] =	sst s1;
	(tag) =	ssettag s2;
	_ =	strace s9  }
0x27: {  	s1 =	sld [smem:$0x3FA7]  }
0x28: {  	s2 =	sld [smem:$0x3FA8]  }
0x29: {  	s4 =	sld [smem:$0x3FAA]  }
0x2a: {  	p0 =	seq.s32 s5, $0x0;
	s5 =	sld [smem:$0x3FAB]  }
0x2b: {  	s6 =	sld [smem:$0x3FAC]  }
0x2c: {  	s7 =	sld [smem:$0x3FAD]  }
0x2d: {  	s3 =	simm.s32 $0x108;
	s8 =	sld [smem:$0x3FAE]  }
0x2e: {  	s3 =	simm.s32 @!p0 $0x1082;
	s9 =	sld [smem:$0x3FAF]  }
0x2f: {  	lr =	sadd.s32 s0, s3;
	s0 =	sld [smem:$0x3FA6]  }
0x30: {  	s3 =	sld [smem:$0x3FA9]  }
0x31: {  	[smem:$0x3FB2] =	sst s10  }
0x32: {  	s10 =	sld [smem:$0x3FB0];
	_ =	sdelay $0x3  }
0x33: {  	p0 =	seq.s32 s10, $0x1;
	s10 =	sld [smem:$0x3FB2];
	_ =	sdelay $0x3  }
0x34: {  	[smem:$0x3FB2] =	sst s10  }
0x35: {  	s10 =	sld [smem:$0x3FB1];
	_ =	sdelay $0x3  }
0x36: {  	p1 =	seq.s32 s10, $0x1;
	s10 =	sld [smem:$0x3FB2];
	_ =	sdelay $0x3  }
0x37: {  	[smem:$0x3FB2] =	sst s10  }
0x38: {  	s10 =	sld [smem:$0x3FB3]  }
0x39: {  	_ = 	snop;
	(pc) =	sbr.ind lr, $3  }
0x3a: {  	_ = 	snop  }
0x3b: {  	_ = 	snop  }
0x3c: {  	p2 =	seq.s32 s10, $0x1;
	s10 =	sld [smem:$0x3FB2]  }
0x3d: {  	_ =	shalt  }
0x3e: {  	_ =	shalt  }
0x3f: {  	_ =	shalt  }
0x40: {  	_ =	shalt  }
0x41: {  	_ =	shalt  }
0x42: {  	_ =	shalt  }
0x43: {  	_ =	shalt  }
0x44: {  	_ =	shalt  }
0x45: {  	_ =	shalt  }
0x46: {  	_ =	shalt  }
0x47: {  	_ =	shalt  }
0x48: {  	_ =	shalt  }
0x49: {  	_ =	shalt  }
0x4a: {  	_ =	shalt  }
0x4b: {  	_ =	shalt  }
0x4c: {  	_ =	shalt  }
0x4d: {  	_ =	shalt  }
0x4e: {  	_ =	shalt  }
0x4f: {  	_ =	shalt  }
0x50: {  	_ =	shalt  }
0x51: {  	_ =	shalt  }
0x52: {  	_ =	shalt  }
0x53: {  	_ =	shalt  }
0x54: {  	_ =	shalt  }
0x55: {  	_ =	shalt  }
0x56: {  	_ =	shalt  }
0x57: {  	_ =	shalt  }
0x58: {  	_ =	shalt  }
0x59: {  	_ =	shalt  }
0x5a: {  	_ =	shalt  }
0x5b: {  	_ =	shalt  }
0x5c: {  	_ =	shalt  }
0x5d: {  	_ =	shalt  }
0x5e: {  	_ =	shalt  }
0x5f: {  	_ =	shalt  }
0x60: {  	_ =	shalt  }
0x61: {  	_ =	shalt  }
0x62: {  	_ =	shalt  }
0x63: {  	_ =	shalt  }
0x64: {  	_ =	shalt  }
0x65: {  	_ =	shalt  }
0x66: {  	_ =	shalt  }
0x67: {  	_ =	shalt  }
0x68: {  	_ =	shalt  }
0x69: {  	_ =	shalt  }
0x6a: {  	_ =	shalt  }
0x6b: {  	_ =	shalt  }
0x6c: {  	_ =	shalt  }
0x6d: {  	_ =	shalt  }
0x6e: {  	_ =	shalt  }
0x6f: {  	_ =	shalt  }
0x70: {  	_ =	shalt  }
0x71: {  	_ =	shalt  }
0x72: {  	_ =	shalt  }
0x73: {  	_ =	shalt  }
0x74: {  	_ =	shalt  }
0x75: {  	_ =	shalt  }
0x76: {  	_ =	shalt  }
0x77: {  	_ =	shalt  }
0x78: {  	_ =	shalt  }
0x79: {  	_ =	shalt  }
0x7a: {  	_ =	shalt  }
0x7b: {  	_ =	shalt  }
0x7c: {  	_ =	shalt  }
0x7d: {  	_ =	shalt  }
0x7e: {  	_ =	shalt  }
0x7f: {  	_ =	shalt  }
0x80: {  	_ =	shalt  }
0x81: {  	_ =	shalt  }
0x82: {  	_ =	shalt  }
0x83: {  	_ =	shalt  }
0x84: {  	_ =	shalt  }
0x85: {  	_ =	shalt  }
0x86: {  	_ =	shalt  }
0x87: {  	_ =	shalt  }
.Lfunc_end0:
.L_simem_size_0:
called_computation_lowered:
.L_overlay_start_0:
0x88: {  	s2 =	sld [smem:$0x3FD9]  }
0x89: {  	s3 =	sld [smem:$0x3FFE];
	_ =	sdelay $0x1  }
0x8a: {  	s1 =	srdreg.scid  }
0x8b: {  	s0 =	sand.u32 $0x1, s1  }
0x8c: {  	s17 =	sshll.u32 s0, $0xA;
	s2 =	sadd.s32 s3, s2  }
0x8d: {  	s2 =	sadd.s32 s2, s17  }
0x8e: {  	[smem:$0x3FBE] =	sst s2  }
0x8f: {  	_ = 	snop  }
0x90: {  	s2 =	sld [smem:$0x3FC9]  }
0x91: {  	s18 =	sld [smem:$0x3FD0];
	(tm) =	ssettm $0x1  }
0x92: {  	s4 =	sld [smem:$0x3FFB];
	_ =	sdelay $0x3  }
0x93: {  	_ =	strace s4  }
0x94: {  	s4 =	sld [smem:$0x3FFC];
	_ =	sdelay $0x3  }
0x95: {  	_ =	strace s4  }
0x96: {  	s4 =	sld [smem:$0x3FFD];
	_ =	sdelay $0x3  }
0x97: {  	_ =	strace s4  }
0x98: {  	_ =	strace $0x8FFFFFFF  }
0x99: {  	s19 =	sld [smem:$0x3FDB];
	_ =	sdelay $0x1  }
0x9a: {  	s5 =	simm.s32 $_scs_section_size  }
0x9b: {  	s6 =	simm.s32 $_size__tile_overlayer_lowered;
	s7 =	simm.s32 $_tile_overlayer_lowered  }
0x9c: {  	s22 =	simm.s32 $0x1BFF;
	s21 =	sshll.u32 s7, $0x1;
	s4 =	sadd.s32 s5, s19  }
0x9d: {  	s8 =	simm.s32 $0x0;
	s20 =	sshll.u32 s6, $0x1;
	s6 =	sadd.s32 s21, s4  }
0x9e: {  	[timem:s8], [sflag:s22] =	dma.local [hbm:s6], s20  }
0x9f: {  	_ =	swait.ge [sflag:s22], s20  }
0xa0: {  	s5 =	ssub.s32 $0x0, s20;
	[sflag:s22] =	ssyncset.done $0x0  }
0xa1: {  	[sflag:s22] =	ssyncadd.s32 s5;
	_ =	sdelay $0x1  }
0xa2: {  	s23 =	simm.s32 $0x1B8B  }
0xa3: {  	_ =	swait.ge [sflag:s23], $0x1  }
0xa4: {  	[sflag:s23] =	ssyncset.done $0x0  }
0xa5: {  	s25 =	simm.s32 $0x1B8E;
	s24 =	sld [smem:$0x3FFE];
	[sflag:s23] =	ssyncadd.s32 $0xFFFFFFFF  }
0xa6: {  	s26 =	simm.s32 $execute0_lowered;
	[smem:$0x3FD2] =	sst s25  }
0xa7: {  	s6 =	sshll.u32 s26, $0x1;
	_ =	strace $0x80000046;
	[dreg:$0x1] =	wrdreg $0xFFFFFFFF  }
0xa8: {  	s28 =	simm.s32 $_size_execute0_lowered;
	s4 =	sadd.s32 s4, s6;
	[dreg:$0x0] =	wrdreg $0x0  }
0xa9: {  	s6 =	sshll.u32 s28, $0x1;
	[dreg:$0x2] =	wrdreg s4  }
0xaa: {  	[dreg:$0x3] =	wrdreg s6  }
0xab: {  	[dreg:$0x4] =	wrdreg $0xC0  }
0xac: {  	_ =	task [dreg:s8], $0x5FFFF  }
0xad: {  	[dreg:$0x1] =	wrdreg $0xFFFFFFFF  }
0xae: {  	[dreg:$0x0] =	wrdreg $0x60  }
0xaf: {  	[dreg:$0x2] =	wrdreg s2  }
0xb0: {  	[dreg:$0x3] =	wrdreg s18  }
0xb1: {  	[dreg:$0x4] =	wrdreg s24  }
0xb2: {  	[dreg:$0x5] =	wrdreg $0x0  }
0xb3: {  	[dreg:$0x6] =	wrdreg $0x140000  }
0xb4: {  	[dreg:$0x7] =	wrdreg $0x9  }
0xb5: {  	_ =	task.clear_ibuf [dreg:s8], $0x8FFFF;
	_ =	strace $0x90000046  }
0xb6: {  	s29 =	simm.s32 $0x9;
	_ =	strace $0x80000048  }
0xb7: {  	_ =	swait.ge [sflag:s29], $0x1  }
0xb8: {  	[sflag:s29] =	ssyncadd.s32 $0xFFFFFFFF  }
0xb9: {  	_ =	strace $0x90000048  }
0xba: {  	_ =	sfence  }
0xbb: {  	s30 =	sld [smem:$0x0];
	_ =	sdelay $0x2  }
0xbc: {  	s31 =	sshll.u32 s1, $0xD;
	s1 =	sshrl.u32 s1, $0x2  }
0xbd: {  	s3 =	sand.u32 $0x4000, s31;
	s1 =	sadd.s32 s1, s30  }
0xbe: {  	s0 =	sor.u32 s3, s0;
	s1 =	sshll.u32 s1, $0x11  }
0xbf: {  	s0 =	sor.u32 s1, s0  }
0xc0: {  	s0 =	sadd.s32 $0x8F2B, s0  }
0xc1: {  	[sflag:s0] =	ssyncadd.remote.s32 $0x1  }
0xc2: {  	_ =	sfence.sel $0xFFFF  }
0xc3: {  	[dreg:$0x0] =	wrdreg $0xFFFFFFFF;
	(pc) =	sbr.abs _section_cstart, $3  }
0xc4: {  	[dreg:$0x1] =	wrdreg $0xFFFFFFFF  }
0xc5: {  	_ =	task.clear_ibuf [dreg:s8], $0x2FFFF;
	_ =	strace $0x9FFFFFFF  }
0xc6: {  	(tm) =	ssettm $0x7FFFFFFF  }
0xc7: {  	_ =	shalt  }
tec
execute0_lowered:
.L_overlay_start_1:
0x0: {  	(tag) =	ssettag $0x1  }
0x1: {  	s1 =	rddreg [dreg:$0x0]  }
0x2: {  	s20 =	rddreg [dreg:$0x1]  }
0x3: {  	s2 =	rddreg [dreg:$0x2];
	s19 =	stileid.u32  }
0x4: {  	s0 =	srdreg.scid;
	s7 =	smul.u32 $0x14000, s19  }
0x5: {  	s4 =	rddreg [dreg:$0x3];
	s8 =	smul.u32 $0x2800, s19  }
0x6: {  	s5 =	rddreg [dreg:$0x4];
	s12 =	smul.u32 $0x280, s19  }
0x7: {  	s6 =	simm.s32 $0x0;
	s3 =	sand.u32 $0x1, s0;
	s17 =	smul.u32 $0x2710, s19  }
0x8: {  	[smem:$0x7FF] =	sst s6;
	s0 =	smul.u32 $0x140000, s3  }
0x9: {  	s28 =	simm.s32 $0x1;
	s9 =	smul.u32 $0x28000, s3;
	_ =	strace $0x80000047  }
0xa: {  	s10 =	ssub.s32 $0x2, s3;
	s21 =	sshll.u32 s3, $0x4;
	s3 =	smul.u32 $0x27100, s3  }
0xb: {  	s11 =	sshrl.u32 s10, $0x1;
	s13 =	sadd.s32 $0xA0, s12;
	s0 =	sadd.s32 s7, s0  }
0xc: {  	s9 =	sadd.s32 s8, s9;
	s15 =	sshll.u32 s13, $0x7;
	s7 =	sadd.s32 s7, s4  }
0xd: {  	s3 =	sadd.s32 s17, s3;
	s17 =	sadd.s32 $0x1E0, s12;
	s8 =	sadd.s32 s8, s5  }
0xe: {  	s0 =	sshrl.u32 s0, $0x3;
	s9 =	sshrl.u32 s9, $0x3;
	[dreg:$0x6] =	wrdreg s7  }
0xf: {  	s23 =	sadd.s32 s15, s4;
	s7 =	sadd.s32 $0xF0, s12;
	s18 =	sshll.u32 s17, $0x7  }
0x10: {  	[dreg:$0xe] =	wrdreg s8;
	s0 =	sadd.s32 s0, s2;
	s2 =	sadd.s32 s9, s2  }
0x11: {  	s9 =	ssub.s32 s10, s11;
	s10 =	sor.u32 s19, s21;
	s11 =	sor.u32 $0x50, s12  }
0x12: {  	[dreg:$0x8] =	wrdreg s23;
	s24 =	sshll.u32 s7, $0x7;
	s19 =	smul.u32 $0xA000, s19  }
0x13: {  	s21 =	sadd.s32 s18, s4;
	s7 =	sshll.u32 s7, $0x4;
	s14 =	sshll.u32 s11, $0x7  }
0x14: {  	s15 =	sadd.s32 s24, s4;
	[dreg:$0xc] =	wrdreg s21;
	s11 =	sshll.u32 s11, $0x4  }
0x15: {  	s24 =	sshll.u32 s13, $0x4;
	s7 =	sadd.s32 s7, s5;
	s0 =	sadd.s32 $0x2600, s0  }
0x16: {  	s22 =	sadd.s32 s14, s4;
	s14 =	sadd.s32 $0x140, s12;
	[dreg:$0x9] =	wrdreg s15  }
0x17: {  	s15 =	sadd.s32 $0x190, s12;
	s12 =	sadd.s32 $0x230, s12;
	[dreg:$0x11] =	wrdreg s7  }
0x18: {  	s23 =	sshrl.u32 s19, $0x2;
	s11 =	sadd.s32 s11, s5;
	[dreg:$0x1f] =	wrdreg s0  }
0x19: {  	[dreg:$0x7] =	wrdreg s22;
	s16 =	sshll.u32 s14, $0x7;
	s26 =	sshll.u32 s15, $0x7  }
0x1a: {  	s22 =	sshll.u32 s12, $0x7;
	[dreg:$0xf] =	wrdreg s11;
	s11 =	sadd.s32 s24, s5  }
0x1b: {  	s8 =	sadd.s32 s23, s5;
	s25 =	sadd.s32 s16, s4;
	[dreg:$0x10] =	wrdreg s11  }
0x1c: {  	s12 =	sshll.u32 s12, $0x4;
	s16 =	sadd.s32 s26, s4;
	[dreg:$0xa] =	wrdreg s25  }
0x1d: {  	s11 =	sshll.u32 s15, $0x4;
	s15 =	sadd.s32 s12, s5;
	[dreg:$0xb] =	wrdreg s16  }
0x1e: {  	s13 =	sshll.u32 s17, $0x4;
	s17 =	sadd.s32 $0x780, s8;
	[dreg:$0x15] =	wrdreg s15  }
0x1f: {  	s29 =	simm.s32 $0x50;
	s18 =	sadd.s32 $0xC80, s8;
	[dreg:$0x17] =	wrdreg s17  }
0x20: {  	s30 =	simm.s32 $0x2;
	s19 =	sadd.s32 $0x1180, s8;
	[dreg:$0x18] =	wrdreg s18  }
0x21: {  	s31 =	simm.s32 $0x191E0;
	s21 =	sadd.s32 $0x1680, s8;
	[dreg:$0x19] =	wrdreg s19  }
0x22: {  	s10 =	smul.u32 $0x2710, s10;
	s23 =	sadd.s32 $0x2080, s8;
	[dreg:$0x1a] =	wrdreg s21  }
0x23: {  	s24 =	sadd.s32 $0x2580, s8;
	s12 =	sadd.s32 $0x52600, s2;
	[dreg:$0x1c] =	wrdreg s23  }
0x24: {  	s16 =	sadd.s32 s22, s4;
	s25 =	sshll.u32 s14, $0x4;
	[dreg:$0x1d] =	wrdreg s24  }
0x25: {  	s7 =	sadd.s32 s11, s5;
	s14 =	sadd.s32 s13, s5;
	[smem:$0x7F6] =	sst s12  }
0x26: {  	s22 =	sadd.s32 $0x1B80, s8;
	s13 =	smax.u32 s9, $0x1;
	[dreg:$0xd] =	wrdreg s16  }
0x27: {  	s15 =	sadd.s32 $0x4E340, s3;
	s18 =	sadd.s32 $0xF0, s3;
	[dreg:$0x13] =	wrdreg s7  }
0x28: {  	s19 =	sadd.s32 $0xA0, s3;
	s9 =	simm.s32 $0x5;
	[dreg:$0x14] =	wrdreg s14  }
0x29: {  	s12 =	simm.s32 $0x7;
	s26 =	sadd.s32 s25, s5;
	[dreg:$0x1b] =	wrdreg s22  }
0x2a: {  	s16 =	sadd.s32 $0x280, s8;
	s25 =	sshrl.u32 s10, $0x3;
	[smem:$0x7F7] =	sst s13  }
0x2b: {  	s14 =	sadd.s32 $0x140, s3;
	s2 =	sshrl.u32 s15, $0x3;
	[smem:$0x7F8] =	sst s18  }
0x2c: {  	s21 =	sshrl.u32 s19, $0x3;
	s8 =	simm.s32 $0x1E1E0;
	s18 =	simm.s32 $0x6  }
0x2d: {  	s19 =	simm.s32 $0x16990;
	s7 =	simm.s32 $0x16940;
	[dreg:$0x12] =	wrdreg s26  }
0x2e: {  	s15 =	simm.s32 $0x3;
	[dreg:$0x16] =	wrdreg s16;
	s26 =	sadd.s32 s20, s25  }
0x2f: {  	s0 =	sshrl.u32 s14, $0x3;
	s16 =	sadd.s32 $0x4E2F0, s3;
	s11 =	sadd.s32 s2, s20  }
0x30: {  	s3 =	sadd.s32 $0x4E2A0, s3;
	s14 =	simm.s32 $0x0;
	s10 =	sadd.s32 s0, s20  }
0x31: {  	s17 =	sshrl.u32 s16, $0x3;
	s22 =	sshrl.u32 s3, $0x3;
	s0 =	sadd.s32 s21, s20  }
0x32: {  	s24 =	sadd.s32 $0x9C40, s26;
	s25 =	sadd.s32 $0xA, s26;
	[dreg:$0x1e] =	wrdreg s26  }
0x33: {  	s26 =	sadd.s32 $0x9C4A, s26;
	s21 =	simm.s32 $0xA;
	[smem:$0x7F9] =	sst s0  }
.Ltmp0:
0x34: {  	s3 =	simm.s32 $0x1B9E0;
	[smem:$0x7FB] =	sst s24;
	(pc) =	sbr.rel .LBB2_1-.Ltmp0, $4  }
0x35: {  	s13 =	sadd.s32 s17, s20;
	s23 =	sadd.s32 s22, s20;
	[smem:$0x7FC] =	sst s25  }
0x36: {  	[smem:$0x7FD] =	sst s26;
	s20 =	simm.s32 $0x169E0;
	s24 =	simm.s32 $0x16850  }
0x37: {  	s25 =	simm.s32 $0x168A0;
	s26 =	simm.s32 $0x168F0;
	s0 =	simm.s32 $0x4  }
0x38: {  	v0 =	vimm.f32 $0.0e+00;
	v1 =	vimm.f32 $1.000000000e+00;
	s17 =	simm.s32 $0x8;
	[smem:$0x7FA] =	sst s23;
	s23 =	simm.s32 $0x16800  }
.LBB2_8:
0x39: {  	_ =	swait.ge [sflag:s17], $0x2800  }
0x3a: {  	[sflag:s17] =	ssyncset.done $0x0  }
0x3b: {  	[sflag:s17] =	ssyncadd.s32 $0xFFFFD800  }
0x3c: {  	_ =	swait.ge [sflag:s17], $0x500  }
0x3d: {  	[sflag:s17] =	ssyncset.done $0x0  }
0x3e: {  	[sflag:s17] =	ssyncadd.s32 $0xFFFFFB00  }
0x3f: {  	s2 =	stileid.u32;
	[bflag:$0x0] =	sbarrier.arrive $0xFFFF  }
0x40: {  	s2 =	sshll.u32 s2, $0x6;
	s14 =	rddreg [dreg:$0x6]  }
0x41: {  	s2 =	sor.u32 $0x1C0A, s2;
	s16 =	rddreg [dreg:$0x1f];
	s14 =	sshrl.u32 s14, $0x3  }
0x42: {  	[hbm:s16], [sflag:s2] =	dma.local [spmem:s14], $0x2800  }
0x43: {  	_ =	swait.ge [sflag:s21], $0x2800  }
0x44: {  	s22 =	sld [smem:$0x7F6]  }
0x45: {  	[sflag:s21] =	ssyncset.done $0x0;
	s16 =	rddreg [dreg:$0xe]  }
0x46: {  	[sflag:s21] =	ssyncadd.s32 $0xFFFFD800;
	s14 =	sshrl.u32 s16, $0x3  }
0x47: {  	[hbm:s22], [sflag:s2] =	dma.local [spmem:s14], $0x500  }
0x48: {  	_ =	swait.ge [sflag:s21], $0x500  }
0x49: {  	s16 =	sld [smem:$0x7F5]  }
0x4a: {  	s22 =	sld [smem:$0x7F7];
	_ =	sdelay $0x1  }
0x4b: {  	s14 =	sadd.s32 $0x1, s16  }
0x4c: {  	p0 =	sne.s32 s14, s22  }
.Ltmp1:
0x4d: {  	_ = 	snop;
	(pc) =	sbr.rel @!p0 .LBB2_9-.Ltmp1, $3  }
0x4e: {  	_ =	sdelay $0x1  }
0x4f: {  	[sflag:s21] =	ssyncset.done $0x0  }
0x50: {  	[sflag:s21] =	ssyncadd.s32 $0xFFFFFB00  }
.LBB2_1:
0x51: {  	s2 =	sand.u32 $0xFE00, s6  }
0x52: {  	[smem:$0x7F5] =	sst s14;
	s16 =	sand.u32 $0x70, s6;
	s22 =	sshrl.u32 s2, $0x2  }
0x53: {  	s2 =	simm.s32 $0x40;
	s14 =	sor.u32 s16, s22;
	s22 =	simm.s32 $0x0  }
.LBB2_2:
0x54: {  	p0 =	sne.s32 s2, $0x9FC0  }
0x55: {  	[tilespmem:s14+$0x169E0] =	vst v0;
	s22 =	sadd.s32 $0x10, s22;
	s14 =	smov.u32 s2;
	s2 =	sadd.s32 $0x40, s2  }
.Ltmp2:
0x56: {  	(pc) =	sbr.rel @p0 .LBB2_2-.Ltmp2, $4  }
0x57: {  	_ = 	snop  }
0x58: {  	s14 =	sand.u32 $0xFE00, s14  }
0x59: {  	s16 =	sand.u32 $0x70, s22;
	s14 =	sshrl.u32 s14, $0x2  }
0x5a: {  	s14 =	sor.u32 s16, s14  }
0x5b: {  	[tilespmem:s14+$0x169E0] =	vst v0;
	s2 =	rddreg [dreg:$0x6]  }
0x5c: {  	[spmem:s2] =	stream.linear.scatter [tilespmem:s20], [sflag:$0xA], $0x2800, $0x38;
	[tilespmem:$0x1E960] =	vst v63  }
0x5d: {  	_ =	swait.ge [sflag:s21], $0x2800  }
0x5e: {  	[sflag:s21] =	ssyncset.done $0x0  }
0x5f: {  	s22 =	rddreg [dreg:$0x7];
	[sflag:s21] =	ssyncadd.s32 $0xFFFFD800  }
0x60: {  	[spmem:s22] =	stream.linear.scatter [tilespmem:s20], [sflag:$0xA], $0x2800, $0x38;
	[tilespmem:$0x1E960] =	vst v63  }
0x61: {  	_ =	swait.ge [sflag:s21], $0x2800  }
0x62: {  	[sflag:s21] =	ssyncset.done $0x0  }
0x63: {  	s14 =	rddreg [dreg:$0x8];
	[sflag:s21] =	ssyncadd.s32 $0xFFFFD800  }
0x64: {  	[spmem:s14] =	stream.linear.scatter [tilespmem:s20], [sflag:$0xA], $0x2800, $0x38;
	[tilespmem:$0x1E960] =	vst v63  }
0x65: {  	_ =	swait.ge [sflag:s21], $0x2800  }
0x66: {  	[sflag:s21] =	ssyncset.done $0x0  }
0x67: {  	s16 =	rddreg [dreg:$0x9];
	[sflag:s21] =	ssyncadd.s32 $0xFFFFD800  }
0x68: {  	[spmem:s16] =	stream.linear.scatter [tilespmem:s20], [sflag:$0xA], $0x2800, $0x38;
	[tilespmem:$0x1E960] =	vst v63  }
0x69: {  	_ =	swait.ge [sflag:s21], $0x2800  }
0x6a: {  	[sflag:s21] =	ssyncset.done $0x0  }
0x6b: {  	s22 =	rddreg [dreg:$0xa];
	[sflag:s21] =	ssyncadd.s32 $0xFFFFD800  }
0x6c: {  	[spmem:s22] =	stream.linear.scatter [tilespmem:s20], [sflag:$0xA], $0x2800, $0x38;
	[tilespmem:$0x1E960] =	vst v63  }
0x6d: {  	_ =	swait.ge [sflag:s21], $0x2800  }
0x6e: {  	[sflag:s21] =	ssyncset.done $0x0  }
0x6f: {  	s14 =	rddreg [dreg:$0xb];
	[sflag:s21] =	ssyncadd.s32 $0xFFFFD800  }
0x70: {  	[spmem:s14] =	stream.linear.scatter [tilespmem:s20], [sflag:$0xA], $0x2800, $0x38;
	[tilespmem:$0x1E960] =	vst v63  }
0x71: {  	_ =	swait.ge [sflag:s21], $0x2800  }
0x72: {  	[sflag:s21] =	ssyncset.done $0x0  }
0x73: {  	s16 =	rddreg [dreg:$0xc];
	[sflag:s21] =	ssyncadd.s32 $0xFFFFD800  }
0x74: {  	[spmem:s16] =	stream.linear.scatter [tilespmem:s20], [sflag:$0xA], $0x2800, $0x38;
	[tilespmem:$0x1E960] =	vst v63  }
0x75: {  	_ =	swait.ge [sflag:s21], $0x2800  }
0x76: {  	[sflag:s21] =	ssyncset.done $0x0  }
0x77: {  	s22 =	rddreg [dreg:$0xd];
	[sflag:s21] =	ssyncadd.s32 $0xFFFFD800  }
0x78: {  	[spmem:s22] =	stream.linear.scatter [tilespmem:s20], [sflag:$0xA], $0x2800, $0x38;
	[tilespmem:$0x1E960] =	vst v63  }
0x79: {  	_ =	swait.ge [sflag:s21], $0x2800  }
0x7a: {  	[sflag:s21] =	ssyncset.done $0x0  }
0x7b: {  	s2 =	simm.s32 $0x40;
	s14 =	simm.s32 $0x0;
	[sflag:s21] =	ssyncadd.s32 $0xFFFFD800  }
.LBB2_4:
0x7c: {  	p0 =	sne.s32 s2, $0x13C0;
	[tilespmem:s14+$0x1E1E0] =	vst v1;
	s14 =	smov.u32 s2;
	s2 =	sadd.s32 $0x40, s2  }
.Ltmp3:
0x7d: {  	(pc) =	sbr.rel @p0 .LBB2_4-.Ltmp3, $2  }
0x7e: {  	_ =	sdelay $0x2  }
0x7f: {  	s14 =	sshra.s32 s14, $0x2  }
0x80: {  	[tilespmem:s14+$0x1E1E0] =	vst v1  }
0x81: {  	[tilespmem:$0x1E6E0] =	vst v0  }
0x82: {  	[tilespmem:$0x1E6F0] =	vst v0  }
0x83: {  	[tilespmem:$0x1E700] =	vst v0  }
0x84: {  	[tilespmem:$0x1E710] =	vst v0  }
0x85: {  	[tilespmem:$0x1E720] =	vst v0  }
0x86: {  	[tilespmem:$0x1E730] =	vst v0  }
0x87: {  	[tilespmem:$0x1E740] =	vst v0  }
0x88: {  	[tilespmem:$0x1E750] =	vst v0  }
0x89: {  	[tilespmem:$0x1E760] =	vst v0  }
0x8a: {  	[tilespmem:$0x1E770] =	vst v0  }
0x8b: {  	[tilespmem:$0x1E780] =	vst v0  }
0x8c: {  	[tilespmem:$0x1E790] =	vst v0  }
0x8d: {  	[tilespmem:$0x1E7A0] =	vst v0  }
0x8e: {  	[tilespmem:$0x1E7B0] =	vst v0  }
0x8f: {  	[tilespmem:$0x1E7C0] =	vst v0  }
0x90: {  	[tilespmem:$0x1E7D0] =	vst v0  }
0x91: {  	[tilespmem:$0x1E7E0] =	vst v0  }
0x92: {  	[tilespmem:$0x1E7F0] =	vst v0  }
0x93: {  	[tilespmem:$0x1E800] =	vst v0  }
0x94: {  	[tilespmem:$0x1E810] =	vst v0  }
0x95: {  	[tilespmem:$0x1E820] =	vst v0  }
0x96: {  	[tilespmem:$0x1E830] =	vst v0  }
0x97: {  	[tilespmem:$0x1E840] =	vst v0  }
0x98: {  	[tilespmem:$0x1E850] =	vst v0  }
0x99: {  	[tilespmem:$0x1E860] =	vst v0  }
0x9a: {  	[tilespmem:$0x1E870] =	vst v0  }
0x9b: {  	[tilespmem:$0x1E880] =	vst v0  }
0x9c: {  	[tilespmem:$0x1E890] =	vst v0  }
0x9d: {  	[tilespmem:$0x1E8A0] =	vst v0  }
0x9e: {  	[tilespmem:$0x1E8B0] =	vst v0  }
0x9f: {  	[tilespmem:$0x1E8C0] =	vst v0  }
0xa0: {  	[tilespmem:$0x1E8D0] =	vst v0  }
0xa1: {  	[tilespmem:$0x1E8E0] =	vst v0  }
0xa2: {  	[tilespmem:$0x1E8F0] =	vst v0  }
0xa3: {  	[tilespmem:$0x1E900] =	vst v0  }
0xa4: {  	[tilespmem:$0x1E910] =	vst v0  }
0xa5: {  	[tilespmem:$0x1E920] =	vst v0  }
0xa6: {  	[tilespmem:$0x1E930] =	vst v0  }
0xa7: {  	[tilespmem:$0x1E940] =	vst v0  }
0xa8: {  	s2 =	rddreg [dreg:$0xe];
	s14 =	simm.s32 $0x1E6E0;
	[tilespmem:$0x1E950] =	vst v0  }
0xa9: {  	[spmem:s2] =	stream.linear.scatter [tilespmem:s14], [sflag:$0xA], $0x280, $0x38;
	[tilespmem:$0x1E960] =	vst v63  }
0xaa: {  	_ =	swait.ge [sflag:s21], $0x280  }
0xab: {  	[sflag:s21] =	ssyncset.done $0x0  }
0xac: {  	s22 =	rddreg [dreg:$0x16];
	[sflag:s21] =	ssyncadd.s32 $0xFFFFFD80  }
0xad: {  	[spmem:s22] =	stream.linear.scatter [tilespmem:s14], [sflag:$0xA], $0x280, $0x38;
	[tilespmem:$0x1E960] =	vst v63  }
0xae: {  	_ =	swait.ge [sflag:s21], $0x280  }
0xaf: {  	[sflag:s21] =	ssyncset.done $0x0  }
0xb0: {  	s16 =	rddreg [dreg:$0xf];
	[sflag:s21] =	ssyncadd.s32 $0xFFFFFD80  }
0xb1: {  	[spmem:s16] =	stream.linear.scatter [tilespmem:s14], [sflag:$0xA], $0x280, $0x38;
	[tilespmem:$0x1E960] =	vst v63  }
0xb2: {  	_ =	swait.ge [sflag:s21], $0x280  }
0xb3: {  	[sflag:s21] =	ssyncset.done $0x0  }
0xb4: {  	s22 =	rddreg [dreg:$0x17];
	[sflag:s21] =	ssyncadd.s32 $0xFFFFFD80  }
0xb5: {  	[spmem:s22] =	stream.linear.scatter [tilespmem:s14], [sflag:$0xA], $0x280, $0x38;
	[tilespmem:$0x1E960] =	vst v63  }
0xb6: {  	_ =	swait.ge [sflag:s21], $0x280  }
0xb7: {  	[sflag:s21] =	ssyncset.done $0x0  }
0xb8: {  	s16 =	rddreg [dreg:$0x10];
	[sflag:s21] =	ssyncadd.s32 $0xFFFFFD80  }
0xb9: {  	[spmem:s16] =	stream.linear.scatter [tilespmem:s14], [sflag:$0xA], $0x280, $0x38;
	[tilespmem:$0x1E960] =	vst v63  }
0xba: {  	_ =	swait.ge [sflag:s21], $0x280  }
0xbb: {  	[sflag:s21] =	ssyncset.done $0x0  }
0xbc: {  	s22 =	rddreg [dreg:$0x18];
	[sflag:s21] =	ssyncadd.s32 $0xFFFFFD80  }
0xbd: {  	[spmem:s22] =	stream.linear.scatter [tilespmem:s14], [sflag:$0xA], $0x280, $0x38;
	[tilespmem:$0x1E960] =	vst v63  }
0xbe: {  	_ =	swait.ge [sflag:s21], $0x280  }
0xbf: {  	[sflag:s21] =	ssyncset.done $0x0  }
0xc0: {  	s16 =	rddreg [dreg:$0x11];
	[sflag:s21] =	ssyncadd.s32 $0xFFFFFD80  }
0xc1: {  	[spmem:s16] =	stream.linear.scatter [tilespmem:s14], [sflag:$0xA], $0x280, $0x38;
	[tilespmem:$0x1E960] =	vst v63  }
0xc2: {  	_ =	swait.ge [sflag:s21], $0x280  }
0xc3: {  	[sflag:s21] =	ssyncset.done $0x0  }
0xc4: {  	s22 =	rddreg [dreg:$0x19];
	[sflag:s21] =	ssyncadd.s32 $0xFFFFFD80  }
0xc5: {  	[spmem:s22] =	stream.linear.scatter [tilespmem:s14], [sflag:$0xA], $0x280, $0x38;
	[tilespmem:$0x1E960] =	vst v63  }
0xc6: {  	_ =	swait.ge [sflag:s21], $0x280  }
0xc7: {  	[sflag:s21] =	ssyncset.done $0x0  }
0xc8: {  	s16 =	rddreg [dreg:$0x12];
	[sflag:s21] =	ssyncadd.s32 $0xFFFFFD80  }
0xc9: {  	[spmem:s16] =	stream.linear.scatter [tilespmem:s14], [sflag:$0xA], $0x280, $0x38;
	[tilespmem:$0x1E960] =	vst v63  }
0xca: {  	_ =	swait.ge [sflag:s21], $0x280  }
0xcb: {  	[sflag:s21] =	ssyncset.done $0x0  }
0xcc: {  	s22 =	rddreg [dreg:$0x1a];
	[sflag:s21] =	ssyncadd.s32 $0xFFFFFD80  }
0xcd: {  	[spmem:s22] =	stream.linear.scatter [tilespmem:s14], [sflag:$0xA], $0x280, $0x38;
	[tilespmem:$0x1E960] =	vst v63  }
0xce: {  	_ =	swait.ge [sflag:s21], $0x280  }
0xcf: {  	[sflag:s21] =	ssyncset.done $0x0  }
0xd0: {  	s16 =	rddreg [dreg:$0x13];
	[sflag:s21] =	ssyncadd.s32 $0xFFFFFD80  }
0xd1: {  	[spmem:s16] =	stream.linear.scatter [tilespmem:s14], [sflag:$0xA], $0x280, $0x38;
	[tilespmem:$0x1E960] =	vst v63  }
0xd2: {  	_ =	swait.ge [sflag:s21], $0x280  }
0xd3: {  	[sflag:s21] =	ssyncset.done $0x0  }
0xd4: {  	s22 =	rddreg [dreg:$0x1b];
	[sflag:s21] =	ssyncadd.s32 $0xFFFFFD80  }
0xd5: {  	[spmem:s22] =	stream.linear.scatter [tilespmem:s14], [sflag:$0xA], $0x280, $0x38;
	[tilespmem:$0x1E960] =	vst v63  }
0xd6: {  	_ =	swait.ge [sflag:s21], $0x280  }
0xd7: {  	[sflag:s21] =	ssyncset.done $0x0  }
0xd8: {  	s16 =	rddreg [dreg:$0x14];
	[sflag:s21] =	ssyncadd.s32 $0xFFFFFD80  }
0xd9: {  	[spmem:s16] =	stream.linear.scatter [tilespmem:s14], [sflag:$0xA], $0x280, $0x38;
	[tilespmem:$0x1E960] =	vst v63  }
0xda: {  	_ =	swait.ge [sflag:s21], $0x280  }
0xdb: {  	[sflag:s21] =	ssyncset.done $0x0  }
0xdc: {  	s22 =	rddreg [dreg:$0x1c];
	[sflag:s21] =	ssyncadd.s32 $0xFFFFFD80  }
0xdd: {  	[spmem:s22] =	stream.linear.scatter [tilespmem:s14], [sflag:$0xA], $0x280, $0x38;
	[tilespmem:$0x1E960] =	vst v63  }
0xde: {  	_ =	swait.ge [sflag:s21], $0x280  }
0xdf: {  	[sflag:s21] =	ssyncset.done $0x0  }
0xe0: {  	s16 =	rddreg [dreg:$0x15];
	[sflag:s21] =	ssyncadd.s32 $0xFFFFFD80  }
0xe1: {  	[spmem:s16] =	stream.linear.scatter [tilespmem:s14], [sflag:$0xA], $0x280, $0x38;
	[tilespmem:$0x1E960] =	vst v63  }
0xe2: {  	_ =	swait.ge [sflag:s21], $0x280  }
0xe3: {  	[sflag:s21] =	ssyncset.done $0x0  }
0xe4: {  	s22 =	rddreg [dreg:$0x1d];
	[sflag:s21] =	ssyncadd.s32 $0xFFFFFD80  }
0xe5: {  	[spmem:s22] =	stream.linear.scatter [tilespmem:s14], [sflag:$0xA], $0x280, $0x38;
	[tilespmem:$0x1E960] =	vst v63  }
0xe6: {  	_ =	swait.ge [sflag:s21], $0x280  }
0xe7: {  	[sflag:s21] =	ssyncset.done $0x0  }
0xe8: {  	[sflag:s21] =	ssyncadd.s32 $0xFFFFFD80  }
0xe9: {  	[bflag:$0x0] =	sbarrier.arrive $0xFFFF  }
0xea: {  	s14 =	rddreg [dreg:$0x1e]  }
0xeb: {  	s22 =	simm.s32 $0x0;
	s16 =	sld [smem:$0x7FB]  }
0xec: {  	[tilespmem:s23], [sflag:$0x1] =	stream.linear.gather [hbm4b:s14+s22], $0x50, $0x38;
	[tilespmem:$0x1E960] =	vst v63  }
0xed: {  	s14 =	sld [smem:$0x7FC]  }
0xee: {  	[tilespmem:s24], [sflag:$0x1] =	stream.linear.gather [hbm4b:s16+s22], $0x50, $0x38;
	[tilespmem:$0x1E960] =	vst v63  }
0xef: {  	s16 =	sld [smem:$0x7FD]  }
0xf0: {  	[tilespmem:s25], [sflag:$0x2] =	stream.linear.gather [hbm4b:s14+s22], $0x50, $0x38;
	[tilespmem:$0x1E960] =	vst v63  }
0xf1: {  	_ = 	snop  }
0xf2: {  	[tilespmem:s26], [sflag:$0x2] =	stream.linear.gather [hbm4b:s16+s22], $0x50, $0x38;
	[tilespmem:$0x1E960] =	vst v63  }
0xf3: {  	_ =	swait.ge [sflag:s28], $0x50  }
0xf4: {  	[sflag:s28] =	ssyncset.done $0x0  }
0xf5: {  	[sflag:s28] =	ssyncadd.s32 $0xFFFFFFB0  }
0xf6: {  	_ =	swait.ge [sflag:s28], $0x50  }
0xf7: {  	[sflag:s28] =	ssyncset.done $0x0  }
0xf8: {  	s2 =	sld [smem:$0x7F8];
	[sflag:s28] =	ssyncadd.s32 $0xFFFFFFB0  }
0xf9: {  	[tilespmem:s20], [sflag:$0x4] =	stream.indirect.gather [hbm4b:s1+s29], $0x80, s23, s29, $0xb8;
	[tilespmem:$0x1E960] =	vst v63  }
0xfa: {  	s16 =	rddreg [dreg:$0x1]  }
.LBB2_6:
0xfb: {  	_ =	swait.ge [sflag:s30], $0x50  }
0xfc: {  	[sflag:s30] =	ssyncset.done $0x0  }
0xfd: {  	[sflag:s30] =	ssyncadd.s32 $0xFFFFFFB0  }
0xfe: {  	_ =	swait.ge [sflag:s30], $0x50  }
0xff: {  	[sflag:s30] =	ssyncset.done $0x0  }
0x100: {  	[sflag:s30] =	ssyncadd.s32 $0xFFFFFFB0  }
0x101: {  	[tilespmem:s31], [sflag:$0x5] =	stream.indirect.gather [hbm4b:s1+s29], $0x80, s25, s29, $0xb8;
	[tilespmem:$0x1E960] =	vst v63  }
0x102: {  	_ =	swait.ge [sflag:s0], $0x2800  }
0x103: {  	[sflag:s0] =	ssyncset.done $0x0  }
0x104: {  	p0 =	seq.s32 s22, $0x0;
	[sflag:s0] =	ssyncadd.s32 $0xFFFFD800  }
0x105: {  	[spmem:s4] =	stream.indirect.scatter.add.f32 [tilespmem:s20], [sflag:$0x7], $0x80, s24, s29, $0xb8;
	[tilespmem:$0x1E960] =	vst v63  }
0x106: {  	s14 =	simm.s32 @!p0 $0x9  }
0x107: {  	[spmem:s5] =	stream.indirect.scatter.add.f32 [tilespmem:s8], [sflag:$0x7], $0x10, s24, s29, $0xb8;
	[tilespmem:$0x1E960] =	vst v63  }
0x108: {  	_ =	swait.ge @!p0 [sflag:s14], $0x2800  }
0x109: {  	[sflag:s14] =	ssyncset.done @!p0 $0x0  }
0x10a: {  	[sflag:s14] =	ssyncadd.s32 @!p0 $0xFFFFD800  }
0x10b: {  	p1 =	seq.s32 @!p0 s22, $0x4CE;
	_ =	swait.ge @!p0 [sflag:s14], $0x500  }
0x10c: {  	p1 =	por p0, !p1;
	[sflag:s14] =	ssyncset.done @!p0 $0x0  }
0x10d: {  	[sflag:s14] =	ssyncadd.s32 @!p0 $0xFFFFFB00;
	s14 =	sld @p1 [smem:$0x7F9];
	_ =	sdelay $0x2  }
0x10e: {  	s14 =	sadd.s32 @p1 s22, s14  }
0x10f: {  	[tilespmem:s7], [sflag:$0x3] =	stream.linear.gather @p1 [hbm4b:s14+s6], $0x50, $0x38;
	[tilespmem:$0x1E960] =	vst v63  }
0x110: {  	s14 =	sld @p1 [smem:$0x7FA];
	_ =	sdelay $0x2  }
0x111: {  	s14 =	sadd.s32 @p1 s22, s14  }
0x112: {  	[tilespmem:s19], [sflag:$0x3] =	stream.linear.gather @p1 [hbm4b:s14+s6], $0x50, $0x38;
	[tilespmem:$0x1E960] =	vst v63  }
0x113: {  	_ =	swait.ge @p1 [sflag:s15], $0x50  }
0x114: {  	[sflag:s15] =	ssyncset.done @p1 $0x0  }
0x115: {  	[sflag:s15] =	ssyncadd.s32 @p1 $0xFFFFFFB0  }
0x116: {  	_ =	swait.ge @p1 [sflag:s15], $0x50  }
0x117: {  	[sflag:s15] =	ssyncset.done @p1 $0x0  }
0x118: {  	[sflag:s15] =	ssyncadd.s32 @p1 $0xFFFFFFB0  }
0x119: {  	[tilespmem:s3], [sflag:$0x6] =	stream.indirect.gather @p1 [hbm4b:s1+s29], $0x80, s7, s29, $0xb8;
	[tilespmem:$0x1E960] =	vst v63  }
0x11a: {  	_ =	swait.ge [sflag:s9], $0x2800  }
0x11b: {  	[sflag:s9] =	ssyncset.done $0x0  }
0x11c: {  	[sflag:s9] =	ssyncadd.s32 $0xFFFFD800  }
0x11d: {  	[spmem:s4] =	stream.indirect.scatter.add.f32 [tilespmem:s31], [sflag:$0x8], $0x80, s26, s29, $0xb8;
	[tilespmem:$0x1E960] =	vst v63  }
0x11e: {  	_ = 	snop  }
0x11f: {  	[spmem:s5] =	stream.indirect.scatter.add.f32 [tilespmem:s8], [sflag:$0x8], $0x10, s26, s29, $0xb8;
	[tilespmem:$0x1E960] =	vst v63  }
0x120: {  	p0 =	seq.s32 s22, $0x4CE;
	_ =	swait.ge [sflag:s12], $0x2800  }
.Ltmp4:
0x121: {  	[sflag:s12] =	ssyncset.done $0x0;
	(pc) =	sbr.rel @p0 .LBB2_8-.Ltmp4, $4  }
0x122: {  	[sflag:s12] =	ssyncadd.s32 $0xFFFFD800  }
0x123: {  	_ =	swait.ge [sflag:s12], $0x500  }
0x124: {  	[sflag:s12] =	ssyncset.done $0x0  }
0x125: {  	[sflag:s12] =	ssyncadd.s32 $0xFFFFFB00  }
0x126: {  	s14 =	sshrl.u32 s2, $0x3  }
0x127: {  	s14 =	sadd.s32 s16, s14  }
0x128: {  	[tilespmem:s23], [sflag:$0x1] =	stream.linear.gather [hbm4b:s14+s6], $0x50, $0x38;
	[tilespmem:$0x1E960] =	vst v63  }
0x129: {  	s14 =	sadd.s32 s22, s13  }
0x12a: {  	[tilespmem:s24], [sflag:$0x1] =	stream.linear.gather [hbm4b:s14+s6], $0x50, $0x38;
	[tilespmem:$0x1E960] =	vst v63  }
0x12b: {  	_ =	swait.ge [sflag:s28], $0x50  }
0x12c: {  	[sflag:s28] =	ssyncset.done $0x0  }
0x12d: {  	[sflag:s28] =	ssyncadd.s32 $0xFFFFFFB0  }
0x12e: {  	_ =	swait.ge [sflag:s28], $0x50  }
0x12f: {  	[sflag:s28] =	ssyncset.done $0x0  }
0x130: {  	[sflag:s28] =	ssyncadd.s32 $0xFFFFFFB0  }
0x131: {  	[tilespmem:s20], [sflag:$0x4] =	stream.indirect.gather [hbm4b:s1+s29], $0x80, s23, s29, $0xb8;
	[tilespmem:$0x1E960] =	vst v63  }
0x132: {  	_ =	swait.ge [sflag:s18], $0x2800  }
0x133: {  	[sflag:s18] =	ssyncset.done $0x0  }
0x134: {  	[sflag:s18] =	ssyncadd.s32 $0xFFFFD800  }
0x135: {  	[spmem:s4] =	stream.indirect.scatter.add.f32 [tilespmem:s3], [sflag:$0x9], $0x80, s19, s29, $0xb8;
	[tilespmem:$0x1E960] =	vst v63  }
0x136: {  	_ = 	snop  }
0x137: {  	[spmem:s5] =	stream.indirect.scatter.add.f32 [tilespmem:s8], [sflag:$0x9], $0x10, s19, s29, $0xb8;
	[tilespmem:$0x1E960] =	vst v63  }
0x138: {  	_ =	swait.ge [sflag:s17], $0x2800  }
0x139: {  	[sflag:s17] =	ssyncset.done $0x0  }
0x13a: {  	[sflag:s17] =	ssyncadd.s32 $0xFFFFD800  }
0x13b: {  	_ =	swait.ge [sflag:s17], $0x500  }
.Ltmp5:
0x13c: {  	[sflag:s17] =	ssyncset.done $0x0;
	(pc) =	sbr.rel .LBB2_6-.Ltmp5, $4  }
0x13d: {  	s14 =	sadd.s32 s22, s10;
	[sflag:s17] =	ssyncadd.s32 $0xFFFFFB00  }
0x13e: {  	[tilespmem:s25], [sflag:$0x2] =	stream.linear.gather [hbm4b:s14+s6], $0x50, $0x38;
	[tilespmem:$0x1E960] =	vst v63  }
0x13f: {  	s2 =	sadd.s32 $0xF0, s2;
	s14 =	sadd.s32 s22, s11;
	s22 =	sadd.s32 $0x1E, s22  }
0x140: {  	[tilespmem:s26], [sflag:$0x2] =	stream.linear.gather [hbm4b:s14+s6], $0x50, $0x38;
	[tilespmem:$0x1E960] =	vst v63  }
.LBB2_9:
0x141: {  	_ =	sfence.sel $0x180000  }
0x142: {  	[bflag:$0x0] =	sbarrier.arrive $0xFFFF  }
0x143: {  	_ =	strace $0x90000047  }
0x144: {  	s0 =	stileid.u32;
	[bflag:$0x2] =	sbarrier.arrive $0xFFFF  }
0x145: {  	p0 =	sne.s32 s0, $0x0;
	s0 =	rddreg [dreg:$0x5]  }
0x146: {  	s0 =	sadd.s32 @!p0 $0x100000, s0  }
0x147: {  	[sflag:s0] =	ssyncadd.tile.s32 @!p0 $0x1;
	_ =	shalt  }
.Lfunc_end2:
_tile_overlayer_lowered:
.L_overlay_start_2:
0x148: {  	(tag) =	ssettag $0x2  }
0x149: {  	s0 =	rddreg [dreg:$0x0];
	s2 =	stileid.u32  }
0x14a: {  	s1 =	rddreg [dreg:$0x1];
	p0 =	sne.s32 s2, $0x0  }
0x14b: {  	s3 =	rddreg [dreg:$0x2];
	[bflag:$0x3] =	sbarrier.arrive $0xFFFF;
	s2 =	simm.s32 @!p0 $0x1C0A  }
0x14c: {  	[timem:s3], [sflag:s2] =	dma.local @!p0 [hbm:s0], s1  }
0x14d: {  	s0 =	simm.s32 @!p0 $0xA  }
0x14e: {  	_ =	swait.ge @!p0 [sflag:s0], s1  }
0x14f: {  	s1 =	ssub.s32 @!p0 $0x0, s1;
	[sflag:s0] =	ssyncset.done @!p0 $0x0  }
0x150: {  	[sflag:s0] =	ssyncadd.s32 @!p0 s1  }
0x151: {  	[bflag:$0x3] =	sbarrier.arrive $0xFFFF  }
0x152: {  	_ =	shalt  }

// kernel: kernel.9.cloned.1.call-start
scs
__scs_entry_jumppad:
0x0: {  	(pc) =	sbr.rel $0x88, $3  }
0x1: {  	(tag) =	ssettag $0x0;
	lr =	simm.s32 $0x1  }
0x2: {  	[smem:$0x3F97] =	sst lr;
	_ =	strace $0xD0000000  }
0x3: {  	_ = 	snop  }
0x4: {  	_ = 	snop  }
0x5: {  	_ = 	snop  }
0x6: {  	_ = 	snop  }
0x7: {  	_ = 	snop  }
__scs_overlays_trampoline_lowered:
0x8: {  	[smem:$0x3FA6] =	sst s0  }
0x9: {  	[smem:$0x3FA7] =	sst s1  }
0xa: {  	[smem:$0x3FA8] =	sst s2  }
0xb: {  	[smem:$0x3FA9] =	sst s3  }
0xc: {  	[smem:$0x3FAA] =	sst s4  }
0xd: {  	[smem:$0x3FAB] =	sst s5  }
0xe: {  	[smem:$0x3FAC] =	sst s6  }
0xf: {  	[smem:$0x3FAD] =	sst s7  }
0x10: {  	[smem:$0x3FAE] =	sst s8  }
0x11: {  	[smem:$0x3FAF] =	sst s9;
	s0 =	simm.s32 @!p0 $0x0  }
0x12: {  	s1 =	sld [smem:$0x3F95];
	s0 =	simm.s32 @p0 $0x1  }
0x13: {  	[smem:$0x3FB0] =	sst s0;
	s0 =	simm.s32 @!p1 $0x0  }
0x14: {  	s2 =	sld [smem:$0x3F94];
	s0 =	simm.s32 @p1 $0x1  }
0x15: {  	[smem:$0x3FB1] =	sst s0;
	s0 =	simm.s32 @!p2 $0x0  }
0x16: {  	s3 =	sld [smem:$0x3FDB];
	s0 =	simm.s32 @p2 $0x1  }
0x17: {  	s4 =	simm.s32 $0x1BF5;
	[smem:$0x3FB3] =	sst s0  }
0x18: {  	s0 =	sld [smem:$0x3F96];
	_ =	swait.ge [sflag:s4], $0x0  }
0x19: {  	s7 =	sld [smem:$0x3F97]  }
0x1a: {  	s8 =	sadd.s32 $0xFFFFE003, lr  }
0x1b: {  	s9 =	sadd.s32 $0xFFFFFEF7, lr;
	s5 =	simm.s32 $0xFFFFFFFF;
	p2 =	slt.u32 s8, $0xFFFFF086  }
0x1c: {  	p1 =	slt.u32 s9, $0xF7A;
	s5 =	simm.s32 @!p2 $0x0  }
0x1d: {  	s5 =	simm.s32 @p1 $0x1;
	p0 =	seq.s32 s7, s2  }
0x1e: {  	s7 =	smul.u32 @!p0 $0xF7A, s2;
	p2 =	seq.s32 @!p0 s5, $0x0  }
0x1f: {  	s9 =	smul.u32 $0xF7A, s1;
	s8 =	simm.s32 @!p0 $0x1BF5;
	p2 =	por !p2, p0  }
0x20: {  	[sflag:s8] =	ssyncset.s32 @!p0 $0xFFFFF086;
	s6 =	sadd.s32 @!p0 s3, s7;
	s7 =	simm.s32 @!p0 $0x108  }
0x21: {  	s3 =	sadd.s32 s3, s9;
	s6 =	sadd.s32 @!p0 $0x88, s6;
	s7 =	simm.s32 @p2 $0x1082  }
0x22: {  	[simem:s7], [sflag:s8] =	dma.local @!p0 [hbm:s6], $0xF7A  }
0x23: {  	s9 =	sor.u32 $0xD0000000, s2;
	s6 =	simm.s32 $0x108;
	_ =	swait.ge @!p0 [sflag:s8], $0x0  }
0x24: {  	s3 =	sadd.s32 $0x88, s3;
	s6 =	simm.s32 @!p1 $0x1082;
	[sflag:s4] =	ssyncset.s32 $0xFFFFF086  }
0x25: {  	[simem:s6], [sflag:s4] =	dma.local [hbm:s3], $0xF7A  }
0x26: {  	[smem:$0x3F97] =	sst s1;
	(tag) =	ssettag s2;
	_ =	strace s9  }
0x27: {  	s1 =	sld [smem:$0x3FA7]  }
0x28: {  	s2 =	sld [smem:$0x3FA8]  }
0x29: {  	s4 =	sld [smem:$0x3FAA]  }
0x2a: {  	p0 =	seq.s32 s5, $0x0;
	s5 =	sld [smem:$0x3FAB]  }
0x2b: {  	s6 =	sld [smem:$0x3FAC]  }
0x2c: {  	s7 =	sld [smem:$0x3FAD]  }
0x2d: {  	s3 =	simm.s32 $0x108;
	s8 =	sld [smem:$0x3FAE]  }
0x2e: {  	s3 =	simm.s32 @!p0 $0x1082;
	s9 =	sld [smem:$0x3FAF]  }
0x2f: {  	lr =	sadd.s32 s0, s3;
	s0 =	sld [smem:$0x3FA6]  }
0x30: {  	s3 =	sld [smem:$0x3FA9]  }
0x31: {  	[smem:$0x3FB2] =	sst s10  }
0x32: {  	s10 =	sld [smem:$0x3FB0];
	_ =	sdelay $0x3  }
0x33: {  	p0 =	seq.s32 s10, $0x1;
	s10 =	sld [smem:$0x3FB2];
	_ =	sdelay $0x3  }
0x34: {  	[smem:$0x3FB2] =	sst s10  }
0x35: {  	s10 =	sld [smem:$0x3FB1];
	_ =	sdelay $0x3  }
0x36: {  	p1 =	seq.s32 s10, $0x1;
	s10 =	sld [smem:$0x3FB2];
	_ =	sdelay $0x3  }
0x37: {  	[smem:$0x3FB2] =	sst s10  }
0x38: {  	s10 =	sld [smem:$0x3FB3]  }
0x39: {  	_ = 	snop;
	(pc) =	sbr.ind lr, $3  }
0x3a: {  	_ = 	snop  }
0x3b: {  	_ = 	snop  }
0x3c: {  	p2 =	seq.s32 s10, $0x1;
	s10 =	sld [smem:$0x3FB2]  }
0x3d: {  	_ =	shalt  }
0x3e: {  	_ =	shalt  }
0x3f: {  	_ =	shalt  }
0x40: {  	_ =	shalt  }
0x41: {  	_ =	shalt  }
0x42: {  	_ =	shalt  }
0x43: {  	_ =	shalt  }
0x44: {  	_ =	shalt  }
0x45: {  	_ =	shalt  }
0x46: {  	_ =	shalt  }
0x47: {  	_ =	shalt  }
0x48: {  	_ =	shalt  }
0x49: {  	_ =	shalt  }
0x4a: {  	_ =	shalt  }
0x4b: {  	_ =	shalt  }
0x4c: {  	_ =	shalt  }
0x4d: {  	_ =	shalt  }
0x4e: {  	_ =	shalt  }
0x4f: {  	_ =	shalt  }
0x50: {  	_ =	shalt  }
0x51: {  	_ =	shalt  }
0x52: {  	_ =	shalt  }
0x53: {  	_ =	shalt  }
0x54: {  	_ =	shalt  }
0x55: {  	_ =	shalt  }
0x56: {  	_ =	shalt  }
0x57: {  	_ =	shalt  }
0x58: {  	_ =	shalt  }
0x59: {  	_ =	shalt  }
0x5a: {  	_ =	shalt  }
0x5b: {  	_ =	shalt  }
0x5c: {  	_ =	shalt  }
0x5d: {  	_ =	shalt  }
0x5e: {  	_ =	shalt  }
0x5f: {  	_ =	shalt  }
0x60: {  	_ =	shalt  }
0x61: {  	_ =	shalt  }
0x62: {  	_ =	shalt  }
0x63: {  	_ =	shalt  }
0x64: {  	_ =	shalt  }
0x65: {  	_ =	shalt  }
0x66: {  	_ =	shalt  }
0x67: {  	_ =	shalt  }
0x68: {  	_ =	shalt  }
0x69: {  	_ =	shalt  }
0x6a: {  	_ =	shalt  }
0x6b: {  	_ =	shalt  }
0x6c: {  	_ =	shalt  }
0x6d: {  	_ =	shalt  }
0x6e: {  	_ =	shalt  }
0x6f: {  	_ =	shalt  }
0x70: {  	_ =	shalt  }
0x71: {  	_ =	shalt  }
0x72: {  	_ =	shalt  }
0x73: {  	_ =	shalt  }
0x74: {  	_ =	shalt  }
0x75: {  	_ =	shalt  }
0x76: {  	_ =	shalt  }
0x77: {  	_ =	shalt  }
0x78: {  	_ =	shalt  }
0x79: {  	_ =	shalt  }
0x7a: {  	_ =	shalt  }
0x7b: {  	_ =	shalt  }
0x7c: {  	_ =	shalt  }
0x7d: {  	_ =	shalt  }
0x7e: {  	_ =	shalt  }
0x7f: {  	_ =	shalt  }
0x80: {  	_ =	shalt  }
0x81: {  	_ =	shalt  }
0x82: {  	_ =	shalt  }
0x83: {  	_ =	shalt  }
0x84: {  	_ =	shalt  }
0x85: {  	_ =	shalt  }
0x86: {  	_ =	shalt  }
0x87: {  	_ =	shalt  }
.Lfunc_end0:
.L_simem_size_0:
called_computation.1_lowered:
.L_overlay_start_0:
0x88: {  	s2 =	sld [smem:$0x3FD9]  }
0x89: {  	s3 =	sld [smem:$0x3FFE];
	_ =	sdelay $0x1  }
0x8a: {  	s1 =	srdreg.scid  }
0x8b: {  	s0 =	sand.u32 $0x1, s1  }
0x8c: {  	s17 =	sshll.u32 s0, $0xA;
	s2 =	sadd.s32 s3, s2  }
0x8d: {  	s2 =	sadd.s32 s2, s17  }
0x8e: {  	[smem:$0x3FBE] =	sst s2  }
0x8f: {  	_ = 	snop  }
0x90: {  	s2 =	sld [smem:$0x3FD0];
	(tm) =	ssettm $0x1  }
0x91: {  	s18 =	sld [smem:$0x3FFB];
	_ =	sdelay $0x3  }
0x92: {  	_ =	strace s18  }
0x93: {  	s3 =	sld [smem:$0x3FFC];
	_ =	sdelay $0x3  }
0x94: {  	_ =	strace s3  }
0x95: {  	s3 =	sld [smem:$0x3FFD];
	_ =	sdelay $0x3  }
0x96: {  	_ =	strace s3  }
0x97: {  	_ =	strace $0x8FFFFFFF  }
0x98: {  	s19 =	sld [smem:$0x3FDB];
	_ =	sdelay $0x1  }
0x99: {  	s4 =	simm.s32 $_scs_section_size  }
0x9a: {  	s5 =	simm.s32 $_size__tile_overlayer_lowered;
	s6 =	simm.s32 $_tile_overlayer_lowered  }
0x9b: {  	s22 =	simm.s32 $0x1BFF;
	s21 =	sshll.u32 s6, $0x1;
	s3 =	sadd.s32 s4, s19  }
0x9c: {  	s7 =	simm.s32 $0x0;
	s20 =	sshll.u32 s5, $0x1;
	s5 =	sadd.s32 s21, s3  }
0x9d: {  	[timem:s7], [sflag:s22] =	dma.local [hbm:s5], s20  }
0x9e: {  	_ =	swait.ge [sflag:s22], s20  }
0x9f: {  	s4 =	ssub.s32 $0x0, s20;
	[sflag:s22] =	ssyncset.done $0x0  }
0xa0: {  	[sflag:s22] =	ssyncadd.s32 s4;
	_ =	sdelay $0x1  }
0xa1: {  	s23 =	simm.s32 $0x1B8B  }
0xa2: {  	_ =	swait.ge [sflag:s23], $0x1  }
0xa3: {  	[sflag:s23] =	ssyncset.done $0x0  }
0xa4: {  	s25 =	simm.s32 $0x1B8E;
	s24 =	sld [smem:$0x3FFE];
	[sflag:s23] =	ssyncadd.s32 $0xFFFFFFFF  }
0xa5: {  	s26 =	simm.s32 $execute0_lowered;
	[smem:$0x3FD2] =	sst s25  }
0xa6: {  	s5 =	sshll.u32 s26, $0x1;
	_ =	strace $0x80000049;
	[dreg:$0x1] =	wrdreg $0xFFFFFFFF  }
0xa7: {  	s28 =	simm.s32 $_size_execute0_lowered;
	s3 =	sadd.s32 s3, s5;
	[dreg:$0x0] =	wrdreg $0x0  }
0xa8: {  	s5 =	sshll.u32 s28, $0x1;
	[dreg:$0x2] =	wrdreg s3  }
0xa9: {  	[dreg:$0x3] =	wrdreg s5  }
0xaa: {  	[dreg:$0x4] =	wrdreg $0xC0  }
0xab: {  	_ =	task [dreg:s7], $0x5FFFF  }
0xac: {  	[dreg:$0x1] =	wrdreg $0xFFFFFFFF  }
0xad: {  	[dreg:$0x0] =	wrdreg $0x60  }
0xae: {  	[dreg:$0x2] =	wrdreg s24  }
0xaf: {  	[dreg:$0x3] =	wrdreg s2  }
0xb0: {  	[dreg:$0x4] =	wrdreg $0x0  }
0xb1: {  	[dreg:$0x5] =	wrdreg $0x9  }
0xb2: {  	_ =	task.clear_ibuf [dreg:s7], $0x6FFFF;
	_ =	strace $0x90000049  }
0xb3: {  	s29 =	simm.s32 $0x9;
	_ =	strace $0x8000004B  }
0xb4: {  	_ =	swait.ge [sflag:s29], $0x1  }
0xb5: {  	[sflag:s29] =	ssyncadd.s32 $0xFFFFFFFF  }
0xb6: {  	_ =	strace $0x9000004B  }
0xb7: {  	_ =	sfence  }
0xb8: {  	s30 =	sld [smem:$0x0];
	_ =	sdelay $0x2  }
0xb9: {  	s31 =	sshll.u32 s1, $0xD;
	s1 =	sshrl.u32 s1, $0x2  }
0xba: {  	s3 =	sand.u32 $0x4000, s31;
	s1 =	sadd.s32 s1, s30  }
0xbb: {  	s0 =	sor.u32 s3, s0;
	s1 =	sshll.u32 s1, $0x11  }
0xbc: {  	s0 =	sor.u32 s1, s0  }
0xbd: {  	s0 =	sadd.s32 $0x8F2B, s0  }
0xbe: {  	[sflag:s0] =	ssyncadd.remote.s32 $0x1  }
0xbf: {  	_ =	sfence.sel $0xFFFF  }
0xc0: {  	[dreg:$0x0] =	wrdreg $0xFFFFFFFF;
	(pc) =	sbr.abs _section_cstart, $3  }
0xc1: {  	[dreg:$0x1] =	wrdreg $0xFFFFFFFF  }
0xc2: {  	_ =	task.clear_ibuf [dreg:s7], $0x2FFFF;
	_ =	strace $0x9FFFFFFF  }
0xc3: {  	(tm) =	ssettm $0x7FFFFFFF  }
tec
execute0_lowered:
.L_overlay_start_1:
0x0: {  	(tag) =	ssettag $0x1  }
0x1: {  	s0 =	rddreg [dreg:$0x0]  }
0x2: {  	s11 =	rddreg [dreg:$0x1]  }
0x3: {  	s1 =	srdreg.scid;
	s2 =	stileid.u32  }
0x4: {  	s3 =	rddreg [dreg:$0x2];
	s4 =	simm.s32 $0x0;
	s6 =	smul.u32 $0x14000, s2  }
0x5: {  	s28 =	simm.s32 $0xA;
	s29 =	simm.s32 $0x14000;
	s8 =	smul.u32 $0x50000, s2  }
0x6: {  	s30 =	simm.s32 $0x14050;
	s1 =	sand.u32 $0x1, s1;
	s13 =	smul.u32 $0x2710, s2  }
0x7: {  	s31 =	simm.s32 $0x140A0;
	[smem:$0x7FF] =	sst s4;
	s5 =	smul.u32 $0x140000, s1  }
0x8: {  	_ =	strace $0x8000004A;
	s22 =	ssub.s32 $0x2, s1;
	s9 =	sshll.u32 s1, $0x4  }
0x9: {  	s1 =	smul.u32 $0x27100, s1;
	s10 =	sshrl.u32 s22, $0x1;
	s9 =	sor.u32 s2, s9  }
0xa: {  	s8 =	sshrl.u32 s8, $0x2;
	s7 =	sadd.s32 s6, s5;
	s5 =	sadd.s32 $0x2600, s0  }
0xb: {  	s9 =	smul.u32 $0x2710, s9;
	s8 =	sadd.s32 s8, s3;
	s6 =	sadd.s32 s6, s3  }
0xc: {  	s1 =	sadd.s32 s13, s1;
	s13 =	simm.s32 $0x8;
	s7 =	sshrl.u32 s7, $0x3  }
0xd: {  	[dreg:$0x4] =	wrdreg s6;
	s23 =	sadd.s32 $0x2800, s8;
	s24 =	sadd.s32 $0x5000, s8  }
0xe: {  	s25 =	sadd.s32 $0x7800, s8;
	s26 =	sadd.s32 $0xA000, s8;
	[dreg:$0x5] =	wrdreg s23  }
0xf: {  	s14 =	sadd.s32 $0xF000, s8;
	s15 =	sadd.s32 $0x11800, s8;
	[dreg:$0x6] =	wrdreg s24  }
0x10: {  	s18 =	sadd.s32 $0x140, s1;
	s19 =	sadd.s32 $0x4E340, s1;
	[dreg:$0x7] =	wrdreg s25  }
0x11: {  	s0 =	sadd.s32 s7, s0;
	s7 =	ssub.s32 s22, s10;
	[dreg:$0x8] =	wrdreg s26  }
0x12: {  	s10 =	sadd.s32 $0xC800, s8;
	s12 =	sshrl.u32 s9, $0x3;
	[dreg:$0xa] =	wrdreg s14  }
0x13: {  	[dreg:$0xb] =	wrdreg s15;
	s20 =	sshrl.u32 s18, $0x3;
	s21 =	sshrl.u32 s19, $0x3  }
0x14: {  	s23 =	sadd.s32 $0xF0, s1;
	s24 =	sadd.s32 $0x4E2F0, s1;
	s25 =	sadd.s32 $0xA0, s1  }
0x15: {  	s1 =	sadd.s32 $0x4E2A0, s1;
	s8 =	simm.s32 $0x2;
	s9 =	simm.s32 $0x169E0  }
0x16: {  	s15 =	simm.s32 $0x6;
	s18 =	simm.s32 $0x14140;
	s19 =	simm.s32 $0x3  }
0x17: {  	[dreg:$0x9] =	wrdreg s10;
	s16 =	sadd.s32 s11, s12;
	s0 =	sadd.s32 $0x5C600, s0  }
0x18: {  	s22 =	smax.u32 s7, $0x1;
	s20 =	sadd.s32 s20, s11;
	[dreg:$0x12] =	wrdreg s23  }
0x19: {  	s21 =	sadd.s32 s21, s11;
	s26 =	sshrl.u32 s1, $0x3;
	[dreg:$0xc] =	wrdreg s16  }
0x1a: {  	s1 =	simm.s32 $0x140F0;
	s7 =	simm.s32 $0x50;
	[dreg:$0x10] =	wrdreg s0  }
0x1b: {  	s10 =	simm.s32 $0x4;
	s6 =	sadd.s32 $0x9C40, s16;
	[dreg:$0x11] =	wrdreg s22  }
0x1c: {  	s12 =	simm.s32 $0x7;
	s17 =	sadd.s32 $0xA, s16;
	[dreg:$0xd] =	wrdreg s6  }
.Ltmp0:
0x1d: {  	s2 =	sadd.s32 $0x9C4A, s16;
	[dreg:$0xe] =	wrdreg s17;
	(pc) =	sbr.rel .LBB2_1-.Ltmp0, $4  }
0x1e: {  	s0 =	sshrl.u32 s24, $0x3;
	s16 =	simm.s32 $0x14190;
	[dreg:$0xf] =	wrdreg s2  }
0x1f: {  	s6 =	sshrl.u32 s25, $0x3;
	s23 =	sadd.s32 s0, s11;
	s25 =	sadd.s32 s26, s11  }
0x20: {  	s26 =	simm.s32 $0x141E0;
	s0 =	simm.s32 $0x1;
	s17 =	simm.s32 $0x191E0  }
0x21: {  	v0 =	vimm.f32 $0.0e+00;
	s24 =	sadd.s32 s6, s11;
	s11 =	simm.s32 $0x5;
	s6 =	simm.s32 $0x0  }
.LBB2_6:
0x22: {  	_ =	swait.ge [sflag:s13], $0x2800  }
0x23: {  	[sflag:s13] =	ssyncset.done $0x0  }
0x24: {  	[sflag:s13] =	ssyncadd.s32 $0xFFFFD800  }
0x25: {  	s2 =	stileid.u32;
	[bflag:$0x0] =	sbarrier.arrive $0xFFFF  }
0x26: {  	s2 =	sshll.u32 s2, $0x6;
	s6 =	rddreg [dreg:$0x4]  }
0x27: {  	s2 =	sor.u32 $0x1C0A, s2;
	s14 =	rddreg [dreg:$0x10];
	s6 =	sshrl.u32 s6, $0x3  }
0x28: {  	[hbm:s14], [sflag:s2] =	dma.local [spmem:s6], $0x2800  }
0x29: {  	_ =	swait.ge [sflag:s28], $0x2800  }
0x2a: {  	s14 =	rddreg [dreg:$0x13]  }
0x2b: {  	s22 =	rddreg [dreg:$0x11];
	s6 =	sadd.s32 $0x1, s14  }
0x2c: {  	p0 =	sne.s32 s6, s22  }
.Ltmp1:
0x2d: {  	_ = 	snop;
	(pc) =	sbr.rel @!p0 .LBB2_7-.Ltmp1, $3  }
0x2e: {  	_ =	sdelay $0x1  }
0x2f: {  	[sflag:s28] =	ssyncset.done $0x0  }
0x30: {  	[sflag:s28] =	ssyncadd.s32 $0xFFFFD800  }
.LBB2_1:
0x31: {  	s22 =	sand.u32 $0xFE00, s4  }
0x32: {  	[dreg:$0x13] =	wrdreg s6;
	s14 =	sand.u32 $0x70, s4;
	s22 =	sshrl.u32 s22, $0x2  }
0x33: {  	s6 =	simm.s32 $0x40;
	s22 =	sor.u32 s14, s22;
	s14 =	simm.s32 $0x0  }
.LBB2_2:
0x34: {  	p0 =	sne.s32 s6, $0x9FC0  }
0x35: {  	[tilespmem:s22+$0x141E0] =	vst v0;
	s14 =	sadd.s32 $0x10, s14;
	s22 =	smov.u32 s6;
	s6 =	sadd.s32 $0x40, s6  }
.Ltmp2:
0x36: {  	(pc) =	sbr.rel @p0 .LBB2_2-.Ltmp2, $4  }
0x37: {  	_ = 	snop  }
0x38: {  	s22 =	sand.u32 $0xFE00, s22  }
0x39: {  	s2 =	sand.u32 $0x70, s14;
	s22 =	sshrl.u32 s22, $0x2  }
0x3a: {  	s22 =	sor.u32 s2, s22  }
0x3b: {  	[tilespmem:s22+$0x141E0] =	vst v0;
	s2 =	rddreg [dreg:$0x4]  }
0x3c: {  	[spmem:s2] =	stream.linear.scatter [tilespmem:s26], [sflag:$0xA], $0x2800, $0x38;
	[tilespmem:$0x1B9E0] =	vst v63  }
0x3d: {  	_ =	swait.ge [sflag:s28], $0x2800  }
0x3e: {  	[sflag:s28] =	ssyncset.done $0x0  }
0x3f: {  	s22 =	rddreg [dreg:$0x5];
	[sflag:s28] =	ssyncadd.s32 $0xFFFFD800  }
0x40: {  	[spmem:s22] =	stream.linear.scatter [tilespmem:s26], [sflag:$0xA], $0x2800, $0x38;
	[tilespmem:$0x1B9E0] =	vst v63  }
0x41: {  	_ =	swait.ge [sflag:s28], $0x2800  }
0x42: {  	[sflag:s28] =	ssyncset.done $0x0  }
0x43: {  	s6 =	rddreg [dreg:$0x6];
	[sflag:s28] =	ssyncadd.s32 $0xFFFFD800  }
0x44: {  	[spmem:s6] =	stream.linear.scatter [tilespmem:s26], [sflag:$0xA], $0x2800, $0x38;
	[tilespmem:$0x1B9E0] =	vst v63  }
0x45: {  	_ =	swait.ge [sflag:s28], $0x2800  }
0x46: {  	[sflag:s28] =	ssyncset.done $0x0  }
0x47: {  	s14 =	rddreg [dreg:$0x7];
	[sflag:s28] =	ssyncadd.s32 $0xFFFFD800  }
0x48: {  	[spmem:s14] =	stream.linear.scatter [tilespmem:s26], [sflag:$0xA], $0x2800, $0x38;
	[tilespmem:$0x1B9E0] =	vst v63  }
0x49: {  	_ =	swait.ge [sflag:s28], $0x2800  }
0x4a: {  	[sflag:s28] =	ssyncset.done $0x0  }
0x4b: {  	s22 =	rddreg [dreg:$0x8];
	[sflag:s28] =	ssyncadd.s32 $0xFFFFD800  }
0x4c: {  	[spmem:s22] =	stream.linear.scatter [tilespmem:s26], [sflag:$0xA], $0x2800, $0x38;
	[tilespmem:$0x1B9E0] =	vst v63  }
0x4d: {  	_ =	swait.ge [sflag:s28], $0x2800  }
0x4e: {  	[sflag:s28] =	ssyncset.done $0x0  }
0x4f: {  	s6 =	rddreg [dreg:$0x9];
	[sflag:s28] =	ssyncadd.s32 $0xFFFFD800  }
0x50: {  	[spmem:s6] =	stream.linear.scatter [tilespmem:s26], [sflag:$0xA], $0x2800, $0x38;
	[tilespmem:$0x1B9E0] =	vst v63  }
0x51: {  	_ =	swait.ge [sflag:s28], $0x2800  }
0x52: {  	[sflag:s28] =	ssyncset.done $0x0  }
0x53: {  	s14 =	rddreg [dreg:$0xa];
	[sflag:s28] =	ssyncadd.s32 $0xFFFFD800  }
0x54: {  	[spmem:s14] =	stream.linear.scatter [tilespmem:s26], [sflag:$0xA], $0x2800, $0x38;
	[tilespmem:$0x1B9E0] =	vst v63  }
0x55: {  	_ =	swait.ge [sflag:s28], $0x2800  }
0x56: {  	[sflag:s28] =	ssyncset.done $0x0  }
0x57: {  	s22 =	rddreg [dreg:$0xb];
	[sflag:s28] =	ssyncadd.s32 $0xFFFFD800  }
0x58: {  	[spmem:s22] =	stream.linear.scatter [tilespmem:s26], [sflag:$0xA], $0x2800, $0x38;
	[tilespmem:$0x1B9E0] =	vst v63  }
0x59: {  	_ =	swait.ge [sflag:s28], $0x2800  }
0x5a: {  	[sflag:s28] =	ssyncset.done $0x0  }
0x5b: {  	[sflag:s28] =	ssyncadd.s32 $0xFFFFD800  }
0x5c: {  	[bflag:$0x0] =	sbarrier.arrive $0xFFFF  }
0x5d: {  	s14 =	simm.s32 $0x0;
	s6 =	rddreg [dreg:$0xc]  }
0x5e: {  	[tilespmem:s29], [sflag:$0x1] =	stream.linear.gather [hbm4b:s6+s14], $0x50, $0x38;
	[tilespmem:$0x1B9E0] =	vst v63  }
0x5f: {  	s22 =	rddreg [dreg:$0xd]  }
0x60: {  	[tilespmem:s30], [sflag:$0x1] =	stream.linear.gather [hbm4b:s22+s14], $0x50, $0x38;
	[tilespmem:$0x1B9E0] =	vst v63  }
0x61: {  	s6 =	rddreg [dreg:$0xe]  }
0x62: {  	[tilespmem:s31], [sflag:$0x2] =	stream.linear.gather [hbm4b:s6+s14], $0x50, $0x38;
	[tilespmem:$0x1B9E0] =	vst v63  }
0x63: {  	s22 =	rddreg [dreg:$0xf]  }
0x64: {  	[tilespmem:s1], [sflag:$0x2] =	stream.linear.gather [hbm4b:s22+s14], $0x50, $0x38;
	[tilespmem:$0x1B9E0] =	vst v63  }
0x65: {  	_ =	swait.ge [sflag:s0], $0x50  }
0x66: {  	[sflag:s0] =	ssyncset.done $0x0  }
0x67: {  	[sflag:s0] =	ssyncadd.s32 $0xFFFFFFB0  }
0x68: {  	_ =	swait.ge [sflag:s0], $0x50  }
0x69: {  	[sflag:s0] =	ssyncset.done $0x0  }
0x6a: {  	s6 =	rddreg [dreg:$0x12];
	[sflag:s0] =	ssyncadd.s32 $0xFFFFFFB0  }
0x6b: {  	[tilespmem:s26], [sflag:$0x4] =	stream.indirect.gather [hbm4b:s5+s7], $0x80, s29, s7, $0xb8;
	[tilespmem:$0x1B9E0] =	vst v63  }
0x6c: {  	s22 =	rddreg [dreg:$0x1]  }
.LBB2_4:
0x6d: {  	_ =	swait.ge [sflag:s8], $0x50  }
0x6e: {  	[sflag:s8] =	ssyncset.done $0x0  }
0x6f: {  	[sflag:s8] =	ssyncadd.s32 $0xFFFFFFB0  }
0x70: {  	_ =	swait.ge [sflag:s8], $0x50  }
0x71: {  	[sflag:s8] =	ssyncset.done $0x0  }
0x72: {  	[sflag:s8] =	ssyncadd.s32 $0xFFFFFFB0  }
0x73: {  	[tilespmem:s9], [sflag:$0x5] =	stream.indirect.gather [hbm4b:s5+s7], $0x80, s31, s7, $0xb8;
	[tilespmem:$0x1B9E0] =	vst v63  }
0x74: {  	_ =	swait.ge [sflag:s10], $0x2800  }
0x75: {  	p0 =	seq.s32 s14, $0x0;
	[sflag:s10] =	ssyncset.done $0x0  }
0x76: {  	s2 =	simm.s32 @!p0 $0x9;
	[sflag:s10] =	ssyncadd.s32 $0xFFFFD800  }
0x77: {  	[spmem:s3] =	stream.indirect.scatter.add.f32 [tilespmem:s26], [sflag:$0x7], $0x80, s30, s7, $0xb8;
	[tilespmem:$0x1B9E0] =	vst v63  }
0x78: {  	p1 =	seq.s32 @!p0 s14, $0x4CE;
	_ =	swait.ge @!p0 [sflag:s2], $0x2800  }
0x79: {  	p1 =	por p0, !p1;
	[sflag:s2] =	ssyncset.done @!p0 $0x0  }
0x7a: {  	[sflag:s2] =	ssyncadd.s32 @!p0 $0xFFFFD800;
	s2 =	sadd.s32 @p1 s14, s24  }
0x7b: {  	[tilespmem:s18], [sflag:$0x3] =	stream.linear.gather @p1 [hbm4b:s2+s4], $0x50, $0x38;
	[tilespmem:$0x1B9E0] =	vst v63  }
0x7c: {  	s2 =	sadd.s32 @p1 s14, s25  }
0x7d: {  	[tilespmem:s16], [sflag:$0x3] =	stream.linear.gather @p1 [hbm4b:s2+s4], $0x50, $0x38;
	[tilespmem:$0x1B9E0] =	vst v63  }
0x7e: {  	_ =	swait.ge @p1 [sflag:s19], $0x50  }
0x7f: {  	[sflag:s19] =	ssyncset.done @p1 $0x0  }
0x80: {  	[sflag:s19] =	ssyncadd.s32 @p1 $0xFFFFFFB0  }
0x81: {  	_ =	swait.ge @p1 [sflag:s19], $0x50  }
0x82: {  	[sflag:s19] =	ssyncset.done @p1 $0x0  }
0x83: {  	[sflag:s19] =	ssyncadd.s32 @p1 $0xFFFFFFB0  }
0x84: {  	[tilespmem:s17], [sflag:$0x6] =	stream.indirect.gather @p1 [hbm4b:s5+s7], $0x80, s18, s7, $0xb8;
	[tilespmem:$0x1B9E0] =	vst v63  }
0x85: {  	_ =	swait.ge [sflag:s11], $0x2800  }
0x86: {  	p0 =	seq.s32 s14, $0x4CE;
	[sflag:s11] =	ssyncset.done $0x0  }
.Ltmp3:
0x87: {  	[sflag:s11] =	ssyncadd.s32 $0xFFFFD800;
	(pc) =	sbr.rel @p0 .LBB2_6-.Ltmp3, $4  }
0x88: {  	[spmem:s3] =	stream.indirect.scatter.add.f32 [tilespmem:s9], [sflag:$0x8], $0x80, s1, s7, $0xb8;
	[tilespmem:$0x1B9E0] =	vst v63  }
0x89: {  	_ =	swait.ge [sflag:s12], $0x2800  }
0x8a: {  	[sflag:s12] =	ssyncset.done $0x0  }
0x8b: {  	[sflag:s12] =	ssyncadd.s32 $0xFFFFD800  }
0x8c: {  	s2 =	sshrl.u32 s6, $0x3  }
0x8d: {  	s2 =	sadd.s32 s22, s2  }
0x8e: {  	[tilespmem:s29], [sflag:$0x1] =	stream.linear.gather [hbm4b:s2+s4], $0x50, $0x38;
	[tilespmem:$0x1B9E0] =	vst v63  }
0x8f: {  	s2 =	sadd.s32 s14, s23  }
0x90: {  	[tilespmem:s30], [sflag:$0x1] =	stream.linear.gather [hbm4b:s2+s4], $0x50, $0x38;
	[tilespmem:$0x1B9E0] =	vst v63  }
0x91: {  	_ =	swait.ge [sflag:s0], $0x50  }
0x92: {  	[sflag:s0] =	ssyncset.done $0x0  }
0x93: {  	[sflag:s0] =	ssyncadd.s32 $0xFFFFFFB0  }
0x94: {  	_ =	swait.ge [sflag:s0], $0x50  }
0x95: {  	[sflag:s0] =	ssyncset.done $0x0  }
0x96: {  	[sflag:s0] =	ssyncadd.s32 $0xFFFFFFB0  }
0x97: {  	[tilespmem:s26], [sflag:$0x4] =	stream.indirect.gather [hbm4b:s5+s7], $0x80, s29, s7, $0xb8;
	[tilespmem:$0x1B9E0] =	vst v63  }
0x98: {  	_ =	swait.ge [sflag:s15], $0x2800  }
0x99: {  	[sflag:s15] =	ssyncset.done $0x0  }
0x9a: {  	[sflag:s15] =	ssyncadd.s32 $0xFFFFD800  }
0x9b: {  	[spmem:s3] =	stream.indirect.scatter.add.f32 [tilespmem:s17], [sflag:$0x9], $0x80, s16, s7, $0xb8;
	[tilespmem:$0x1B9E0] =	vst v63  }
0x9c: {  	_ =	swait.ge [sflag:s13], $0x2800  }
.Ltmp4:
0x9d: {  	[sflag:s13] =	ssyncset.done $0x0;
	(pc) =	sbr.rel .LBB2_4-.Ltmp4, $4  }
0x9e: {  	s2 =	sadd.s32 s14, s20;
	[sflag:s13] =	ssyncadd.s32 $0xFFFFD800  }
0x9f: {  	[tilespmem:s31], [sflag:$0x2] =	stream.linear.gather [hbm4b:s2+s4], $0x50, $0x38;
	[tilespmem:$0x1B9E0] =	vst v63  }
0xa0: {  	s6 =	sadd.s32 $0xF0, s6;
	s2 =	sadd.s32 s14, s21;
	s14 =	sadd.s32 $0x1E, s14  }
0xa1: {  	[tilespmem:s1], [sflag:$0x2] =	stream.linear.gather [hbm4b:s2+s4], $0x50, $0x38;
	[tilespmem:$0x1B9E0] =	vst v63  }
.LBB2_7:
0xa2: {  	_ =	sfence.sel $0x180000  }
0xa3: {  	[bflag:$0x0] =	sbarrier.arrive $0xFFFF  }
0xa4: {  	_ =	strace $0x9000004A  }
0xa5: {  	s0 =	stileid.u32;
	[bflag:$0x2] =	sbarrier.arrive $0xFFFF  }
0xa6: {  	p0 =	sne.s32 s0, $0x0;
	s0 =	rddreg [dreg:$0x3]  }
0xa7: {  	s0 =	sadd.s32 @!p0 $0x100000, s0  }
0xa8: {  	[sflag:s0] =	ssyncadd.tile.s32 @!p0 $0x1;
	_ =	shalt  }
.Lfunc_end2:
_tile_overlayer_lowered:
.L_overlay_start_2:
0xa9: {  	(tag) =	ssettag $0x2  }
0xaa: {  	s0 =	rddreg [dreg:$0x0];
	s2 =	stileid.u32  }
0xab: {  	s1 =	rddreg [dreg:$0x1];
	p0 =	sne.s32 s2, $0x0  }
0xac: {  	s3 =	rddreg [dreg:$0x2];
	[bflag:$0x3] =	sbarrier.arrive $0xFFFF;
	s2 =	simm.s32 @!p0 $0x1C0A  }
0xad: {  	[timem:s3], [sflag:s2] =	dma.local @!p0 [hbm:s0], s1  }
0xae: {  	s0 =	simm.s32 @!p0 $0xA  }
0xaf: {  	_ =	swait.ge @!p0 [sflag:s0], s1  }
0xb0: {  	s1 =	ssub.s32 @!p0 $0x0, s1;
	[sflag:s0] =	ssyncset.done @!p0 $0x0  }
0xb1: {  	[sflag:s0] =	ssyncadd.s32 @!p0 s1  }
0xb2: {  	[bflag:$0x3] =	sbarrier.arrive $0xFFFF  }
0xb3: {  	_ =	shalt  }

</sc_bundles>
